<compile_context>
chip_gen: v7x
topology: tpu7x:2x2x1
jax: 0.10.2.dev20260603
libtpu: 0.0.44.dev20260713+nightly
codegen_flags: <defaults>
</compile_context>

<pallas_src>
import functools

import jax
import jax.numpy as jnp
from jax import lax
from jax.experimental import pallas as pl
from jax.experimental.pallas import tpu as pltpu
from jax.experimental.pallas import tpu_sc as plsc

N = 10000
E = 320000
IN = 128
H = 4
C = 32
HD = H * C
ED = 16
AD = 2 * HD

NC = 2
NS = 16
HALF = 5120
AROWS = 5376
AR2 = 2 * AROWS
TRASH = HALF
K = 40
ESUB = E // NS
NCHUNK = ESUB // K
RSUB = AR2 // NS



def _proj_pair(h, Wl, bl, Wr, br, br_rows=1000):
    M, D = h.shape
    grid = M // br_rows

    def body(h_ref, wl_ref, bl_ref, wr_ref, brr_ref, xla_ref, xr_ref):
        hh = h_ref[...]
        xla_ref[...] = jnp.dot(hh, wl_ref[...], preferred_element_type=jnp.float32) + bl_ref[...]
        xr_ref[...] = jnp.dot(hh, wr_ref[...], preferred_element_type=jnp.float32) + brr_ref[...]

    return pl.pallas_call(
        body,
        grid=(grid,),
        in_specs=[
            pl.BlockSpec((br_rows, D), lambda i: (i, 0)),
            pl.BlockSpec((D, HD), lambda i: (0, 0)),
            pl.BlockSpec((1, HD), lambda i: (0, 0)),
            pl.BlockSpec((D, HD), lambda i: (0, 0)),
            pl.BlockSpec((1, HD), lambda i: (0, 0)),
        ],
        out_specs=[
            pl.BlockSpec((br_rows, HD), lambda i: (i, 0)),
            pl.BlockSpec((br_rows, HD), lambda i: (i, 0)),
        ],
        out_shape=[
            jax.ShapeDtypeStruct((M, HD), jnp.float32),
            jax.ShapeDtypeStruct((M, HD), jnp.float32),
        ],
    )(h, Wl, bl.reshape(1, HD), Wr, br.reshape(1, HD))


def _edge_proj(ea, We0, We1, dst, br_rows=4000):
    grid = E // br_rows
    rows3 = E // br_rows

    def body(ea_ref, dst_ref, w0_ref, w1_ref, e0_ref, e1_ref, d0a_ref, d0b_ref, d1a_ref, d1b_ref):
        a = ea_ref[...]
        e0_ref[...] = jnp.dot(a, w0_ref[...], preferred_element_type=jnp.float32)
        e1_ref[...] = jnp.dot(a, w1_ref[...], preferred_element_type=jnp.float32)
        d = dst_ref[...]
        l0 = jnp.where(d < HALF, d, TRASH)
        l1r = d - HALF
        l1 = jnp.where(l1r >= 0, l1r, TRASH)
        d0a_ref[...] = 2 * l0
        d0b_ref[...] = 2 * l0 + 1
        d1a_ref[...] = 2 * l1
        d1b_ref[...] = 2 * l1 + 1

    ee0, ee1, d0a, d0b, d1a, d1b = pl.pallas_call(
        body,
        grid=(grid,),
        in_specs=[
            pl.BlockSpec((br_rows, ED), lambda i: (i, 0)),
            pl.BlockSpec((1, 1, br_rows), lambda i: (i, 0, 0)),
            pl.BlockSpec((ED, HD), lambda i: (0, 0)),
            pl.BlockSpec((ED, HD), lambda i: (0, 0)),
        ],
        out_specs=[
            pl.BlockSpec((br_rows, HD), lambda i: (i, 0)),
            pl.BlockSpec((br_rows, HD), lambda i: (i, 0)),
            pl.BlockSpec((1, 1, br_rows), lambda i: (i, 0, 0)),
            pl.BlockSpec((1, 1, br_rows), lambda i: (i, 0, 0)),
            pl.BlockSpec((1, 1, br_rows), lambda i: (i, 0, 0)),
            pl.BlockSpec((1, 1, br_rows), lambda i: (i, 0, 0)),
        ],
        out_shape=[jax.ShapeDtypeStruct((E, HD), jnp.float32)] * 2
        + [jax.ShapeDtypeStruct((grid, 1, br_rows), jnp.int32)] * 4,
    )(ea, dst.reshape(grid, 1, br_rows), We0, We1)
    dlocA = jnp.concatenate([d0a.reshape(E), d1a.reshape(E)])
    dlocB = jnp.concatenate([d0b.reshape(E), d1b.reshape(E)])
    return ee0, ee1, dlocA, dlocB


def _post(num, den, b, g, beta, proj=None, br_rows=1000):
    grid = N // br_rows

    def body(num_ref, den_ref, b_ref, g_ref, beta_ref, *rest):
        nsum = num_ref[...]
        den8 = den_ref[...]
        hi = lax.broadcasted_iota(jnp.int32, (8, HD), 0)
        fi = lax.broadcasted_iota(jnp.int32, (8, HD), 1) // C
        sel = (hi == fi).astype(jnp.float32)
        denr = jnp.dot(den8, sel, preferred_element_type=jnp.float32)
        out = jnp.where(denr > 0, nsum / jnp.maximum(denr, 1e-30), 0.0) + b_ref[...]
        mu = jnp.mean(out, axis=-1, keepdims=True)
        var = jnp.mean((out - mu) ** 2, axis=-1, keepdims=True)
        out = (out - mu) * lax.rsqrt(var + 1e-5) * g_ref[...] + beta_ref[...]
        out = jnp.where(out > 0, out, jnp.exp(jnp.minimum(out, 0.0)) - 1.0)
        if proj is None:
            rest[0][...] = out
        else:
            wl_ref, bl_ref, wr_ref, brr_ref, xla_ref, xr_ref = rest
            xla_ref[...] = jnp.dot(out, wl_ref[...], preferred_element_type=jnp.float32) + bl_ref[...]
            xr_ref[...] = jnp.dot(out, wr_ref[...], preferred_element_type=jnp.float32) + brr_ref[...]

    in_specs = [
        pl.BlockSpec((br_rows, HD), lambda i: (i, 0)),
        pl.BlockSpec((br_rows, 8), lambda i: (i, 0)),
        pl.BlockSpec((1, HD), lambda i: (0, 0)),
        pl.BlockSpec((1, HD), lambda i: (0, 0)),
        pl.BlockSpec((1, HD), lambda i: (0, 0)),
    ]
    args = [num, den, b.reshape(1, HD), g.reshape(1, HD), beta.reshape(1, HD)]
    if proj is None:
        out_specs = [pl.BlockSpec((br_rows, HD), lambda i: (i, 0))]
        out_shape = [jax.ShapeDtypeStruct((N, HD), jnp.float32)]
    else:
        Wl, bl, Wr, br = proj
        in_specs += [
            pl.BlockSpec((HD, HD), lambda i: (0, 0)),
            pl.BlockSpec((1, HD), lambda i: (0, 0)),
            pl.BlockSpec((HD, HD), lambda i: (0, 0)),
            pl.BlockSpec((1, HD), lambda i: (0, 0)),
        ]
        args += [Wl, bl.reshape(1, HD), Wr, br.reshape(1, HD)]
        out_specs = [
            pl.BlockSpec((br_rows, HD), lambda i: (i, 0)),
            pl.BlockSpec((br_rows, HD), lambda i: (i, 0)),
        ]
        out_shape = [jax.ShapeDtypeStruct((N, HD), jnp.float32)] * 2

    return pl.pallas_call(
        body,
        grid=(grid,),
        in_specs=in_specs,
        out_specs=out_specs,
        out_shape=out_shape,
    )(*args)



_mesh = plsc.VectorSubcoreMesh(core_axis_name="c", subcore_axis_name="s")


@functools.partial(
    pl.kernel,
    mesh=_mesh,
    out_type=[jax.ShapeDtypeStruct((NC, AR2, HD), jnp.float32)],
    scratch_types=[
        pltpu.VMEM((K,), jnp.int32),
        pltpu.VMEM((K,), jnp.int32),
        pltpu.VMEM((NC * NS, K), jnp.int32),
        pltpu.VMEM((NC * NS, K), jnp.int32),
        pltpu.VMEM((K, HD), jnp.float32),
        pltpu.VMEM((K, HD), jnp.float32),
        pltpu.VMEM((K, HD), jnp.float32),
        pltpu.VMEM((K, HD), jnp.float32),
        pltpu.VMEM((HD,), jnp.float32),
        pltpu.VMEM_SHARED((AR2, HD), jnp.float32),
        pltpu.SemaphoreType.DMA,
        pltpu.SemaphoreType.DMA,
        pltpu.SemaphoreType.DMA,
        pltpu.SemaphoreType.DMA,
        pltpu.SemaphoreType.DMA,
    ],
)
def _sc_edge_pass(src_hbm, dst_hbm, dlocA_hbm, dlocB_hbm, xla_hbm, xr_hbm,
                  ee_hbm, att_hbm, zer_hbm, acc_out,
                  srcv, dstv, dst2vA, dst2vB, xjv, xiv, eev, env, attv, acc_sh,
                  sem1, sem2, sem3, sem4, sem5):
    cid = lax.axis_index("c")
    sid = lax.axis_index("s")
    wid = sid * NC + cid
    rbase = sid * RSUB

    pltpu.sync_copy(zer_hbm.at[pl.ds(0, RSUB)], acc_sh.at[pl.ds(rbase, RSUB)])
    pltpu.sync_copy(zer_hbm.at[pl.ds(0, K)], env)
    pltpu.sync_copy(att_hbm, attv)
    plsc.subcore_barrier()

    att_regs = [attv[pl.ds(j * 16, 16)] for j in range(8)]
    lane = lax.broadcasted_iota(jnp.int32, (16,), 0)
    perms = [lane ^ (1 << p) for p in range(4)]
    ebase = sid * ESUB

    gdn = lax.GatherDimensionNumbers(
        offset_dims=(), collapsed_slice_dims=(0,), start_index_map=(0,))

    def _allsum(v):
        for p in perms:
            v = v + lax.gather(v, p[:, None], dimension_numbers=gdn,
                               slice_sizes=(1,),
                               mode=lax.GatherScatterMode.PROMISE_IN_BOUNDS)
        return v

    def chunk_body(i, carry):
        base = ebase + i * K
        ci1 = pltpu.async_copy(src_hbm.at[pl.ds(base, K)], srcv, sem1)
        ci2 = pltpu.async_copy(dst_hbm.at[pl.ds(base, K)], dstv, sem2)
        ci3 = pltpu.async_copy(dlocA_hbm.at[pl.ds(cid * E + base, K)],
                               dst2vA.at[wid], sem3)
        ci4 = pltpu.async_copy(dlocB_hbm.at[pl.ds(cid * E + base, K)],
                               dst2vB.at[wid], sem4)
        cp3 = pltpu.async_copy(ee_hbm.at[pl.ds(base, K)], eev, sem5)
        ci1.wait()
        cp1 = pltpu.async_copy(xla_hbm.at[srcv], xjv, sem1)
        ci2.wait()
        cp2 = pltpu.async_copy(xr_hbm.at[dstv], xiv, sem2)
        ci3.wait()
        ci4.wait()
        cp1.wait()
        cp2.wait()
        cp3.wait()

        def edge_body(k, carry2):
            xjs = []
            ts = []
            for j in range(8):
                xjj = xjv[k, pl.ds(j * 16, 16)]
                s = xiv[k, pl.ds(j * 16, 16)] + xjj + eev[k, pl.ds(j * 16, 16)]
                s = jnp.maximum(s, s * 0.2)
                xjs.append(xjj)
                ts.append(s * att_regs[j])
            erow = jnp.zeros((16,), jnp.float32)
            for h in range(4):
                a = _allsum(ts[2 * h] + ts[2 * h + 1])
                a = jnp.minimum(jnp.maximum(a, -60.0), 60.0)
                evec = jnp.exp(a)
                xjv[k, pl.ds(2 * h * 16, 16)] = xjs[2 * h] * evec
                xjv[k, pl.ds((2 * h + 1) * 16, 16)] = xjs[2 * h + 1] * evec
                erow = erow + jnp.where(lane == h, evec, 0.0)
            env[k, pl.ds(0, 16)] = erow
            return carry2

        lax.fori_loop(0, K, edge_body, 0)

        cs1 = pltpu.async_copy(xjv, acc_sh.at[dst2vA.at[wid]], sem3, add=True)
        cs2 = pltpu.async_copy(env, acc_sh.at[dst2vB.at[wid]], sem4, add=True)
        cs1.wait()
        cs2.wait()
        return carry

    lax.fori_loop(0, NCHUNK, chunk_body, 0)
    plsc.subcore_barrier()

    pltpu.sync_copy(acc_sh.at[pl.ds(rbase, RSUB)], acc_out.at[cid, pl.ds(rbase, RSUB)])



def kernel(x, edge_index, edge_attr, Wl0, bl0, Wr0, br0, We0, att0, b0, g0, beta0,
           Wl1, bl1, Wr1, br1, We1, att1, b1, g1, beta1):
    src = edge_index[0]
    dst = edge_index[1]
    ea = edge_attr.astype(jnp.float32)

    xla0, xr0 = _proj_pair(x, Wl0, bl0, Wr0, br0)
    ee0, ee1, dlocA, dlocB = _edge_proj(ea, We0, We1, dst)

    zer = jnp.zeros((AR2 // NS, HD), jnp.float32)

    def assemble(acc):
        a3 = acc[:, :2 * HALF].reshape(NC, HALF, 2, HD)
        num = jnp.concatenate([a3[0, :, 0], a3[1, :, 0]], axis=0)[:N]
        den = jnp.concatenate([a3[0, :, 1], a3[1, :, 1]], axis=0)[:N, :8]
        return num, den

    (acc0,) = _sc_edge_pass(src, dst, dlocA, dlocB, xla0, xr0, ee0,
                            att0.reshape(HD), zer)
    num0, den0 = assemble(acc0)
    xla1, xr1 = _post(num0, den0, b0, g0, beta0, proj=(Wl1, bl1, Wr1, br1))
    (acc1,) = _sc_edge_pass(src, dst, dlocA, dlocB, xla1, xr1, ee1,
                            att1.reshape(HD), zer)
    num1, den1 = assemble(acc1)
    (h2,) = _post(num1, den1, b1, g1, beta1, proj=None)
    return h2

# --- scband reference (transcript-rebuilt; emitter-appended) ---
"""Pipeline reference for scband-level2-gatencoder-20117626814923 (READ-ONLY COPY).

The authoritative reference and input builder live on the scoring server;
editing this copy changes nothing except your own understanding.
"""

import jax, jax.numpy as jnp
import numpy as np

N = 10000
E = 320000
IN = 128
H = 4
C = 32
HD = H * C
ED = 16


def _p(key, i, shape, scale=0.1):
    return jax.random.normal(jax.random.fold_in(key, i), shape, dtype=jnp.float32) * scale


def setup_inputs(seed: int = 0) -> dict:
    key = jax.random.key(seed)
    inp = {}
    inp["x"] = jax.random.normal(jax.random.fold_in(key, 0), (N, IN), dtype=jnp.float32)
    inp["edge_index"] = jax.random.randint(jax.random.fold_in(key, 1), (2, E), 0, N)
    inp["edge_attr"] = jax.random.normal(jax.random.fold_in(key, 2), (E, ED), dtype=jnp.float32)
    i = 10
    for l, ind in ((0, IN), (1, HD)):
        inp[f"Wl{l}"] = _p(key, i, (ind, HD)); i += 1
        inp[f"bl{l}"] = jnp.zeros((HD,), dtype=jnp.float32)
        inp[f"Wr{l}"] = _p(key, i, (ind, HD)); i += 1
        inp[f"br{l}"] = jnp.zeros((HD,), dtype=jnp.float32)
        inp[f"We{l}"] = _p(key, i, (ED, HD)); i += 1
        inp[f"att{l}"] = _p(key, i, (H, C)); i += 1
        inp[f"b{l}"] = jnp.zeros((HD,), dtype=jnp.float32)
        inp[f"g{l}"] = jnp.ones((HD,), dtype=jnp.float32)
        inp[f"beta{l}"] = jnp.zeros((HD,), dtype=jnp.float32)
    return inp


def _gatv2_layer(h, src, dst, ea, Wl, bl, Wr, br, We, att, b, g, beta):
    # PyG GATv2Conv semantics (concat=True, negative_slope=0.2, eval mode)
    xl = h @ Wl + bl
    xr = h @ Wr + br
    xj = xl[src].reshape(-1, H, C)   # messages from source (lin_l)
    xi = xr[dst].reshape(-1, H, C)   # destination (lin_r)
    ee = (ea @ We).reshape(-1, H, C)
    s = xi + xj + ee
    s = jnp.where(s > 0, s, 0.2 * s)                  # leaky_relu
    a = (s * att[None, :, :]).sum(-1)                 # [E, H]
    m = jax.ops.segment_max(a, dst, num_segments=N)
    a = jnp.exp(a - m[dst])
    dsum = jax.ops.segment_sum(a, dst, num_segments=N)
    a = a / (dsum[dst] + 1e-16)
    out = jax.ops.segment_sum((xj * a[:, :, None]).reshape(-1, HD), dst, num_segments=N) + b
    # LayerNorm
    mu = out.mean(-1, keepdims=True)
    var = ((out - mu) ** 2).mean(-1, keepdims=True)
    out = (out - mu) / jnp.sqrt(var + 1e-5) * g + beta
    # ELU (dropout p handled in eval -> identity)
    return jnp.where(out > 0, out, jnp.expm1(out))


def reference(x, edge_index, edge_attr, Wl0, bl0, Wr0, br0, We0, att0, b0, g0, beta0, Wl1, bl1, Wr1, br1, We1, att1, b1, g1, beta1):
    src = edge_index[0]
    dst = edge_index[1]
    ea = edge_attr.astype(jnp.float32)
    h = _gatv2_layer(x, src, dst, ea, Wl0, bl0, Wr0, br0, We0, att0, b0, g0, beta0)
    h = _gatv2_layer(h, src, dst, ea, Wl1, bl1, Wr1, br1, We1, att1, b1, g1, beta1)
    return h

if __name__ == "__main__":
    import jax
    _d = setup_inputs()
    print(jax.jit(kernel)(*tuple(_d.values())))

</pallas_src>

<mosaic_0001>
#map = affine_map<(d0, d1) -> (0)>
#map1 = affine_map<(d0, d1) -> (0, 0)>
#map2 = affine_map<(d0, d1) -> (0, 0, 0)>
module attributes {stable_mosaic.version = 14 : i64} {
  func.func @_sc_edge_pass(%arg0: i32, %arg1: i32, %arg2: memref<320000xi32, #tpu.memory_space<hbm>>, %arg3: memref<320000xi32, #tpu.memory_space<hbm>>, %arg4: memref<640000xi32, #tpu.memory_space<hbm>>, %arg5: memref<640000xi32, #tpu.memory_space<hbm>>, %arg6: memref<10000x128xf32, #tpu.memory_space<hbm>>, %arg7: memref<10000x128xf32, #tpu.memory_space<hbm>>, %arg8: memref<320000x128xf32, #tpu.memory_space<hbm>>, %arg9: memref<128xf32, #tpu.memory_space<hbm>>, %arg10: memref<672x128xf32, #tpu.memory_space<hbm>>, %arg11: memref<2x10752x128xf32, #tpu.memory_space<hbm>>, %arg12: memref<40xi32, #tpu.memory_space<vmem>>, %arg13: memref<40xi32, #tpu.memory_space<vmem>>, %arg14: memref<32x40xi32, #tpu.memory_space<vmem>>, %arg15: memref<32x40xi32, #tpu.memory_space<vmem>>, %arg16: memref<40x128xf32, #tpu.memory_space<vmem>>, %arg17: memref<40x128xf32, #tpu.memory_space<vmem>>, %arg18: memref<40x128xf32, #tpu.memory_space<vmem>>, %arg19: memref<40x128xf32, #tpu.memory_space<vmem>>, %arg20: memref<128xf32, #tpu.memory_space<vmem>>, %arg21: memref<10752x128xf32, #tpu.memory_space<vmem_shared>>, %arg22: memref<!tpu.dma_semaphore, #tpu.memory_space<semaphore_mem>>, %arg23: memref<!tpu.dma_semaphore, #tpu.memory_space<semaphore_mem>>, %arg24: memref<!tpu.dma_semaphore, #tpu.memory_space<semaphore_mem>>, %arg25: memref<!tpu.dma_semaphore, #tpu.memory_space<semaphore_mem>>, %arg26: memref<!tpu.dma_semaphore, #tpu.memory_space<semaphore_mem>>) attributes {dimension_semantics = [#tpu.dimension_semantics<core_parallel>, #tpu.dimension_semantics<subcore_parallel>], iteration_bounds = array<i64: 2, 16>, scalar_prefetch = 0 : i64, scratch_operands = 15 : i64, tpu.core_type = #tpu.core_type<sc_vector_subcore>, window_params = [{transform_indices = #map}, {transform_indices = #map}, {transform_indices = #map}, {transform_indices = #map}, {transform_indices = #map1}, {transform_indices = #map1}, {transform_indices = #map1}, {transform_indices = #map}, {transform_indices = #map1}, {transform_indices = #map2}]} {
    %mul3A = arith.constant 2 : i32
    %mul3A_0 = arith.muli %arg1, %mul3A : i32
    %add3A = arith.addi %mul3A_0, %arg0 : i32
    %mul3A_1 = arith.constant 672 : i32
    %mul3A_2 = arith.muli %arg1, %mul3A_1 : i32
    "tpu.region"() ({
      %run_scoped3A = tpu.sem_alloc : memref<!tpu.dma_semaphore, #tpu.memory_space<semaphore_mem>>
      %dma_start3A = arith.constant 0 : i32
      %dma_start3A_45 = tpu.memref_slice %arg21[%mul3A_2, %dma_start3A] : memref<10752x128xf32, #tpu.memory_space<vmem_shared>> -> memref<672x128xf32, #tpu.memory_space<vmem_shared>>
      %dma_start3A_46 = arith.constant 0 : i32
      %dma_start3A_47 = arith.constant 0 : i32
      %dma_start3A_48 = tpu.memref_slice %arg10[%dma_start3A_46, %dma_start3A_47] : memref<672x128xf32, #tpu.memory_space<hbm>> -> memref<672x128xf32, #tpu.memory_space<hbm>>
      tpu.enqueue_dma source(%dma_start3A_48 : memref<672x128xf32, #tpu.memory_space<hbm>>) target(%dma_start3A_45 : memref<672x128xf32, #tpu.memory_space<vmem_shared>>) target_semaphore(%run_scoped3A : memref<!tpu.dma_semaphore, #tpu.memory_space<semaphore_mem>>)
      %dma_wait3A = arith.constant 0 : i32
      %dma_wait3A_49 = tpu.memref_slice %arg21[%mul3A_2, %dma_wait3A] : memref<10752x128xf32, #tpu.memory_space<vmem_shared>> -> memref<672x128xf32, #tpu.memory_space<vmem_shared>>
      %dma_wait3A_50 = arith.constant 0 : i32
      %dma_wait3A_51 = arith.constant 0 : i32
      %dma_wait3A_52 = tpu.memref_slice %arg10[%dma_wait3A_50, %dma_wait3A_51] : memref<672x128xf32, #tpu.memory_space<hbm>> -> memref<672x128xf32, #tpu.memory_space<hbm>>
      tpu.wait_dma2 semaphore(%run_scoped3A : memref<!tpu.dma_semaphore, #tpu.memory_space<semaphore_mem>>) src(%dma_wait3A_52 : memref<672x128xf32, #tpu.memory_space<hbm>>) dst(%dma_wait3A_49 : memref<672x128xf32, #tpu.memory_space<vmem_shared>>)
      tpu.yield
    }) : () -> ()
    "tpu.region"() ({
      %run_scoped3A = tpu.sem_alloc : memref<!tpu.dma_semaphore, #tpu.memory_space<semaphore_mem>>
      %dma_start3A = arith.constant 0 : i32
      %dma_start3A_45 = arith.constant 0 : i32
      %dma_start3A_46 = tpu.memref_slice %arg10[%dma_start3A, %dma_start3A_45] : memref<672x128xf32, #tpu.memory_space<hbm>> -> memref<40x128xf32, #tpu.memory_space<hbm>>
      %dma_start3A_47 = arith.constant 0 : i32
      %dma_start3A_48 = arith.constant 0 : i32
      %dma_start3A_49 = tpu.memref_slice %arg10[%dma_start3A_47, %dma_start3A_48] : memref<672x128xf32, #tpu.memory_space<hbm>> -> memref<40x128xf32, #tpu.memory_space<hbm>>
      tpu.enqueue_dma source(%dma_start3A_49 : memref<40x128xf32, #tpu.memory_space<hbm>>) target(%arg19 : memref<40x128xf32, #tpu.memory_space<vmem>>) target_semaphore(%run_scoped3A : memref<!tpu.dma_semaphore, #tpu.memory_space<semaphore_mem>>)
      %dma_wait3A = arith.constant 0 : i32
      %dma_wait3A_50 = arith.constant 0 : i32
      %dma_wait3A_51 = tpu.memref_slice %arg10[%dma_wait3A, %dma_wait3A_50] : memref<672x128xf32, #tpu.memory_space<hbm>> -> memref<40x128xf32, #tpu.memory_space<hbm>>
      %dma_wait3A_52 = arith.constant 0 : i32
      %dma_wait3A_53 = arith.constant 0 : i32
      %dma_wait3A_54 = tpu.memref_slice %arg10[%dma_wait3A_52, %dma_wait3A_53] : memref<672x128xf32, #tpu.memory_space<hbm>> -> memref<40x128xf32, #tpu.memory_space<hbm>>
      tpu.wait_dma2 semaphore(%run_scoped3A : memref<!tpu.dma_semaphore, #tpu.memory_space<semaphore_mem>>) src(%dma_wait3A_54 : memref<40x128xf32, #tpu.memory_space<hbm>>) dst(%arg19 : memref<40x128xf32, #tpu.memory_space<vmem>>)
      tpu.yield
    }) : () -> ()
    "tpu.region"() ({
      %run_scoped3A = tpu.sem_alloc : memref<!tpu.dma_semaphore, #tpu.memory_space<semaphore_mem>>
      tpu.enqueue_dma source(%arg9 : memref<128xf32, #tpu.memory_space<hbm>>) target(%arg20 : memref<128xf32, #tpu.memory_space<vmem>>) target_semaphore(%run_scoped3A : memref<!tpu.dma_semaphore, #tpu.memory_space<semaphore_mem>>)
      tpu.wait_dma2 semaphore(%run_scoped3A : memref<!tpu.dma_semaphore, #tpu.memory_space<semaphore_mem>>) src(%arg9 : memref<128xf32, #tpu.memory_space<hbm>>) dst(%arg20 : memref<128xf32, #tpu.memory_space<vmem>>)
      tpu.yield
    }) : () -> ()
    %barrier3A = arith.constant 0 : index
    tpu.barrier barrier_id(%barrier3A)
    %get3A = arith.constant 0 : index
    %get3A_3 = tpu.vector_load %arg20[%get3A] {strides = array<i32>} : memref<128xf32, #tpu.memory_space<vmem>>, vector<16xf32>,
    %get3A_4 = vector.shape_cast %get3A_3 : vector<16xf32> to vector<16xf32>
    %get3A_5 = arith.constant 16 : index
    %get3A_6 = tpu.vector_load %arg20[%get3A_5] {strides = array<i32>} : memref<128xf32, #tpu.memory_space<vmem>>, vector<16xf32>,
    %get3A_7 = vector.shape_cast %get3A_6 : vector<16xf32> to vector<16xf32>
    %get3A_8 = arith.constant 32 : index
    %get3A_9 = tpu.vector_load %arg20[%get3A_8] {strides = array<i32>} : memref<128xf32, #tpu.memory_space<vmem>>, vector<16xf32>,
    %get3A_10 = vector.shape_cast %get3A_9 : vector<16xf32> to vector<16xf32>
    %get3A_11 = arith.constant 48 : index
    %get3A_12 = tpu.vector_load %arg20[%get3A_11] {strides = array<i32>} : memref<128xf32, #tpu.memory_space<vmem>>, vector<16xf32>,
    %get3A_13 = vector.shape_cast %get3A_12 : vector<16xf32> to vector<16xf32>
    %get3A_14 = arith.constant 64 : index
    %get3A_15 = tpu.vector_load %arg20[%get3A_14] {strides = array<i32>} : memref<128xf32, #tpu.memory_space<vmem>>, vector<16xf32>,
    %get3A_16 = vector.shape_cast %get3A_15 : vector<16xf32> to vector<16xf32>
    %get3A_17 = arith.constant 80 : index
    %get3A_18 = tpu.vector_load %arg20[%get3A_17] {strides = array<i32>} : memref<128xf32, #tpu.memory_space<vmem>>, vector<16xf32>,
    %get3A_19 = vector.shape_cast %get3A_18 : vector<16xf32> to vector<16xf32>
    %get3A_20 = arith.constant 96 : index
    %get3A_21 = tpu.vector_load %arg20[%get3A_20] {strides = array<i32>} : memref<128xf32, #tpu.memory_space<vmem>>, vector<16xf32>,
    %get3A_22 = vector.shape_cast %get3A_21 : vector<16xf32> to vector<16xf32>
    %get3A_23 = arith.constant 112 : index
    %get3A_24 = tpu.vector_load %arg20[%get3A_23] {strides = array<i32>} : memref<128xf32, #tpu.memory_space<vmem>>, vector<16xf32>,
    %get3A_25 = vector.shape_cast %get3A_24 : vector<16xf32> to vector<16xf32>
    %iota3A = tpu.iota {dimensions = array<i32: 0>} : vector<16xi32>
    %xor3A = arith.constant 1 : i32
    %xor3A_26 = vector.broadcast %xor3A : i32 to vector<16xi32>
    %xor3A_27 = arith.xori %iota3A, %xor3A_26 : vector<16xi32>
    %xor3A_28 = arith.constant 2 : i32
    %xor3A_29 = vector.broadcast %xor3A_28 : i32 to vector<16xi32>
    %xor3A_30 = arith.xori %iota3A, %xor3A_29 : vector<16xi32>
    %xor3A_31 = arith.constant 4 : i32
    %xor3A_32 = vector.broadcast %xor3A_31 : i32 to vector<16xi32>
    %xor3A_33 = arith.xori %iota3A, %xor3A_32 : vector<16xi32>
    %xor3A_34 = arith.constant 8 : i32
    %xor3A_35 = vector.broadcast %xor3A_34 : i32 to vector<16xi32>
    %xor3A_36 = arith.xori %iota3A, %xor3A_35 : vector<16xi32>
    %mul3A_37 = arith.constant 20000 : i32
    %mul3A_38 = arith.muli %arg1, %mul3A_37 : i32
    %scan3A = arith.constant 0 : i32
    %scan3A_39 = arith.constant 0 : i32
    %scan3A_40 = arith.constant 500 : i32
    %scan3A_41 = arith.addi %scan3A_39, %scan3A_40 : i32
    %scan3A_42 = arith.constant 1 : i32
    scf.for %scan3A_45 = %scan3A_39 to %scan3A_41 step %scan3A_42  : i32 {
      %mul3A_46 = arith.constant 40 : i32
      %mul3A_47 = arith.muli %scan3A_45, %mul3A_46 : i32
      %add3A_48 = arith.addi %mul3A_38, %mul3A_47 : i32
      %dma_start3A = tpu.memref_slice %arg2[%add3A_48] : memref<320000xi32, #tpu.memory_space<hbm>> -> memref<40xi32, #tpu.memory_space<hbm>>
      %dma_start3A_49 = tpu.memref_slice %arg2[%add3A_48] : memref<320000xi32, #tpu.memory_space<hbm>> -> memref<40xi32, #tpu.memory_space<hbm>>
      tpu.enqueue_dma source(%dma_start3A_49 : memref<40xi32, #tpu.memory_space<hbm>>) target(%arg12 : memref<40xi32, #tpu.memory_space<vmem>>) target_semaphore(%arg22 : memref<!tpu.dma_semaphore, #tpu.memory_space<semaphore_mem>>)
      %dma_start3A_50 = tpu.memref_slice %arg3[%add3A_48] : memref<320000xi32, #tpu.memory_space<hbm>> -> memref<40xi32, #tpu.memory_space<hbm>>
      %dma_start3A_51 = tpu.memref_slice %arg3[%add3A_48] : memref<320000xi32, #tpu.memory_space<hbm>> -> memref<40xi32, #tpu.memory_space<hbm>>
      tpu.enqueue_dma source(%dma_start3A_51 : memref<40xi32, #tpu.memory_space<hbm>>) target(%arg13 : memref<40xi32, #tpu.memory_space<vmem>>) target_semaphore(%arg23 : memref<!tpu.dma_semaphore, #tpu.memory_space<semaphore_mem>>)
      %mul3A_52 = arith.constant 320000 : i32
      %mul3A_53 = arith.muli %arg0, %mul3A_52 : i32
      %add3A_54 = arith.addi %mul3A_53, %add3A_48 : i32
      %dma_start3A_55 = arith.constant 0 : i32
      %dma_start3A_56 = tpu.memref_slice %arg14[%add3A, %dma_start3A_55] : memref<32x40xi32, #tpu.memory_space<vmem>> -> memref<1x40xi32, #tpu.memory_space<vmem>>
      %dma_start3A_57 = tpu.memref_squeeze %dma_start3A_56 : memref<1x40xi32, #tpu.memory_space<vmem>> -> memref<40xi32, #tpu.memory_space<vmem>>
      %dma_start3A_58 = tpu.memref_slice %arg4[%add3A_54] : memref<640000xi32, #tpu.memory_space<hbm>> -> memref<40xi32, #tpu.memory_space<hbm>>
      %dma_start3A_59 = arith.constant 0 : i32
      %dma_start3A_60 = tpu.memref_slice %arg14[%add3A, %dma_start3A_59] : memref<32x40xi32, #tpu.memory_space<vmem>> -> memref<1x40xi32, #tpu.memory_space<vmem>>
      %dma_start3A_61 = tpu.memref_squeeze %dma_start3A_60 : memref<1x40xi32, #tpu.memory_space<vmem>> -> memref<40xi32, #tpu.memory_space<vmem>>
      %dma_start3A_62 = tpu.memref_slice %arg4[%add3A_54] : memref<640000xi32, #tpu.memory_space<hbm>> -> memref<40xi32, #tpu.memory_space<hbm>>
      tpu.enqueue_dma source(%dma_start3A_62 : memref<40xi32, #tpu.memory_space<hbm>>) target(%dma_start3A_61 : memref<40xi32, #tpu.memory_space<vmem>>) target_semaphore(%arg24 : memref<!tpu.dma_semaphore, #tpu.memory_space<semaphore_mem>>)
      %mul3A_63 = arith.constant 320000 : i32
      %mul3A_64 = arith.muli %arg0, %mul3A_63 : i32
      %add3A_65 = arith.addi %mul3A_64, %add3A_48 : i32
      %dma_start3A_66 = arith.constant 0 : i32
      %dma_start3A_67 = tpu.memref_slice %arg15[%add3A, %dma_start3A_66] : memref<32x40xi32, #tpu.memory_space<vmem>> -> memref<1x40xi32, #tpu.memory_space<vmem>>
      %dma_start3A_68 = tpu.memref_squeeze %dma_start3A_67 : memref<1x40xi32, #tpu.memory_space<vmem>> -> memref<40xi32, #tpu.memory_space<vmem>>
      %dma_start3A_69 = tpu.memref_slice %arg5[%add3A_65] : memref<640000xi32, #tpu.memory_space<hbm>> -> memref<40xi32, #tpu.memory_space<hbm>>
      %dma_start3A_70 = arith.constant 0 : i32
      %dma_start3A_71 = tpu.memref_slice %arg15[%add3A, %dma_start3A_70] : memref<32x40xi32, #tpu.memory_space<vmem>> -> memref<1x40xi32, #tpu.memory_space<vmem>>
      %dma_start3A_72 = tpu.memref_squeeze %dma_start3A_71 : memref<1x40xi32, #tpu.memory_space<vmem>> -> memref<40xi32, #tpu.memory_space<vmem>>
      %dma_start3A_73 = tpu.memref_slice %arg5[%add3A_65] : memref<640000xi32, #tpu.memory_space<hbm>> -> memref<40xi32, #tpu.memory_space<hbm>>
      tpu.enqueue_dma source(%dma_start3A_73 : memref<40xi32, #tpu.memory_space<hbm>>) target(%dma_start3A_72 : memref<40xi32, #tpu.memory_space<vmem>>) target_semaphore(%arg25 : memref<!tpu.dma_semaphore, #tpu.memory_space<semaphore_mem>>)
      %dma_start3A_74 = arith.constant 0 : i32
      %dma_start3A_75 = tpu.memref_slice %arg8[%add3A_48, %dma_start3A_74] : memref<320000x128xf32, #tpu.memory_space<hbm>> -> memref<40x128xf32, #tpu.memory_space<hbm>>
      %dma_start3A_76 = arith.constant 0 : i32
      %dma_start3A_77 = tpu.memref_slice %arg8[%add3A_48, %dma_start3A_76] : memref<320000x128xf32, #tpu.memory_space<hbm>> -> memref<40x128xf32, #tpu.memory_space<hbm>>
      tpu.enqueue_dma source(%dma_start3A_77 : memref<40x128xf32, #tpu.memory_space<hbm>>) target(%arg18 : memref<40x128xf32, #tpu.memory_space<vmem>>) target_semaphore(%arg26 : memref<!tpu.dma_semaphore, #tpu.memory_space<semaphore_mem>>)
      %dma_wait3A = tpu.memref_slice %arg2[%add3A_48] : memref<320000xi32, #tpu.memory_space<hbm>> -> memref<40xi32, #tpu.memory_space<hbm>>
      %dma_wait3A_78 = tpu.memref_slice %arg2[%add3A_48] : memref<320000xi32, #tpu.memory_space<hbm>> -> memref<40xi32, #tpu.memory_space<hbm>>
      tpu.wait_dma2 semaphore(%arg22 : memref<!tpu.dma_semaphore, #tpu.memory_space<semaphore_mem>>) src(%dma_wait3A_78 : memref<40xi32, #tpu.memory_space<hbm>>) dst(%arg12 : memref<40xi32, #tpu.memory_space<vmem>>)
      %dma_start3A_79 = arith.constant 0 : i32
      %dma_start3A_80 = arith.constant 0 : i32
      %dma_start3A_81 = tpu.memref_slice %arg6[%dma_start3A_79, %dma_start3A_80] : memref<10000x128xf32, #tpu.memory_space<hbm>> -> memref<10000x128xf32, #tpu.memory_space<hbm>>
      tpu.enqueue_indirect_dma source(%dma_start3A_81 : memref<10000x128xf32, #tpu.memory_space<hbm>>) target(%arg16 : memref<40x128xf32, #tpu.memory_space<vmem>>) offsets(%arg12 : memref<40xi32, #tpu.memory_space<vmem>>) semaphore(%arg22 : memref<!tpu.dma_semaphore, #tpu.memory_space<semaphore_mem>>)
      %dma_wait3A_82 = tpu.memref_slice %arg3[%add3A_48] : memref<320000xi32, #tpu.memory_space<hbm>> -> memref<40xi32, #tpu.memory_space<hbm>>
      %dma_wait3A_83 = tpu.memref_slice %arg3[%add3A_48] : memref<320000xi32, #tpu.memory_space<hbm>> -> memref<40xi32, #tpu.memory_space<hbm>>
      tpu.wait_dma2 semaphore(%arg23 : memref<!tpu.dma_semaphore, #tpu.memory_space<semaphore_mem>>) src(%dma_wait3A_83 : memref<40xi32, #tpu.memory_space<hbm>>) dst(%arg13 : memref<40xi32, #tpu.memory_space<vmem>>)
      %dma_start3A_84 = arith.constant 0 : i32
      %dma_start3A_85 = arith.constant 0 : i32
      %dma_start3A_86 = tpu.memref_slice %arg7[%dma_start3A_84, %dma_start3A_85] : memref<10000x128xf32, #tpu.memory_space<hbm>> -> memref<10000x128xf32, #tpu.memory_space<hbm>>
      tpu.enqueue_indirect_dma source(%dma_start3A_86 : memref<10000x128xf32, #tpu.memory_space<hbm>>) target(%arg17 : memref<40x128xf32, #tpu.memory_space<vmem>>) offsets(%arg13 : memref<40xi32, #tpu.memory_space<vmem>>) semaphore(%arg23 : memref<!tpu.dma_semaphore, #tpu.memory_space<semaphore_mem>>)
      %dma_wait3A_87 = arith.constant 0 : i32
      %dma_wait3A_88 = tpu.memref_slice %arg14[%add3A, %dma_wait3A_87] : memref<32x40xi32, #tpu.memory_space<vmem>> -> memref<1x40xi32, #tpu.memory_space<vmem>>
      %dma_wait3A_89 = tpu.memref_squeeze %dma_wait3A_88 : memref<1x40xi32, #tpu.memory_space<vmem>> -> memref<40xi32, #tpu.memory_space<vmem>>
      %dma_wait3A_90 = tpu.memref_slice %arg4[%add3A_54] : memref<640000xi32, #tpu.memory_space<hbm>> -> memref<40xi32, #tpu.memory_space<hbm>>
      %dma_wait3A_91 = arith.constant 0 : i32
      %dma_wait3A_92 = tpu.memref_slice %arg14[%add3A, %dma_wait3A_91] : memref<32x40xi32, #tpu.memory_space<vmem>> -> memref<1x40xi32, #tpu.memory_space<vmem>>
      %dma_wait3A_93 = tpu.memref_squeeze %dma_wait3A_92 : memref<1x40xi32, #tpu.memory_space<vmem>> -> memref<40xi32, #tpu.memory_space<vmem>>
      %dma_wait3A_94 = tpu.memref_slice %arg4[%add3A_54] : memref<640000xi32, #tpu.memory_space<hbm>> -> memref<40xi32, #tpu.memory_space<hbm>>
      tpu.wait_dma2 semaphore(%arg24 : memref<!tpu.dma_semaphore, #tpu.memory_space<semaphore_mem>>) src(%dma_wait3A_94 : memref<40xi32, #tpu.memory_space<hbm>>) dst(%dma_wait3A_93 : memref<40xi32, #tpu.memory_space<vmem>>)
      %dma_wait3A_95 = arith.constant 0 : i32
      %dma_wait3A_96 = tpu.memref_slice %arg15[%add3A, %dma_wait3A_95] : memref<32x40xi32, #tpu.memory_space<vmem>> -> memref<1x40xi32, #tpu.memory_space<vmem>>
      %dma_wait3A_97 = tpu.memref_squeeze %dma_wait3A_96 : memref<1x40xi32, #tpu.memory_space<vmem>> -> memref<40xi32, #tpu.memory_space<vmem>>
      %dma_wait3A_98 = tpu.memref_slice %arg5[%add3A_65] : memref<640000xi32, #tpu.memory_space<hbm>> -> memref<40xi32, #tpu.memory_space<hbm>>
      %dma_wait3A_99 = arith.constant 0 : i32
      %dma_wait3A_100 = tpu.memref_slice %arg15[%add3A, %dma_wait3A_99] : memref<32x40xi32, #tpu.memory_space<vmem>> -> memref<1x40xi32, #tpu.memory_space<vmem>>
      %dma_wait3A_101 = tpu.memref_squeeze %dma_wait3A_100 : memref<1x40xi32, #tpu.memory_space<vmem>> -> memref<40xi32, #tpu.memory_space<vmem>>
      %dma_wait3A_102 = tpu.memref_slice %arg5[%add3A_65] : memref<640000xi32, #tpu.memory_space<hbm>> -> memref<40xi32, #tpu.memory_space<hbm>>
      tpu.wait_dma2 semaphore(%arg25 : memref<!tpu.dma_semaphore, #tpu.memory_space<semaphore_mem>>) src(%dma_wait3A_102 : memref<40xi32, #tpu.memory_space<hbm>>) dst(%dma_wait3A_101 : memref<40xi32, #tpu.memory_space<vmem>>)
      %dma_wait3A_103 = arith.constant 0 : i32
      %dma_wait3A_104 = arith.constant 0 : i32
      %dma_wait3A_105 = tpu.memref_slice %arg6[%dma_wait3A_103, %dma_wait3A_104] : memref<10000x128xf32, #tpu.memory_space<hbm>> -> memref<10000x128xf32, #tpu.memory_space<hbm>>
      tpu.wait_indirect_dma semaphore(%arg22 : memref<!tpu.dma_semaphore, #tpu.memory_space<semaphore_mem>>) src(%dma_wait3A_105 : memref<10000x128xf32, #tpu.memory_space<hbm>>) dst(%arg16 : memref<40x128xf32, #tpu.memory_space<vmem>>)
      %dma_wait3A_106 = arith.constant 0 : i32
      %dma_wait3A_107 = arith.constant 0 : i32
      %dma_wait3A_108 = tpu.memref_slice %arg7[%dma_wait3A_106, %dma_wait3A_107] : memref<10000x128xf32, #tpu.memory_space<hbm>> -> memref<10000x128xf32, #tpu.memory_space<hbm>>
      tpu.wait_indirect_dma semaphore(%arg23 : memref<!tpu.dma_semaphore, #tpu.memory_space<semaphore_mem>>) src(%dma_wait3A_108 : memref<10000x128xf32, #tpu.memory_space<hbm>>) dst(%arg17 : memref<40x128xf32, #tpu.memory_space<vmem>>)
      %dma_wait3A_109 = arith.constant 0 : i32
      %dma_wait3A_110 = tpu.memref_slice %arg8[%add3A_48, %dma_wait3A_109] : memref<320000x128xf32, #tpu.memory_space<hbm>> -> memref<40x128xf32, #tpu.memory_space<hbm>>
      %dma_wait3A_111 = arith.constant 0 : i32
      %dma_wait3A_112 = tpu.memref_slice %arg8[%add3A_48, %dma_wait3A_111] : memref<320000x128xf32, #tpu.memory_space<hbm>> -> memref<40x128xf32, #tpu.memory_space<hbm>>
      tpu.wait_dma2 semaphore(%arg26 : memref<!tpu.dma_semaphore, #tpu.memory_space<semaphore_mem>>) src(%dma_wait3A_112 : memref<40x128xf32, #tpu.memory_space<hbm>>) dst(%arg18 : memref<40x128xf32, #tpu.memory_space<vmem>>)
      %scan3A_113 = arith.constant 0 : i32
      %scan3A_114 = arith.constant 0 : i32
      %scan3A_115 = arith.constant 40 : i32
      %scan3A_116 = arith.addi %scan3A_114, %scan3A_115 : i32
      %scan3A_117 = arith.constant 1 : i32
      scf.for %scan3A_143 = %scan3A_114 to %scan3A_116 step %scan3A_117  : i32 {
        %get3A_144 = arith.index_cast %scan3A_143 : i32 to index
        %get3A_145 = arith.constant 0 : index
        %get3A_146 = tpu.vector_load %arg16[%get3A_144, %get3A_145] {strides = array<i32>} : memref<40x128xf32, #tpu.memory_space<vmem>>, vector<1x16xf32>,
        %get3A_147 = vector.shape_cast %get3A_146 : vector<1x16xf32> to vector<16xf32>
        %get3A_148 = arith.index_cast %scan3A_143 : i32 to index
        %get3A_149 = arith.constant 0 : index
        %get3A_150 = tpu.vector_load %arg17[%get3A_148, %get3A_149] {strides = array<i32>} : memref<40x128xf32, #tpu.memory_space<vmem>>, vector<1x16xf32>,
        %get3A_151 = vector.shape_cast %get3A_150 : vector<1x16xf32> to vector<16xf32>
        %add3A_152 = arith.addf %get3A_151, %get3A_147 : vector<16xf32>
        %get3A_153 = arith.index_cast %scan3A_143 : i32 to index
        %get3A_154 = arith.constant 0 : index
        %get3A_155 = tpu.vector_load %arg18[%get3A_153, %get3A_154] {strides = array<i32>} : memref<40x128xf32, #tpu.memory_space<vmem>>, vector<1x16xf32>,
        %get3A_156 = vector.shape_cast %get3A_155 : vector<1x16xf32> to vector<16xf32>
        %add3A_157 = arith.addf %add3A_152, %get3A_156 : vector<16xf32>
        %mul3A_158 = arith.constant 2.000000e-01 : f32
        %mul3A_159 = vector.broadcast %mul3A_158 : f32 to vector<16xf32>
        %mul3A_160 = arith.mulf %add3A_157, %mul3A_159 : vector<16xf32>
        %max3A = arith.maximumf %add3A_157, %mul3A_160 : vector<16xf32>
        %mul3A_161 = arith.mulf %max3A, %get3A_4 : vector<16xf32>
        %get3A_162 = arith.index_cast %scan3A_143 : i32 to index
        %get3A_163 = arith.constant 16 : index
        %get3A_164 = tpu.vector_load %arg16[%get3A_162, %get3A_163] {strides = array<i32>} : memref<40x128xf32, #tpu.memory_space<vmem>>, vector<1x16xf32>,
        %get3A_165 = vector.shape_cast %get3A_164 : vector<1x16xf32> to vector<16xf32>
        %get3A_166 = arith.index_cast %scan3A_143 : i32 to index
        %get3A_167 = arith.constant 16 : index
        %get3A_168 = tpu.vector_load %arg17[%get3A_166, %get3A_167] {strides = array<i32>} : memref<40x128xf32, #tpu.memory_space<vmem>>, vector<1x16xf32>,
        %get3A_169 = vector.shape_cast %get3A_168 : vector<1x16xf32> to vector<16xf32>
        %add3A_170 = arith.addf %get3A_169, %get3A_165 : vector<16xf32>
        %get3A_171 = arith.index_cast %scan3A_143 : i32 to index
        %get3A_172 = arith.constant 16 : index
        %get3A_173 = tpu.vector_load %arg18[%get3A_171, %get3A_172] {strides = array<i32>} : memref<40x128xf32, #tpu.memory_space<vmem>>, vector<1x16xf32>,
        %get3A_174 = vector.shape_cast %get3A_173 : vector<1x16xf32> to vector<16xf32>
        %add3A_175 = arith.addf %add3A_170, %get3A_174 : vector<16xf32>
        %mul3A_176 = arith.constant 2.000000e-01 : f32
        %mul3A_177 = vector.broadcast %mul3A_176 : f32 to vector<16xf32>
        %mul3A_178 = arith.mulf %add3A_175, %mul3A_177 : vector<16xf32>
        %max3A_179 = arith.maximumf %add3A_175, %mul3A_178 : vector<16xf32>
        %mul3A_180 = arith.mulf %max3A_179, %get3A_7 : vector<16xf32>
        %get3A_181 = arith.index_cast %scan3A_143 : i32 to index
        %get3A_182 = arith.constant 32 : index
        %get3A_183 = tpu.vector_load %arg16[%get3A_181, %get3A_182] {strides = array<i32>} : memref<40x128xf32, #tpu.memory_space<vmem>>, vector<1x16xf32>,
        %get3A_184 = vector.shape_cast %get3A_183 : vector<1x16xf32> to vector<16xf32>
        %get3A_185 = arith.index_cast %scan3A_143 : i32 to index
        %get3A_186 = arith.constant 32 : index
        %get3A_187 = tpu.vector_load %arg17[%get3A_185, %get3A_186] {strides = array<i32>} : memref<40x128xf32, #tpu.memory_space<vmem>>, vector<1x16xf32>,
        %get3A_188 = vector.shape_cast %get3A_187 : vector<1x16xf32> to vector<16xf32>
        %add3A_189 = arith.addf %get3A_188, %get3A_184 : vector<16xf32>
        %get3A_190 = arith.index_cast %scan3A_143 : i32 to index
        %get3A_191 = arith.constant 32 : index
        %get3A_192 = tpu.vector_load %arg18[%get3A_190, %get3A_191] {strides = array<i32>} : memref<40x128xf32, #tpu.memory_space<vmem>>, vector<1x16xf32>,
        %get3A_193 = vector.shape_cast %get3A_192 : vector<1x16xf32> to vector<16xf32>
        %add3A_194 = arith.addf %add3A_189, %get3A_193 : vector<16xf32>
        %mul3A_195 = arith.constant 2.000000e-01 : f32
        %mul3A_196 = vector.broadcast %mul3A_195 : f32 to vector<16xf32>
        %mul3A_197 = arith.mulf %add3A_194, %mul3A_196 : vector<16xf32>
        %max3A_198 = arith.maximumf %add3A_194, %mul3A_197 : vector<16xf32>
        %mul3A_199 = arith.mulf %max3A_198, %get3A_10 : vector<16xf32>
        %get3A_200 = arith.index_cast %scan3A_143 : i32 to index
        %get3A_201 = arith.constant 48 : index
        %get3A_202 = tpu.vector_load %arg16[%get3A_200, %get3A_201] {strides = array<i32>} : memref<40x128xf32, #tpu.memory_space<vmem>>, vector<1x16xf32>,
        %get3A_203 = vector.shape_cast %get3A_202 : vector<1x16xf32> to vector<16xf32>
        %get3A_204 = arith.index_cast %scan3A_143 : i32 to index
        %get3A_205 = arith.constant 48 : index
        %get3A_206 = tpu.vector_load %arg17[%get3A_204, %get3A_205] {strides = array<i32>} : memref<40x128xf32, #tpu.memory_space<vmem>>, vector<1x16xf32>,
        %get3A_207 = vector.shape_cast %get3A_206 : vector<1x16xf32> to vector<16xf32>
        %add3A_208 = arith.addf %get3A_207, %get3A_203 : vector<16xf32>
        %get3A_209 = arith.index_cast %scan3A_143 : i32 to index
        %get3A_210 = arith.constant 48 : index
        %get3A_211 = tpu.vector_load %arg18[%get3A_209, %get3A_210] {strides = array<i32>} : memref<40x128xf32, #tpu.memory_space<vmem>>, vector<1x16xf32>,
        %get3A_212 = vector.shape_cast %get3A_211 : vector<1x16xf32> to vector<16xf32>
        %add3A_213 = arith.addf %add3A_208, %get3A_212 : vector<16xf32>
        %mul3A_214 = arith.constant 2.000000e-01 : f32
        %mul3A_215 = vector.broadcast %mul3A_214 : f32 to vector<16xf32>
        %mul3A_216 = arith.mulf %add3A_213, %mul3A_215 : vector<16xf32>
        %max3A_217 = arith.maximumf %add3A_213, %mul3A_216 : vector<16xf32>
        %mul3A_218 = arith.mulf %max3A_217, %get3A_13 : vector<16xf32>
        %get3A_219 = arith.index_cast %scan3A_143 : i32 to index
        %get3A_220 = arith.constant 64 : index
        %get3A_221 = tpu.vector_load %arg16[%get3A_219, %get3A_220] {strides = array<i32>} : memref<40x128xf32, #tpu.memory_space<vmem>>, vector<1x16xf32>,
        %get3A_222 = vector.shape_cast %get3A_221 : vector<1x16xf32> to vector<16xf32>
        %get3A_223 = arith.index_cast %scan3A_143 : i32 to index
        %get3A_224 = arith.constant 64 : index
        %get3A_225 = tpu.vector_load %arg17[%get3A_223, %get3A_224] {strides = array<i32>} : memref<40x128xf32, #tpu.memory_space<vmem>>, vector<1x16xf32>,
        %get3A_226 = vector.shape_cast %get3A_225 : vector<1x16xf32> to vector<16xf32>
        %add3A_227 = arith.addf %get3A_226, %get3A_222 : vector<16xf32>
        %get3A_228 = arith.index_cast %scan3A_143 : i32 to index
        %get3A_229 = arith.constant 64 : index
        %get3A_230 = tpu.vector_load %arg18[%get3A_228, %get3A_229] {strides = array<i32>} : memref<40x128xf32, #tpu.memory_space<vmem>>, vector<1x16xf32>,
        %get3A_231 = vector.shape_cast %get3A_230 : vector<1x16xf32> to vector<16xf32>
        %add3A_232 = arith.addf %add3A_227, %get3A_231 : vector<16xf32>
        %mul3A_233 = arith.constant 2.000000e-01 : f32
        %mul3A_234 = vector.broadcast %mul3A_233 : f32 to vector<16xf32>
        %mul3A_235 = arith.mulf %add3A_232, %mul3A_234 : vector<16xf32>
        %max3A_236 = arith.maximumf %add3A_232, %mul3A_235 : vector<16xf32>
        %mul3A_237 = arith.mulf %max3A_236, %get3A_16 : vector<16xf32>
        %get3A_238 = arith.index_cast %scan3A_143 : i32 to index
        %get3A_239 = arith.constant 80 : index
        %get3A_240 = tpu.vector_load %arg16[%get3A_238, %get3A_239] {strides = array<i32>} : memref<40x128xf32, #tpu.memory_space<vmem>>, vector<1x16xf32>,
        %get3A_241 = vector.shape_cast %get3A_240 : vector<1x16xf32> to vector<16xf32>
        %get3A_242 = arith.index_cast %scan3A_143 : i32 to index
        %get3A_243 = arith.constant 80 : index
        %get3A_244 = tpu.vector_load %arg17[%get3A_242, %get3A_243] {strides = array<i32>} : memref<40x128xf32, #tpu.memory_space<vmem>>, vector<1x16xf32>,
        %get3A_245 = vector.shape_cast %get3A_244 : vector<1x16xf32> to vector<16xf32>
        %add3A_246 = arith.addf %get3A_245, %get3A_241 : vector<16xf32>
        %get3A_247 = arith.index_cast %scan3A_143 : i32 to index
        %get3A_248 = arith.constant 80 : index
        %get3A_249 = tpu.vector_load %arg18[%get3A_247, %get3A_248] {strides = array<i32>} : memref<40x128xf32, #tpu.memory_space<vmem>>, vector<1x16xf32>,
        %get3A_250 = vector.shape_cast %get3A_249 : vector<1x16xf32> to vector<16xf32>
        %add3A_251 = arith.addf %add3A_246, %get3A_250 : vector<16xf32>
        %mul3A_252 = arith.constant 2.000000e-01 : f32
        %mul3A_253 = vector.broadcast %mul3A_252 : f32 to vector<16xf32>
        %mul3A_254 = arith.mulf %add3A_251, %mul3A_253 : vector<16xf32>
        %max3A_255 = arith.maximumf %add3A_251, %mul3A_254 : vector<16xf32>
        %mul3A_256 = arith.mulf %max3A_255, %get3A_19 : vector<16xf32>
        %get3A_257 = arith.index_cast %scan3A_143 : i32 to index
        %get3A_258 = arith.constant 96 : index
        %get3A_259 = tpu.vector_load %arg16[%get3A_257, %get3A_258] {strides = array<i32>} : memref<40x128xf32, #tpu.memory_space<vmem>>, vector<1x16xf32>,
        %get3A_260 = vector.shape_cast %get3A_259 : vector<1x16xf32> to vector<16xf32>
        %get3A_261 = arith.index_cast %scan3A_143 : i32 to index
        %get3A_262 = arith.constant 96 : index
        %get3A_263 = tpu.vector_load %arg17[%get3A_261, %get3A_262] {strides = array<i32>} : memref<40x128xf32, #tpu.memory_space<vmem>>, vector<1x16xf32>,
        %get3A_264 = vector.shape_cast %get3A_263 : vector<1x16xf32> to vector<16xf32>
        %add3A_265 = arith.addf %get3A_264, %get3A_260 : vector<16xf32>
        %get3A_266 = arith.index_cast %scan3A_143 : i32 to index
        %get3A_267 = arith.constant 96 : index
        %get3A_268 = tpu.vector_load %arg18[%get3A_266, %get3A_267] {strides = array<i32>} : memref<40x128xf32, #tpu.memory_space<vmem>>, vector<1x16xf32>,
        %get3A_269 = vector.shape_cast %get3A_268 : vector<1x16xf32> to vector<16xf32>
        %add3A_270 = arith.addf %add3A_265, %get3A_269 : vector<16xf32>
        %mul3A_271 = arith.constant 2.000000e-01 : f32
        %mul3A_272 = vector.broadcast %mul3A_271 : f32 to vector<16xf32>
        %mul3A_273 = arith.mulf %add3A_270, %mul3A_272 : vector<16xf32>
        %max3A_274 = arith.maximumf %add3A_270, %mul3A_273 : vector<16xf32>
        %mul3A_275 = arith.mulf %max3A_274, %get3A_22 : vector<16xf32>
        %get3A_276 = arith.index_cast %scan3A_143 : i32 to index
        %get3A_277 = arith.constant 112 : index
        %get3A_278 = tpu.vector_load %arg16[%get3A_276, %get3A_277] {strides = array<i32>} : memref<40x128xf32, #tpu.memory_space<vmem>>, vector<1x16xf32>,
        %get3A_279 = vector.shape_cast %get3A_278 : vector<1x16xf32> to vector<16xf32>
        %get3A_280 = arith.index_cast %scan3A_143 : i32 to index
        %get3A_281 = arith.constant 112 : index
        %get3A_282 = tpu.vector_load %arg17[%get3A_280, %get3A_281] {strides = array<i32>} : memref<40x128xf32, #tpu.memory_space<vmem>>, vector<1x16xf32>,
        %get3A_283 = vector.shape_cast %get3A_282 : vector<1x16xf32> to vector<16xf32>
        %add3A_284 = arith.addf %get3A_283, %get3A_279 : vector<16xf32>
        %get3A_285 = arith.index_cast %scan3A_143 : i32 to index
        %get3A_286 = arith.constant 112 : index
        %get3A_287 = tpu.vector_load %arg18[%get3A_285, %get3A_286] {strides = array<i32>} : memref<40x128xf32, #tpu.memory_space<vmem>>, vector<1x16xf32>,
        %get3A_288 = vector.shape_cast %get3A_287 : vector<1x16xf32> to vector<16xf32>
        %add3A_289 = arith.addf %add3A_284, %get3A_288 : vector<16xf32>
        %mul3A_290 = arith.constant 2.000000e-01 : f32
        %mul3A_291 = vector.broadcast %mul3A_290 : f32 to vector<16xf32>
        %mul3A_292 = arith.mulf %add3A_289, %mul3A_291 : vector<16xf32>
        %max3A_293 = arith.maximumf %add3A_289, %mul3A_292 : vector<16xf32>
        %mul3A_294 = arith.mulf %max3A_293, %get3A_25 : vector<16xf32>
        %broadcast_in_dim3A = arith.constant 0.000000e+00 : f32
        %broadcast_in_dim3A_295 = vector.broadcast %broadcast_in_dim3A : f32 to vector<16xf32>
        %add3A_296 = arith.addf %mul3A_161, %mul3A_180 : vector<16xf32>
        %broadcast_in_dim3A_297 = vector.shape_cast %xor3A_27 : vector<16xi32> to vector<16x1xi32>
        %gather3A = vector.shape_cast %broadcast_in_dim3A_297 : vector<16x1xi32> to vector<16xi32>
        %gather3A_298 = tpu.dynamic_gather %add3A_296[%gather3A] in [0] : vector<16xf32>, vector<16xi32> -> vector<16xf32>
        %add3A_299 = arith.addf %add3A_296, %gather3A_298 : vector<16xf32>
        %broadcast_in_dim3A_300 = vector.shape_cast %xor3A_30 : vector<16xi32> to vector<16x1xi32>
        %gather3A_301 = vector.shape_cast %broadcast_in_dim3A_300 : vector<16x1xi32> to vector<16xi32>
        %gather3A_302 = tpu.dynamic_gather %add3A_299[%gather3A_301] in [0] : vector<16xf32>, vector<16xi32> -> vector<16xf32>
        %add3A_303 = arith.addf %add3A_299, %gather3A_302 : vector<16xf32>
        %broadcast_in_dim3A_304 = vector.shape_cast %xor3A_33 : vector<16xi32> to vector<16x1xi32>
        %gather3A_305 = vector.shape_cast %broadcast_in_dim3A_304 : vector<16x1xi32> to vector<16xi32>
        %gather3A_306 = tpu.dynamic_gather %add3A_303[%gather3A_305] in [0] : vector<16xf32>, vector<16xi32> -> vector<16xf32>
        %add3A_307 = arith.addf %add3A_303, %gather3A_306 : vector<16xf32>
        %broadcast_in_dim3A_308 = vector.shape_cast %xor3A_36 : vector<16xi32> to vector<16x1xi32>
        %gather3A_309 = vector.shape_cast %broadcast_in_dim3A_308 : vector<16x1xi32> to vector<16xi32>
        %gather3A_310 = tpu.dynamic_gather %add3A_307[%gather3A_309] in [0] : vector<16xf32>, vector<16xi32> -> vector<16xf32>
        %add3A_311 = arith.addf %add3A_307, %gather3A_310 : vector<16xf32>
        %max3A_312 = arith.constant -6.000000e+01 : f32
        %max3A_313 = vector.broadcast %max3A_312 : f32 to vector<16xf32>
        %max3A_314 = arith.maximumf %add3A_311, %max3A_313 : vector<16xf32>
        %min3A = arith.constant 6.000000e+01 : f32
        %min3A_315 = vector.broadcast %min3A : f32 to vector<16xf32>
        %min3A_316 = arith.minimumf %max3A_314, %min3A_315 : vector<16xf32>
        %exp3A = math.exp %min3A_316 : vector<16xf32>
        %mul3A_317 = arith.mulf %get3A_147, %exp3A : vector<16xf32>
        %swap3A = arith.index_cast %scan3A_143 : i32 to index
        %swap3A_318 = arith.constant 0 : index
        %swap3A_319 = tpu.vector_load %arg16[%swap3A, %swap3A_318] {strides = array<i32>} : memref<40x128xf32, #tpu.memory_space<vmem>>, vector<1x16xf32>,
        %swap3A_320 = vector.shape_cast %swap3A_319 : vector<1x16xf32> to vector<16xf32>
        %swap3A_321 = vector.shape_cast %mul3A_317 : vector<16xf32> to vector<1x16xf32>
        tpu.vector_store %arg16[%swap3A, %swap3A_318], %swap3A_321 {strides = array<i32>} : memref<40x128xf32, #tpu.memory_space<vmem>>, vector<1x16xf32>,
        %mul3A_322 = arith.mulf %get3A_165, %exp3A : vector<16xf32>
        %swap3A_323 = arith.index_cast %scan3A_143 : i32 to index
        %swap3A_324 = arith.constant 16 : index
        %swap3A_325 = tpu.vector_load %arg16[%swap3A_323, %swap3A_324] {strides = array<i32>} : memref<40x128xf32, #tpu.memory_space<vmem>>, vector<1x16xf32>,
        %swap3A_326 = vector.shape_cast %swap3A_325 : vector<1x16xf32> to vector<16xf32>
        %swap3A_327 = vector.shape_cast %mul3A_322 : vector<16xf32> to vector<1x16xf32>
        tpu.vector_store %arg16[%swap3A_323, %swap3A_324], %swap3A_327 {strides = array<i32>} : memref<40x128xf32, #tpu.memory_space<vmem>>, vector<1x16xf32>,
        %eq3A = arith.constant 0 : i32
        %eq3A_328 = vector.broadcast %eq3A : i32 to vector<16xi32>
        %eq3A_329 = arith.cmpi eq, %iota3A, %eq3A_328 : vector<16xi32>
        %jit3A = arith.constant 0.000000e+00 : f32
        %broadcast_in_dim3A_330 = vector.broadcast %jit3A : f32 to vector<16xf32>
        %select_n3A = arith.select %eq3A_329, %exp3A, %broadcast_in_dim3A_330 : vector<16xi1>, vector<16xf32>
        %add3A_331 = arith.addf %broadcast_in_dim3A_295, %select_n3A : vector<16xf32>
        %add3A_332 = arith.addf %mul3A_199, %mul3A_218 : vector<16xf32>
        %broadcast_in_dim3A_333 = vector.shape_cast %xor3A_27 : vector<16xi32> to vector<16x1xi32>
        %gather3A_334 = vector.shape_cast %broadcast_in_dim3A_333 : vector<16x1xi32> to vector<16xi32>
        %gather3A_335 = tpu.dynamic_gather %add3A_332[%gather3A_334] in [0] : vector<16xf32>, vector<16xi32> -> vector<16xf32>
        %add3A_336 = arith.addf %add3A_332, %gather3A_335 : vector<16xf32>
        %broadcast_in_dim3A_337 = vector.shape_cast %xor3A_30 : vector<16xi32> to vector<16x1xi32>
        %gather3A_338 = vector.shape_cast %broadcast_in_dim3A_337 : vector<16x1xi32> to vector<16xi32>
        %gather3A_339 = tpu.dynamic_gather %add3A_336[%gather3A_338] in [0] : vector<16xf32>, vector<16xi32> -> vector<16xf32>
        %add3A_340 = arith.addf %add3A_336, %gather3A_339 : vector<16xf32>
        %broadcast_in_dim3A_341 = vector.shape_cast %xor3A_33 : vector<16xi32> to vector<16x1xi32>
        %gather3A_342 = vector.shape_cast %broadcast_in_dim3A_341 : vector<16x1xi32> to vector<16xi32>
        %gather3A_343 = tpu.dynamic_gather %add3A_340[%gather3A_342] in [0] : vector<16xf32>, vector<16xi32> -> vector<16xf32>
        %add3A_344 = arith.addf %add3A_340, %gather3A_343 : vector<16xf32>
        %broadcast_in_dim3A_345 = vector.shape_cast %xor3A_36 : vector<16xi32> to vector<16x1xi32>
        %gather3A_346 = vector.shape_cast %broadcast_in_dim3A_345 : vector<16x1xi32> to vector<16xi32>
        %gather3A_347 = tpu.dynamic_gather %add3A_344[%gather3A_346] in [0] : vector<16xf32>, vector<16xi32> -> vector<16xf32>
        %add3A_348 = arith.addf %add3A_344, %gather3A_347 : vector<16xf32>
        %max3A_349 = arith.constant -6.000000e+01 : f32
        %max3A_350 = vector.broadcast %max3A_349 : f32 to vector<16xf32>
        %max3A_351 = arith.maximumf %add3A_348, %max3A_350 : vector<16xf32>
        %min3A_352 = arith.constant 6.000000e+01 : f32
        %min3A_353 = vector.broadcast %min3A_352 : f32 to vector<16xf32>
        %min3A_354 = arith.minimumf %max3A_351, %min3A_353 : vector<16xf32>
        %exp3A_355 = math.exp %min3A_354 : vector<16xf32>
        %mul3A_356 = arith.mulf %get3A_184, %exp3A_355 : vector<16xf32>
        %swap3A_357 = arith.index_cast %scan3A_143 : i32 to index
        %swap3A_358 = arith.constant 32 : index
        %swap3A_359 = tpu.vector_load %arg16[%swap3A_357, %swap3A_358] {strides = array<i32>} : memref<40x128xf32, #tpu.memory_space<vmem>>, vector<1x16xf32>,
        %swap3A_360 = vector.shape_cast %swap3A_359 : vector<1x16xf32> to vector<16xf32>
        %swap3A_361 = vector.shape_cast %mul3A_356 : vector<16xf32> to vector<1x16xf32>
        tpu.vector_store %arg16[%swap3A_357, %swap3A_358], %swap3A_361 {strides = array<i32>} : memref<40x128xf32, #tpu.memory_space<vmem>>, vector<1x16xf32>,
        %mul3A_362 = arith.mulf %get3A_203, %exp3A_355 : vector<16xf32>
        %swap3A_363 = arith.index_cast %scan3A_143 : i32 to index
        %swap3A_364 = arith.constant 48 : index
        %swap3A_365 = tpu.vector_load %arg16[%swap3A_363, %swap3A_364] {strides = array<i32>} : memref<40x128xf32, #tpu.memory_space<vmem>>, vector<1x16xf32>,
        %swap3A_366 = vector.shape_cast %swap3A_365 : vector<1x16xf32> to vector<16xf32>
        %swap3A_367 = vector.shape_cast %mul3A_362 : vector<16xf32> to vector<1x16xf32>
        tpu.vector_store %arg16[%swap3A_363, %swap3A_364], %swap3A_367 {strides = array<i32>} : memref<40x128xf32, #tpu.memory_space<vmem>>, vector<1x16xf32>,
        %eq3A_368 = arith.constant 1 : i32
        %eq3A_369 = vector.broadcast %eq3A_368 : i32 to vector<16xi32>
        %eq3A_370 = arith.cmpi eq, %iota3A, %eq3A_369 : vector<16xi32>
        %jit3A_371 = arith.constant 0.000000e+00 : f32
        %broadcast_in_dim3A_372 = vector.broadcast %jit3A_371 : f32 to vector<16xf32>
        %select_n3A_373 = arith.select %eq3A_370, %exp3A_355, %broadcast_in_dim3A_372 : vector<16xi1>, vector<16xf32>
        %add3A_374 = arith.addf %add3A_331, %select_n3A_373 : vector<16xf32>
        %add3A_375 = arith.addf %mul3A_237, %mul3A_256 : vector<16xf32>
        %broadcast_in_dim3A_376 = vector.shape_cast %xor3A_27 : vector<16xi32> to vector<16x1xi32>
        %gather3A_377 = vector.shape_cast %broadcast_in_dim3A_376 : vector<16x1xi32> to vector<16xi32>
        %gather3A_378 = tpu.dynamic_gather %add3A_375[%gather3A_377] in [0] : vector<16xf32>, vector<16xi32> -> vector<16xf32>
        %add3A_379 = arith.addf %add3A_375, %gather3A_378 : vector<16xf32>
        %broadcast_in_dim3A_380 = vector.shape_cast %xor3A_30 : vector<16xi32> to vector<16x1xi32>
        %gather3A_381 = vector.shape_cast %broadcast_in_dim3A_380 : vector<16x1xi32> to vector<16xi32>
        %gather3A_382 = tpu.dynamic_gather %add3A_379[%gather3A_381] in [0] : vector<16xf32>, vector<16xi32> -> vector<16xf32>
        %add3A_383 = arith.addf %add3A_379, %gather3A_382 : vector<16xf32>
        %broadcast_in_dim3A_384 = vector.shape_cast %xor3A_33 : vector<16xi32> to vector<16x1xi32>
        %gather3A_385 = vector.shape_cast %broadcast_in_dim3A_384 : vector<16x1xi32> to vector<16xi32>
        %gather3A_386 = tpu.dynamic_gather %add3A_383[%gather3A_385] in [0] : vector<16xf32>, vector<16xi32> -> vector<16xf32>
        %add3A_387 = arith.addf %add3A_383, %gather3A_386 : vector<16xf32>
        %broadcast_in_dim3A_388 = vector.shape_cast %xor3A_36 : vector<16xi32> to vector<16x1xi32>
        %gather3A_389 = vector.shape_cast %broadcast_in_dim3A_388 : vector<16x1xi32> to vector<16xi32>
        %gather3A_390 = tpu.dynamic_gather %add3A_387[%gather3A_389] in [0] : vector<16xf32>, vector<16xi32> -> vector<16xf32>
        %add3A_391 = arith.addf %add3A_387, %gather3A_390 : vector<16xf32>
        %max3A_392 = arith.constant -6.000000e+01 : f32
        %max3A_393 = vector.broadcast %max3A_392 : f32 to vector<16xf32>
        %max3A_394 = arith.maximumf %add3A_391, %max3A_393 : vector<16xf32>
        %min3A_395 = arith.constant 6.000000e+01 : f32
        %min3A_396 = vector.broadcast %min3A_395 : f32 to vector<16xf32>
        %min3A_397 = arith.minimumf %max3A_394, %min3A_396 : vector<16xf32>
        %exp3A_398 = math.exp %min3A_397 : vector<16xf32>
        %mul3A_399 = arith.mulf %get3A_222, %exp3A_398 : vector<16xf32>
        %swap3A_400 = arith.index_cast %scan3A_143 : i32 to index
        %swap3A_401 = arith.constant 64 : index
        %swap3A_402 = tpu.vector_load %arg16[%swap3A_400, %swap3A_401] {strides = array<i32>} : memref<40x128xf32, #tpu.memory_space<vmem>>, vector<1x16xf32>,
        %swap3A_403 = vector.shape_cast %swap3A_402 : vector<1x16xf32> to vector<16xf32>
        %swap3A_404 = vector.shape_cast %mul3A_399 : vector<16xf32> to vector<1x16xf32>
        tpu.vector_store %arg16[%swap3A_400, %swap3A_401], %swap3A_404 {strides = array<i32>} : memref<40x128xf32, #tpu.memory_space<vmem>>, vector<1x16xf32>,
        %mul3A_405 = arith.mulf %get3A_241, %exp3A_398 : vector<16xf32>
        %swap3A_406 = arith.index_cast %scan3A_143 : i32 to index
        %swap3A_407 = arith.constant 80 : index
        %swap3A_408 = tpu.vector_load %arg16[%swap3A_406, %swap3A_407] {strides = array<i32>} : memref<40x128xf32, #tpu.memory_space<vmem>>, vector<1x16xf32>,
        %swap3A_409 = vector.shape_cast %swap3A_408 : vector<1x16xf32> to vector<16xf32>
        %swap3A_410 = vector.shape_cast %mul3A_405 : vector<16xf32> to vector<1x16xf32>
        tpu.vector_store %arg16[%swap3A_406, %swap3A_407], %swap3A_410 {strides = array<i32>} : memref<40x128xf32, #tpu.memory_space<vmem>>, vector<1x16xf32>,
        %eq3A_411 = arith.constant 2 : i32
        %eq3A_412 = vector.broadcast %eq3A_411 : i32 to vector<16xi32>
        %eq3A_413 = arith.cmpi eq, %iota3A, %eq3A_412 : vector<16xi32>
        %jit3A_414 = arith.constant 0.000000e+00 : f32
        %broadcast_in_dim3A_415 = vector.broadcast %jit3A_414 : f32 to vector<16xf32>
        %select_n3A_416 = arith.select %eq3A_413, %exp3A_398, %broadcast_in_dim3A_415 : vector<16xi1>, vector<16xf32>
        %add3A_417 = arith.addf %add3A_374, %select_n3A_416 : vector<16xf32>
        %add3A_418 = arith.addf %mul3A_275, %mul3A_294 : vector<16xf32>
        %broadcast_in_dim3A_419 = vector.shape_cast %xor3A_27 : vector<16xi32> to vector<16x1xi32>
        %gather3A_420 = vector.shape_cast %broadcast_in_dim3A_419 : vector<16x1xi32> to vector<16xi32>
        %gather3A_421 = tpu.dynamic_gather %add3A_418[%gather3A_420] in [0] : vector<16xf32>, vector<16xi32> -> vector<16xf32>
        %add3A_422 = arith.addf %add3A_418, %gather3A_421 : vector<16xf32>
        %broadcast_in_dim3A_423 = vector.shape_cast %xor3A_30 : vector<16xi32> to vector<16x1xi32>
        %gather3A_424 = vector.shape_cast %broadcast_in_dim3A_423 : vector<16x1xi32> to vector<16xi32>
        %gather3A_425 = tpu.dynamic_gather %add3A_422[%gather3A_424] in [0] : vector<16xf32>, vector<16xi32> -> vector<16xf32>
        %add3A_426 = arith.addf %add3A_422, %gather3A_425 : vector<16xf32>
        %broadcast_in_dim3A_427 = vector.shape_cast %xor3A_33 : vector<16xi32> to vector<16x1xi32>
        %gather3A_428 = vector.shape_cast %broadcast_in_dim3A_427 : vector<16x1xi32> to vector<16xi32>
        %gather3A_429 = tpu.dynamic_gather %add3A_426[%gather3A_428] in [0] : vector<16xf32>, vector<16xi32> -> vector<16xf32>
        %add3A_430 = arith.addf %add3A_426, %gather3A_429 : vector<16xf32>
        %broadcast_in_dim3A_431 = vector.shape_cast %xor3A_36 : vector<16xi32> to vector<16x1xi32>
        %gather3A_432 = vector.shape_cast %broadcast_in_dim3A_431 : vector<16x1xi32> to vector<16xi32>
        %gather3A_433 = tpu.dynamic_gather %add3A_430[%gather3A_432] in [0] : vector<16xf32>, vector<16xi32> -> vector<16xf32>
        %add3A_434 = arith.addf %add3A_430, %gather3A_433 : vector<16xf32>
        %max3A_435 = arith.constant -6.000000e+01 : f32
        %max3A_436 = vector.broadcast %max3A_435 : f32 to vector<16xf32>
        %max3A_437 = arith.maximumf %add3A_434, %max3A_436 : vector<16xf32>
        %min3A_438 = arith.constant 6.000000e+01 : f32
        %min3A_439 = vector.broadcast %min3A_438 : f32 to vector<16xf32>
        %min3A_440 = arith.minimumf %max3A_437, %min3A_439 : vector<16xf32>
        %exp3A_441 = math.exp %min3A_440 : vector<16xf32>
        %mul3A_442 = arith.mulf %get3A_260, %exp3A_441 : vector<16xf32>
        %swap3A_443 = arith.index_cast %scan3A_143 : i32 to index
        %swap3A_444 = arith.constant 96 : index
        %swap3A_445 = tpu.vector_load %arg16[%swap3A_443, %swap3A_444] {strides = array<i32>} : memref<40x128xf32, #tpu.memory_space<vmem>>, vector<1x16xf32>,
        %swap3A_446 = vector.shape_cast %swap3A_445 : vector<1x16xf32> to vector<16xf32>
        %swap3A_447 = vector.shape_cast %mul3A_442 : vector<16xf32> to vector<1x16xf32>
        tpu.vector_store %arg16[%swap3A_443, %swap3A_444], %swap3A_447 {strides = array<i32>} : memref<40x128xf32, #tpu.memory_space<vmem>>, vector<1x16xf32>,
        %mul3A_448 = arith.mulf %get3A_279, %exp3A_441 : vector<16xf32>
        %swap3A_449 = arith.index_cast %scan3A_143 : i32 to index
        %swap3A_450 = arith.constant 112 : index
        %swap3A_451 = tpu.vector_load %arg16[%swap3A_449, %swap3A_450] {strides = array<i32>} : memref<40x128xf32, #tpu.memory_space<vmem>>, vector<1x16xf32>,
        %swap3A_452 = vector.shape_cast %swap3A_451 : vector<1x16xf32> to vector<16xf32>
        %swap3A_453 = vector.shape_cast %mul3A_448 : vector<16xf32> to vector<1x16xf32>
        tpu.vector_store %arg16[%swap3A_449, %swap3A_450], %swap3A_453 {strides = array<i32>} : memref<40x128xf32, #tpu.memory_space<vmem>>, vector<1x16xf32>,
        %eq3A_454 = arith.constant 3 : i32
        %eq3A_455 = vector.broadcast %eq3A_454 : i32 to vector<16xi32>
        %eq3A_456 = arith.cmpi eq, %iota3A, %eq3A_455 : vector<16xi32>
        %jit3A_457 = arith.constant 0.000000e+00 : f32
        %broadcast_in_dim3A_458 = vector.broadcast %jit3A_457 : f32 to vector<16xf32>
        %select_n3A_459 = arith.select %eq3A_456, %exp3A_441, %broadcast_in_dim3A_458 : vector<16xi1>, vector<16xf32>
        %add3A_460 = arith.addf %add3A_417, %select_n3A_459 : vector<16xf32>
        %swap3A_461 = arith.index_cast %scan3A_143 : i32 to index
        %swap3A_462 = arith.constant 0 : index
        %swap3A_463 = tpu.vector_load %arg19[%swap3A_461, %swap3A_462] {strides = array<i32>} : memref<40x128xf32, #tpu.memory_space<vmem>>, vector<1x16xf32>,
        %swap3A_464 = vector.shape_cast %swap3A_463 : vector<1x16xf32> to vector<16xf32>
        %swap3A_465 = vector.shape_cast %add3A_460 : vector<16xf32> to vector<1x16xf32>
        tpu.vector_store %arg19[%swap3A_461, %swap3A_462], %swap3A_465 {strides = array<i32>} : memref<40x128xf32, #tpu.memory_space<vmem>>, vector<1x16xf32>,
      }
      %scan3A_118 = arith.constant 40 : i32
      %dma_start3A_119 = arith.constant 0 : i32
      %dma_start3A_120 = tpu.memref_slice %arg14[%add3A, %dma_start3A_119] : memref<32x40xi32, #tpu.memory_space<vmem>> -> memref<1x40xi32, #tpu.memory_space<vmem>>
      %dma_start3A_121 = tpu.memref_squeeze %dma_start3A_120 : memref<1x40xi32, #tpu.memory_space<vmem>> -> memref<40xi32, #tpu.memory_space<vmem>>
      %dma_start3A_122 = arith.constant 0 : i32
      %dma_start3A_123 = arith.constant 0 : i32
      %dma_start3A_124 = tpu.memref_slice %arg21[%dma_start3A_122, %dma_start3A_123] : memref<10752x128xf32, #tpu.memory_space<vmem_shared>> -> memref<10752x128xf32, #tpu.memory_space<vmem_shared>>
      tpu.enqueue_indirect_dma source(%arg16 : memref<40x128xf32, #tpu.memory_space<vmem>>) target(%dma_start3A_124 : memref<10752x128xf32, #tpu.memory_space<vmem_shared>>) offsets(%dma_start3A_121 : memref<40xi32, #tpu.memory_space<vmem>>) semaphore(%arg24 : memref<!tpu.dma_semaphore, #tpu.memory_space<semaphore_mem>>) {add = true}
      %dma_start3A_125 = arith.constant 0 : i32
      %dma_start3A_126 = tpu.memref_slice %arg15[%add3A, %dma_start3A_125] : memref<32x40xi32, #tpu.memory_space<vmem>> -> memref<1x40xi32, #tpu.memory_space<vmem>>
      %dma_start3A_127 = tpu.memref_squeeze %dma_start3A_126 : memref<1x40xi32, #tpu.memory_space<vmem>> -> memref<40xi32, #tpu.memory_space<vmem>>
      %dma_start3A_128 = arith.constant 0 : i32
      %dma_start3A_129 = arith.constant 0 : i32
      %dma_start3A_130 = tpu.memref_slice %arg21[%dma_start3A_128, %dma_start3A_129] : memref<10752x128xf32, #tpu.memory_space<vmem_shared>> -> memref<10752x128xf32, #tpu.memory_space<vmem_shared>>
      tpu.enqueue_indirect_dma source(%arg19 : memref<40x128xf32, #tpu.memory_space<vmem>>) target(%dma_start3A_130 : memref<10752x128xf32, #tpu.memory_space<vmem_shared>>) offsets(%dma_start3A_127 : memref<40xi32, #tpu.memory_space<vmem>>) semaphore(%arg25 : memref<!tpu.dma_semaphore, #tpu.memory_space<semaphore_mem>>) {add = true}
      %dma_wait3A_131 = arith.constant 0 : i32
      %dma_wait3A_132 = tpu.memref_slice %arg14[%add3A, %dma_wait3A_131] : memref<32x40xi32, #tpu.memory_space<vmem>> -> memref<1x40xi32, #tpu.memory_space<vmem>>
      %dma_wait3A_133 = tpu.memref_squeeze %dma_wait3A_132 : memref<1x40xi32, #tpu.memory_space<vmem>> -> memref<40xi32, #tpu.memory_space<vmem>>
      %dma_wait3A_134 = arith.constant 0 : i32
      %dma_wait3A_135 = arith.constant 0 : i32
      %dma_wait3A_136 = tpu.memref_slice %arg21[%dma_wait3A_134, %dma_wait3A_135] : memref<10752x128xf32, #tpu.memory_space<vmem_shared>> -> memref<10752x128xf32, #tpu.memory_space<vmem_shared>>
      tpu.wait_indirect_dma semaphore(%arg24 : memref<!tpu.dma_semaphore, #tpu.memory_space<semaphore_mem>>) src(%arg16 : memref<40x128xf32, #tpu.memory_space<vmem>>) dst(%dma_wait3A_136 : memref<10752x128xf32, #tpu.memory_space<vmem_shared>>)
      %dma_wait3A_137 = arith.constant 0 : i32
      %dma_wait3A_138 = tpu.memref_slice %arg15[%add3A, %dma_wait3A_137] : memref<32x40xi32, #tpu.memory_space<vmem>> -> memref<1x40xi32, #tpu.memory_space<vmem>>
      %dma_wait3A_139 = tpu.memref_squeeze %dma_wait3A_138 : memref<1x40xi32, #tpu.memory_space<vmem>> -> memref<40xi32, #tpu.memory_space<vmem>>
      %dma_wait3A_140 = arith.constant 0 : i32
      %dma_wait3A_141 = arith.constant 0 : i32
      %dma_wait3A_142 = tpu.memref_slice %arg21[%dma_wait3A_140, %dma_wait3A_141] : memref<10752x128xf32, #tpu.memory_space<vmem_shared>> -> memref<10752x128xf32, #tpu.memory_space<vmem_shared>>
      tpu.wait_indirect_dma semaphore(%arg25 : memref<!tpu.dma_semaphore, #tpu.memory_space<semaphore_mem>>) src(%arg19 : memref<40x128xf32, #tpu.memory_space<vmem>>) dst(%dma_wait3A_142 : memref<10752x128xf32, #tpu.memory_space<vmem_shared>>)
    }
    %scan3A_43 = arith.constant 500 : i32
    %barrier3A_44 = arith.constant 0 : index
    tpu.barrier barrier_id(%barrier3A_44)
    "tpu.region"() ({
      %run_scoped3A = tpu.sem_alloc : memref<!tpu.dma_semaphore, #tpu.memory_space<semaphore_mem>>
      %dma_start3A = arith.constant 0 : i32
      %dma_start3A_45 = tpu.memref_slice %arg11[%arg0, %mul3A_2, %dma_start3A] : memref<2x10752x128xf32, #tpu.memory_space<hbm>> -> memref<1x672x128xf32, #tpu.memory_space<hbm>>
      %dma_start3A_46 = tpu.memref_squeeze %dma_start3A_45 : memref<1x672x128xf32, #tpu.memory_space<hbm>> -> memref<672x128xf32, #tpu.memory_space<hbm>>
      %dma_start3A_47 = arith.constant 0 : i32
      %dma_start3A_48 = tpu.memref_slice %arg21[%mul3A_2, %dma_start3A_47] : memref<10752x128xf32, #tpu.memory_space<vmem_shared>> -> memref<672x128xf32, #tpu.memory_space<vmem_shared>>
      tpu.enqueue_dma source(%dma_start3A_48 : memref<672x128xf32, #tpu.memory_space<vmem_shared>>) target(%dma_start3A_46 : memref<672x128xf32, #tpu.memory_space<hbm>>) target_semaphore(%run_scoped3A : memref<!tpu.dma_semaphore, #tpu.memory_space<semaphore_mem>>)
      %dma_wait3A = arith.constant 0 : i32
      %dma_wait3A_49 = tpu.memref_slice %arg11[%arg0, %mul3A_2, %dma_wait3A] : memref<2x10752x128xf32, #tpu.memory_space<hbm>> -> memref<1x672x128xf32, #tpu.memory_space<hbm>>
      %dma_wait3A_50 = tpu.memref_squeeze %dma_wait3A_49 : memref<1x672x128xf32, #tpu.memory_space<hbm>> -> memref<672x128xf32, #tpu.memory_space<hbm>>
      %dma_wait3A_51 = arith.constant 0 : i32
      %dma_wait3A_52 = tpu.memref_slice %arg21[%mul3A_2, %dma_wait3A_51] : memref<10752x128xf32, #tpu.memory_space<vmem_shared>> -> memref<672x128xf32, #tpu.memory_space<vmem_shared>>
      tpu.wait_dma2 semaphore(%run_scoped3A : memref<!tpu.dma_semaphore, #tpu.memory_space<semaphore_mem>>) src(%dma_wait3A_52 : memref<672x128xf32, #tpu.memory_space<vmem_shared>>) dst(%dma_wait3A_50 : memref<672x128xf32, #tpu.memory_space<hbm>>)
      tpu.yield
    }) : () -> ()
    return
  }
}

#map = affine_map<(d0, d1) -> (0)>
#map1 = affine_map<(d0, d1) -> (0, 0)>
#map2 = affine_map<(d0, d1) -> (0, 0, 0)>
module attributes {stable_mosaic.version = 14 : i64} {
  func.func @_sc_edge_pass(%arg0: i32, %arg1: i32, %arg2: memref<320000xi32, #tpu.memory_space<hbm>>, %arg3: memref<320000xi32, #tpu.memory_space<hbm>>, %arg4: memref<640000xi32, #tpu.memory_space<hbm>>, %arg5: memref<640000xi32, #tpu.memory_space<hbm>>, %arg6: memref<10000x128xf32, #tpu.memory_space<hbm>>, %arg7: memref<10000x128xf32, #tpu.memory_space<hbm>>, %arg8: memref<320000x128xf32, #tpu.memory_space<hbm>>, %arg9: memref<128xf32, #tpu.memory_space<hbm>>, %arg10: memref<672x128xf32, #tpu.memory_space<hbm>>, %arg11: memref<2x10752x128xf32, #tpu.memory_space<hbm>>, %arg12: memref<40xi32, #tpu.memory_space<vmem>>, %arg13: memref<40xi32, #tpu.memory_space<vmem>>, %arg14: memref<32x40xi32, #tpu.memory_space<vmem>>, %arg15: memref<32x40xi32, #tpu.memory_space<vmem>>, %arg16: memref<40x128xf32, #tpu.memory_space<vmem>>, %arg17: memref<40x128xf32, #tpu.memory_space<vmem>>, %arg18: memref<40x128xf32, #tpu.memory_space<vmem>>, %arg19: memref<40x128xf32, #tpu.memory_space<vmem>>, %arg20: memref<128xf32, #tpu.memory_space<vmem>>, %arg21: memref<10752x128xf32, #tpu.memory_space<vmem_shared>>, %arg22: memref<!tpu.dma_semaphore, #tpu.memory_space<semaphore_mem>>, %arg23: memref<!tpu.dma_semaphore, #tpu.memory_space<semaphore_mem>>, %arg24: memref<!tpu.dma_semaphore, #tpu.memory_space<semaphore_mem>>, %arg25: memref<!tpu.dma_semaphore, #tpu.memory_space<semaphore_mem>>, %arg26: memref<!tpu.dma_semaphore, #tpu.memory_space<semaphore_mem>>) attributes {dimension_semantics = [#tpu.dimension_semantics<core_parallel>, #tpu.dimension_semantics<subcore_parallel>], iteration_bounds = array<i64: 2, 16>, scalar_prefetch = 0 : i64, scratch_operands = 15 : i64, tpu.core_type = #tpu.core_type<sc_vector_subcore>, window_params = [{transform_indices = #map}, {transform_indices = #map}, {transform_indices = #map}, {transform_indices = #map}, {transform_indices = #map1}, {transform_indices = #map1}, {transform_indices = #map1}, {transform_indices = #map}, {transform_indices = #map1}, {transform_indices = #map2}]} {
    %mul3A = arith.constant 2 : i32
    %mul3A_0 = arith.muli %arg1, %mul3A : i32
    %add3A = arith.addi %mul3A_0, %arg0 : i32
    %mul3A_1 = arith.constant 672 : i32
    %mul3A_2 = arith.muli %arg1, %mul3A_1 : i32
    "tpu.region"() ({
      %run_scoped3A = tpu.sem_alloc : memref<!tpu.dma_semaphore, #tpu.memory_space<semaphore_mem>>
      %dma_start3A = arith.constant 0 : i32
      %dma_start3A_45 = tpu.memref_slice %arg21[%mul3A_2, %dma_start3A] : memref<10752x128xf32, #tpu.memory_space<vmem_shared>> -> memref<672x128xf32, #tpu.memory_space<vmem_shared>>
      %dma_start3A_46 = arith.constant 0 : i32
      %dma_start3A_47 = arith.constant 0 : i32
      %dma_start3A_48 = tpu.memref_slice %arg10[%dma_start3A_46, %dma_start3A_47] : memref<672x128xf32, #tpu.memory_space<hbm>> -> memref<672x128xf32, #tpu.memory_space<hbm>>
      tpu.enqueue_dma source(%dma_start3A_48 : memref<672x128xf32, #tpu.memory_space<hbm>>) target(%dma_start3A_45 : memref<672x128xf32, #tpu.memory_space<vmem_shared>>) target_semaphore(%run_scoped3A : memref<!tpu.dma_semaphore, #tpu.memory_space<semaphore_mem>>)
      %dma_wait3A = arith.constant 0 : i32
      %dma_wait3A_49 = tpu.memref_slice %arg21[%mul3A_2, %dma_wait3A] : memref<10752x128xf32, #tpu.memory_space<vmem_shared>> -> memref<672x128xf32, #tpu.memory_space<vmem_shared>>
      %dma_wait3A_50 = arith.constant 0 : i32
      %dma_wait3A_51 = arith.constant 0 : i32
      %dma_wait3A_52 = tpu.memref_slice %arg10[%dma_wait3A_50, %dma_wait3A_51] : memref<672x128xf32, #tpu.memory_space<hbm>> -> memref<672x128xf32, #tpu.memory_space<hbm>>
      tpu.wait_dma2 semaphore(%run_scoped3A : memref<!tpu.dma_semaphore, #tpu.memory_space<semaphore_mem>>) src(%dma_wait3A_52 : memref<672x128xf32, #tpu.memory_space<hbm>>) dst(%dma_wait3A_49 : memref<672x128xf32, #tpu.memory_space<vmem_shared>>)
      tpu.yield
    }) : () -> ()
    "tpu.region"() ({
      %run_scoped3A = tpu.sem_alloc : memref<!tpu.dma_semaphore, #tpu.memory_space<semaphore_mem>>
      %dma_start3A = arith.constant 0 : i32
      %dma_start3A_45 = arith.constant 0 : i32
      %dma_start3A_46 = tpu.memref_slice %arg10[%dma_start3A, %dma_start3A_45] : memref<672x128xf32, #tpu.memory_space<hbm>> -> memref<40x128xf32, #tpu.memory_space<hbm>>
      %dma_start3A_47 = arith.constant 0 : i32
      %dma_start3A_48 = arith.constant 0 : i32
      %dma_start3A_49 = tpu.memref_slice %arg10[%dma_start3A_47, %dma_start3A_48] : memref<672x128xf32, #tpu.memory_space<hbm>> -> memref<40x128xf32, #tpu.memory_space<hbm>>
      tpu.enqueue_dma source(%dma_start3A_49 : memref<40x128xf32, #tpu.memory_space<hbm>>) target(%arg19 : memref<40x128xf32, #tpu.memory_space<vmem>>) target_semaphore(%run_scoped3A : memref<!tpu.dma_semaphore, #tpu.memory_space<semaphore_mem>>)
      %dma_wait3A = arith.constant 0 : i32
      %dma_wait3A_50 = arith.constant 0 : i32
      %dma_wait3A_51 = tpu.memref_slice %arg10[%dma_wait3A, %dma_wait3A_50] : memref<672x128xf32, #tpu.memory_space<hbm>> -> memref<40x128xf32, #tpu.memory_space<hbm>>
      %dma_wait3A_52 = arith.constant 0 : i32
      %dma_wait3A_53 = arith.constant 0 : i32
      %dma_wait3A_54 = tpu.memref_slice %arg10[%dma_wait3A_52, %dma_wait3A_53] : memref<672x128xf32, #tpu.memory_space<hbm>> -> memref<40x128xf32, #tpu.memory_space<hbm>>
      tpu.wait_dma2 semaphore(%run_scoped3A : memref<!tpu.dma_semaphore, #tpu.memory_space<semaphore_mem>>) src(%dma_wait3A_54 : memref<40x128xf32, #tpu.memory_space<hbm>>) dst(%arg19 : memref<40x128xf32, #tpu.memory_space<vmem>>)
      tpu.yield
    }) : () -> ()
    "tpu.region"() ({
      %run_scoped3A = tpu.sem_alloc : memref<!tpu.dma_semaphore, #tpu.memory_space<semaphore_mem>>
      tpu.enqueue_dma source(%arg9 : memref<128xf32, #tpu.memory_space<hbm>>) target(%arg20 : memref<128xf32, #tpu.memory_space<vmem>>) target_semaphore(%run_scoped3A : memref<!tpu.dma_semaphore, #tpu.memory_space<semaphore_mem>>)
      tpu.wait_dma2 semaphore(%run_scoped3A : memref<!tpu.dma_semaphore, #tpu.memory_space<semaphore_mem>>) src(%arg9 : memref<128xf32, #tpu.memory_space<hbm>>) dst(%arg20 : memref<128xf32, #tpu.memory_space<vmem>>)
      tpu.yield
    }) : () -> ()
    %barrier3A = arith.constant 0 : index
    tpu.barrier barrier_id(%barrier3A)
    %get3A = arith.constant 0 : index
    %get3A_3 = tpu.vector_load %arg20[%get3A] {strides = array<i32>} : memref<128xf32, #tpu.memory_space<vmem>>, vector<16xf32>,
    %get3A_4 = vector.shape_cast %get3A_3 : vector<16xf32> to vector<16xf32>
    %get3A_5 = arith.constant 16 : index
    %get3A_6 = tpu.vector_load %arg20[%get3A_5] {strides = array<i32>} : memref<128xf32, #tpu.memory_space<vmem>>, vector<16xf32>,
    %get3A_7 = vector.shape_cast %get3A_6 : vector<16xf32> to vector<16xf32>
    %get3A_8 = arith.constant 32 : index
    %get3A_9 = tpu.vector_load %arg20[%get3A_8] {strides = array<i32>} : memref<128xf32, #tpu.memory_space<vmem>>, vector<16xf32>,
    %get3A_10 = vector.shape_cast %get3A_9 : vector<16xf32> to vector<16xf32>
    %get3A_11 = arith.constant 48 : index
    %get3A_12 = tpu.vector_load %arg20[%get3A_11] {strides = array<i32>} : memref<128xf32, #tpu.memory_space<vmem>>, vector<16xf32>,
    %get3A_13 = vector.shape_cast %get3A_12 : vector<16xf32> to vector<16xf32>
    %get3A_14 = arith.constant 64 : index
    %get3A_15 = tpu.vector_load %arg20[%get3A_14] {strides = array<i32>} : memref<128xf32, #tpu.memory_space<vmem>>, vector<16xf32>,
    %get3A_16 = vector.shape_cast %get3A_15 : vector<16xf32> to vector<16xf32>
    %get3A_17 = arith.constant 80 : index
    %get3A_18 = tpu.vector_load %arg20[%get3A_17] {strides = array<i32>} : memref<128xf32, #tpu.memory_space<vmem>>, vector<16xf32>,
    %get3A_19 = vector.shape_cast %get3A_18 : vector<16xf32> to vector<16xf32>
    %get3A_20 = arith.constant 96 : index
    %get3A_21 = tpu.vector_load %arg20[%get3A_20] {strides = array<i32>} : memref<128xf32, #tpu.memory_space<vmem>>, vector<16xf32>,
    %get3A_22 = vector.shape_cast %get3A_21 : vector<16xf32> to vector<16xf32>
    %get3A_23 = arith.constant 112 : index
    %get3A_24 = tpu.vector_load %arg20[%get3A_23] {strides = array<i32>} : memref<128xf32, #tpu.memory_space<vmem>>, vector<16xf32>,
    %get3A_25 = vector.shape_cast %get3A_24 : vector<16xf32> to vector<16xf32>
    %iota3A = tpu.iota {dimensions = array<i32: 0>} : vector<16xi32>
    %xor3A = arith.constant 1 : i32
    %xor3A_26 = vector.broadcast %xor3A : i32 to vector<16xi32>
    %xor3A_27 = arith.xori %iota3A, %xor3A_26 : vector<16xi32>
    %xor3A_28 = arith.constant 2 : i32
    %xor3A_29 = vector.broadcast %xor3A_28 : i32 to vector<16xi32>
    %xor3A_30 = arith.xori %iota3A, %xor3A_29 : vector<16xi32>
    %xor3A_31 = arith.constant 4 : i32
    %xor3A_32 = vector.broadcast %xor3A_31 : i32 to vector<16xi32>
    %xor3A_33 = arith.xori %iota3A, %xor3A_32 : vector<16xi32>
    %xor3A_34 = arith.constant 8 : i32
    %xor3A_35 = vector.broadcast %xor3A_34 : i32 to vector<16xi32>
    %xor3A_36 = arith.xori %iota3A, %xor3A_35 : vector<16xi32>
    %mul3A_37 = arith.constant 20000 : i32
    %mul3A_38 = arith.muli %arg1, %mul3A_37 : i32
    %scan3A = arith.constant 0 : i32
    %scan3A_39 = arith.constant 0 : i32
    %scan3A_40 = arith.constant 500 : i32
    %scan3A_41 = arith.addi %scan3A_39, %scan3A_40 : i32
    %scan3A_42 = arith.constant 1 : i32
    scf.for %scan3A_45 = %scan3A_39 to %scan3A_41 step %scan3A_42  : i32 {
      %mul3A_46 = arith.constant 40 : i32
      %mul3A_47 = arith.muli %scan3A_45, %mul3A_46 : i32
      %add3A_48 = arith.addi %mul3A_38, %mul3A_47 : i32
      %dma_start3A = tpu.memref_slice %arg2[%add3A_48] : memref<320000xi32, #tpu.memory_space<hbm>> -> memref<40xi32, #tpu.memory_space<hbm>>
      %dma_start3A_49 = tpu.memref_slice %arg2[%add3A_48] : memref<320000xi32, #tpu.memory_space<hbm>> -> memref<40xi32, #tpu.memory_space<hbm>>
      tpu.enqueue_dma source(%dma_start3A_49 : memref<40xi32, #tpu.memory_space<hbm>>) target(%arg12 : memref<40xi32, #tpu.memory_space<vmem>>) target_semaphore(%arg22 : memref<!tpu.dma_semaphore, #tpu.memory_space<semaphore_mem>>)
      %dma_start3A_50 = tpu.memref_slice %arg3[%add3A_48] : memref<320000xi32, #tpu.memory_space<hbm>> -> memref<40xi32, #tpu.memory_space<hbm>>
      %dma_start3A_51 = tpu.memref_slice %arg3[%add3A_48] : memref<320000xi32, #tpu.memory_space<hbm>> -> memref<40xi32, #tpu.memory_space<hbm>>
      tpu.enqueue_dma source(%dma_start3A_51 : memref<40xi32, #tpu.memory_space<hbm>>) target(%arg13 : memref<40xi32, #tpu.memory_space<vmem>>) target_semaphore(%arg23 : memref<!tpu.dma_semaphore, #tpu.memory_space<semaphore_mem>>)
      %mul3A_52 = arith.constant 320000 : i32
      %mul3A_53 = arith.muli %arg0, %mul3A_52 : i32
      %add3A_54 = arith.addi %mul3A_53, %add3A_48 : i32
      %dma_start3A_55 = arith.constant 0 : i32
      %dma_start3A_56 = tpu.memref_slice %arg14[%add3A, %dma_start3A_55] : memref<32x40xi32, #tpu.memory_space<vmem>> -> memref<1x40xi32, #tpu.memory_space<vmem>>
      %dma_start3A_57 = tpu.memref_squeeze %dma_start3A_56 : memref<1x40xi32, #tpu.memory_space<vmem>> -> memref<40xi32, #tpu.memory_space<vmem>>
      %dma_start3A_58 = tpu.memref_slice %arg4[%add3A_54] : memref<640000xi32, #tpu.memory_space<hbm>> -> memref<40xi32, #tpu.memory_space<hbm>>
      %dma_start3A_59 = arith.constant 0 : i32
      %dma_start3A_60 = tpu.memref_slice %arg14[%add3A, %dma_start3A_59] : memref<32x40xi32, #tpu.memory_space<vmem>> -> memref<1x40xi32, #tpu.memory_space<vmem>>
      %dma_start3A_61 = tpu.memref_squeeze %dma_start3A_60 : memref<1x40xi32, #tpu.memory_space<vmem>> -> memref<40xi32, #tpu.memory_space<vmem>>
      %dma_start3A_62 = tpu.memref_slice %arg4[%add3A_54] : memref<640000xi32, #tpu.memory_space<hbm>> -> memref<40xi32, #tpu.memory_space<hbm>>
      tpu.enqueue_dma source(%dma_start3A_62 : memref<40xi32, #tpu.memory_space<hbm>>) target(%dma_start3A_61 : memref<40xi32, #tpu.memory_space<vmem>>) target_semaphore(%arg24 : memref<!tpu.dma_semaphore, #tpu.memory_space<semaphore_mem>>)
      %mul3A_63 = arith.constant 320000 : i32
      %mul3A_64 = arith.muli %arg0, %mul3A_63 : i32
      %add3A_65 = arith.addi %mul3A_64, %add3A_48 : i32
      %dma_start3A_66 = arith.constant 0 : i32
      %dma_start3A_67 = tpu.memref_slice %arg15[%add3A, %dma_start3A_66] : memref<32x40xi32, #tpu.memory_space<vmem>> -> memref<1x40xi32, #tpu.memory_space<vmem>>
      %dma_start3A_68 = tpu.memref_squeeze %dma_start3A_67 : memref<1x40xi32, #tpu.memory_space<vmem>> -> memref<40xi32, #tpu.memory_space<vmem>>
      %dma_start3A_69 = tpu.memref_slice %arg5[%add3A_65] : memref<640000xi32, #tpu.memory_space<hbm>> -> memref<40xi32, #tpu.memory_space<hbm>>
      %dma_start3A_70 = arith.constant 0 : i32
      %dma_start3A_71 = tpu.memref_slice %arg15[%add3A, %dma_start3A_70] : memref<32x40xi32, #tpu.memory_space<vmem>> -> memref<1x40xi32, #tpu.memory_space<vmem>>
      %dma_start3A_72 = tpu.memref_squeeze %dma_start3A_71 : memref<1x40xi32, #tpu.memory_space<vmem>> -> memref<40xi32, #tpu.memory_space<vmem>>
      %dma_start3A_73 = tpu.memref_slice %arg5[%add3A_65] : memref<640000xi32, #tpu.memory_space<hbm>> -> memref<40xi32, #tpu.memory_space<hbm>>
      tpu.enqueue_dma source(%dma_start3A_73 : memref<40xi32, #tpu.memory_space<hbm>>) target(%dma_start3A_72 : memref<40xi32, #tpu.memory_space<vmem>>) target_semaphore(%arg25 : memref<!tpu.dma_semaphore, #tpu.memory_space<semaphore_mem>>)
      %dma_start3A_74 = arith.constant 0 : i32
      %dma_start3A_75 = tpu.memref_slice %arg8[%add3A_48, %dma_start3A_74] : memref<320000x128xf32, #tpu.memory_space<hbm>> -> memref<40x128xf32, #tpu.memory_space<hbm>>
      %dma_start3A_76 = arith.constant 0 : i32
      %dma_start3A_77 = tpu.memref_slice %arg8[%add3A_48, %dma_start3A_76] : memref<320000x128xf32, #tpu.memory_space<hbm>> -> memref<40x128xf32, #tpu.memory_space<hbm>>
      tpu.enqueue_dma source(%dma_start3A_77 : memref<40x128xf32, #tpu.memory_space<hbm>>) target(%arg18 : memref<40x128xf32, #tpu.memory_space<vmem>>) target_semaphore(%arg26 : memref<!tpu.dma_semaphore, #tpu.memory_space<semaphore_mem>>)
      %dma_wait3A = tpu.memref_slice %arg2[%add3A_48] : memref<320000xi32, #tpu.memory_space<hbm>> -> memref<40xi32, #tpu.memory_space<hbm>>
      %dma_wait3A_78 = tpu.memref_slice %arg2[%add3A_48] : memref<320000xi32, #tpu.memory_space<hbm>> -> memref<40xi32, #tpu.memory_space<hbm>>
      tpu.wait_dma2 semaphore(%arg22 : memref<!tpu.dma_semaphore, #tpu.memory_space<semaphore_mem>>) src(%dma_wait3A_78 : memref<40xi32, #tpu.memory_space<hbm>>) dst(%arg12 : memref<40xi32, #tpu.memory_space<vmem>>)
      %dma_start3A_79 = arith.constant 0 : i32
      %dma_start3A_80 = arith.constant 0 : i32
      %dma_start3A_81 = tpu.memref_slice %arg6[%dma_start3A_79, %dma_start3A_80] : memref<10000x128xf32, #tpu.memory_space<hbm>> -> memref<10000x128xf32, #tpu.memory_space<hbm>>
      tpu.enqueue_indirect_dma source(%dma_start3A_81 : memref<10000x128xf32, #tpu.memory_space<hbm>>) target(%arg16 : memref<40x128xf32, #tpu.memory_space<vmem>>) offsets(%arg12 : memref<40xi32, #tpu.memory_space<vmem>>) semaphore(%arg22 : memref<!tpu.dma_semaphore, #tpu.memory_space<semaphore_mem>>)
      %dma_wait3A_82 = tpu.memref_slice %arg3[%add3A_48] : memref<320000xi32, #tpu.memory_space<hbm>> -> memref<40xi32, #tpu.memory_space<hbm>>
      %dma_wait3A_83 = tpu.memref_slice %arg3[%add3A_48] : memref<320000xi32, #tpu.memory_space<hbm>> -> memref<40xi32, #tpu.memory_space<hbm>>
      tpu.wait_dma2 semaphore(%arg23 : memref<!tpu.dma_semaphore, #tpu.memory_space<semaphore_mem>>) src(%dma_wait3A_83 : memref<40xi32, #tpu.memory_space<hbm>>) dst(%arg13 : memref<40xi32, #tpu.memory_space<vmem>>)
      %dma_start3A_84 = arith.constant 0 : i32
      %dma_start3A_85 = arith.constant 0 : i32
      %dma_start3A_86 = tpu.memref_slice %arg7[%dma_start3A_84, %dma_start3A_85] : memref<10000x128xf32, #tpu.memory_space<hbm>> -> memref<10000x128xf32, #tpu.memory_space<hbm>>
      tpu.enqueue_indirect_dma source(%dma_start3A_86 : memref<10000x128xf32, #tpu.memory_space<hbm>>) target(%arg17 : memref<40x128xf32, #tpu.memory_space<vmem>>) offsets(%arg13 : memref<40xi32, #tpu.memory_space<vmem>>) semaphore(%arg23 : memref<!tpu.dma_semaphore, #tpu.memory_space<semaphore_mem>>)
      %dma_wait3A_87 = arith.constant 0 : i32
      %dma_wait3A_88 = tpu.memref_slice %arg14[%add3A, %dma_wait3A_87] : memref<32x40xi32, #tpu.memory_space<vmem>> -> memref<1x40xi32, #tpu.memory_space<vmem>>
      %dma_wait3A_89 = tpu.memref_squeeze %dma_wait3A_88 : memref<1x40xi32, #tpu.memory_space<vmem>> -> memref<40xi32, #tpu.memory_space<vmem>>
      %dma_wait3A_90 = tpu.memref_slice %arg4[%add3A_54] : memref<640000xi32, #tpu.memory_space<hbm>> -> memref<40xi32, #tpu.memory_space<hbm>>
      %dma_wait3A_91 = arith.constant 0 : i32
      %dma_wait3A_92 = tpu.memref_slice %arg14[%add3A, %dma_wait3A_91] : memref<32x40xi32, #tpu.memory_space<vmem>> -> memref<1x40xi32, #tpu.memory_space<vmem>>
      %dma_wait3A_93 = tpu.memref_squeeze %dma_wait3A_92 : memref<1x40xi32, #tpu.memory_space<vmem>> -> memref<40xi32, #tpu.memory_space<vmem>>
      %dma_wait3A_94 = tpu.memref_slice %arg4[%add3A_54] : memref<640000xi32, #tpu.memory_space<hbm>> -> memref<40xi32, #tpu.memory_space<hbm>>
      tpu.wait_dma2 semaphore(%arg24 : memref<!tpu.dma_semaphore, #tpu.memory_space<semaphore_mem>>) src(%dma_wait3A_94 : memref<40xi32, #tpu.memory_space<hbm>>) dst(%dma_wait3A_93 : memref<40xi32, #tpu.memory_space<vmem>>)
      %dma_wait3A_95 = arith.constant 0 : i32
      %dma_wait3A_96 = tpu.memref_slice %arg15[%add3A, %dma_wait3A_95] : memref<32x40xi32, #tpu.memory_space<vmem>> -> memref<1x40xi32, #tpu.memory_space<vmem>>
      %dma_wait3A_97 = tpu.memref_squeeze %dma_wait3A_96 : memref<1x40xi32, #tpu.memory_space<vmem>> -> memref<40xi32, #tpu.memory_space<vmem>>
      %dma_wait3A_98 = tpu.memref_slice %arg5[%add3A_65] : memref<640000xi32, #tpu.memory_space<hbm>> -> memref<40xi32, #tpu.memory_space<hbm>>
      %dma_wait3A_99 = arith.constant 0 : i32
      %dma_wait3A_100 = tpu.memref_slice %arg15[%add3A, %dma_wait3A_99] : memref<32x40xi32, #tpu.memory_space<vmem>> -> memref<1x40xi32, #tpu.memory_space<vmem>>
      %dma_wait3A_101 = tpu.memref_squeeze %dma_wait3A_100 : memref<1x40xi32, #tpu.memory_space<vmem>> -> memref<40xi32, #tpu.memory_space<vmem>>
      %dma_wait3A_102 = tpu.memref_slice %arg5[%add3A_65] : memref<640000xi32, #tpu.memory_space<hbm>> -> memref<40xi32, #tpu.memory_space<hbm>>
      tpu.wait_dma2 semaphore(%arg25 : memref<!tpu.dma_semaphore, #tpu.memory_space<semaphore_mem>>) src(%dma_wait3A_102 : memref<40xi32, #tpu.memory_space<hbm>>) dst(%dma_wait3A_101 : memref<40xi32, #tpu.memory_space<vmem>>)
      %dma_wait3A_103 = arith.constant 0 : i32
      %dma_wait3A_104 = arith.constant 0 : i32
      %dma_wait3A_105 = tpu.memref_slice %arg6[%dma_wait3A_103, %dma_wait3A_104] : memref<10000x128xf32, #tpu.memory_space<hbm>> -> memref<10000x128xf32, #tpu.memory_space<hbm>>
      tpu.wait_indirect_dma semaphore(%arg22 : memref<!tpu.dma_semaphore, #tpu.memory_space<semaphore_mem>>) src(%dma_wait3A_105 : memref<10000x128xf32, #tpu.memory_space<hbm>>) dst(%arg16 : memref<40x128xf32, #tpu.memory_space<vmem>>)
      %dma_wait3A_106 = arith.constant 0 : i32
      %dma_wait3A_107 = arith.constant 0 : i32
      %dma_wait3A_108 = tpu.memref_slice %arg7[%dma_wait3A_106, %dma_wait3A_107] : memref<10000x128xf32, #tpu.memory_space<hbm>> -> memref<10000x128xf32, #tpu.memory_space<hbm>>
      tpu.wait_indirect_dma semaphore(%arg23 : memref<!tpu.dma_semaphore, #tpu.memory_space<semaphore_mem>>) src(%dma_wait3A_108 : memref<10000x128xf32, #tpu.memory_space<hbm>>) dst(%arg17 : memref<40x128xf32, #tpu.memory_space<vmem>>)
      %dma_wait3A_109 = arith.constant 0 : i32
      %dma_wait3A_110 = tpu.memref_slice %arg8[%add3A_48, %dma_wait3A_109] : memref<320000x128xf32, #tpu.memory_space<hbm>> -> memref<40x128xf32, #tpu.memory_space<hbm>>
      %dma_wait3A_111 = arith.constant 0 : i32
      %dma_wait3A_112 = tpu.memref_slice %arg8[%add3A_48, %dma_wait3A_111] : memref<320000x128xf32, #tpu.memory_space<hbm>> -> memref<40x128xf32, #tpu.memory_space<hbm>>
      tpu.wait_dma2 semaphore(%arg26 : memref<!tpu.dma_semaphore, #tpu.memory_space<semaphore_mem>>) src(%dma_wait3A_112 : memref<40x128xf32, #tpu.memory_space<hbm>>) dst(%arg18 : memref<40x128xf32, #tpu.memory_space<vmem>>)
      %scan3A_113 = arith.constant 0 : i32
      %scan3A_114 = arith.constant 0 : i32
      %scan3A_115 = arith.constant 40 : i32
      %scan3A_116 = arith.addi %scan3A_114, %scan3A_115 : i32
      %scan3A_117 = arith.constant 1 : i32
      scf.for %scan3A_143 = %scan3A_114 to %scan3A_116 step %scan3A_117  : i32 {
        %get3A_144 = arith.index_cast %scan3A_143 : i32 to index
        %get3A_145 = arith.constant 0 : index
        %get3A_146 = tpu.vector_load %arg16[%get3A_144, %get3A_145] {strides = array<i32>} : memref<40x128xf32, #tpu.memory_space<vmem>>, vector<1x16xf32>,
        %get3A_147 = vector.shape_cast %get3A_146 : vector<1x16xf32> to vector<16xf32>
        %get3A_148 = arith.index_cast %scan3A_143 : i32 to index
        %get3A_149 = arith.constant 0 : index
        %get3A_150 = tpu.vector_load %arg17[%get3A_148, %get3A_149] {strides = array<i32>} : memref<40x128xf32, #tpu.memory_space<vmem>>, vector<1x16xf32>,
        %get3A_151 = vector.shape_cast %get3A_150 : vector<1x16xf32> to vector<16xf32>
        %add3A_152 = arith.addf %get3A_151, %get3A_147 : vector<16xf32>
        %get3A_153 = arith.index_cast %scan3A_143 : i32 to index
        %get3A_154 = arith.constant 0 : index
        %get3A_155 = tpu.vector_load %arg18[%get3A_153, %get3A_154] {strides = array<i32>} : memref<40x128xf32, #tpu.memory_space<vmem>>, vector<1x16xf32>,
        %get3A_156 = vector.shape_cast %get3A_155 : vector<1x16xf32> to vector<16xf32>
        %add3A_157 = arith.addf %add3A_152, %get3A_156 : vector<16xf32>
        %mul3A_158 = arith.constant 2.000000e-01 : f32
        %mul3A_159 = vector.broadcast %mul3A_158 : f32 to vector<16xf32>
        %mul3A_160 = arith.mulf %add3A_157, %mul3A_159 : vector<16xf32>
        %max3A = arith.maximumf %add3A_157, %mul3A_160 : vector<16xf32>
        %mul3A_161 = arith.mulf %max3A, %get3A_4 : vector<16xf32>
        %get3A_162 = arith.index_cast %scan3A_143 : i32 to index
        %get3A_163 = arith.constant 16 : index
        %get3A_164 = tpu.vector_load %arg16[%get3A_162, %get3A_163] {strides = array<i32>} : memref<40x128xf32, #tpu.memory_space<vmem>>, vector<1x16xf32>,
        %get3A_165 = vector.shape_cast %get3A_164 : vector<1x16xf32> to vector<16xf32>
        %get3A_166 = arith.index_cast %scan3A_143 : i32 to index
        %get3A_167 = arith.constant 16 : index
        %get3A_168 = tpu.vector_load %arg17[%get3A_166, %get3A_167] {strides = array<i32>} : memref<40x128xf32, #tpu.memory_space<vmem>>, vector<1x16xf32>,
        %get3A_169 = vector.shape_cast %get3A_168 : vector<1x16xf32> to vector<16xf32>
        %add3A_170 = arith.addf %get3A_169, %get3A_165 : vector<16xf32>
        %get3A_171 = arith.index_cast %scan3A_143 : i32 to index
        %get3A_172 = arith.constant 16 : index
        %get3A_173 = tpu.vector_load %arg18[%get3A_171, %get3A_172] {strides = array<i32>} : memref<40x128xf32, #tpu.memory_space<vmem>>, vector<1x16xf32>,
        %get3A_174 = vector.shape_cast %get3A_173 : vector<1x16xf32> to vector<16xf32>
        %add3A_175 = arith.addf %add3A_170, %get3A_174 : vector<16xf32>
        %mul3A_176 = arith.constant 2.000000e-01 : f32
        %mul3A_177 = vector.broadcast %mul3A_176 : f32 to vector<16xf32>
        %mul3A_178 = arith.mulf %add3A_175, %mul3A_177 : vector<16xf32>
        %max3A_179 = arith.maximumf %add3A_175, %mul3A_178 : vector<16xf32>
        %mul3A_180 = arith.mulf %max3A_179, %get3A_7 : vector<16xf32>
        %get3A_181 = arith.index_cast %scan3A_143 : i32 to index
        %get3A_182 = arith.constant 32 : index
        %get3A_183 = tpu.vector_load %arg16[%get3A_181, %get3A_182] {strides = array<i32>} : memref<40x128xf32, #tpu.memory_space<vmem>>, vector<1x16xf32>,
        %get3A_184 = vector.shape_cast %get3A_183 : vector<1x16xf32> to vector<16xf32>
        %get3A_185 = arith.index_cast %scan3A_143 : i32 to index
        %get3A_186 = arith.constant 32 : index
        %get3A_187 = tpu.vector_load %arg17[%get3A_185, %get3A_186] {strides = array<i32>} : memref<40x128xf32, #tpu.memory_space<vmem>>, vector<1x16xf32>,
        %get3A_188 = vector.shape_cast %get3A_187 : vector<1x16xf32> to vector<16xf32>
        %add3A_189 = arith.addf %get3A_188, %get3A_184 : vector<16xf32>
        %get3A_190 = arith.index_cast %scan3A_143 : i32 to index
        %get3A_191 = arith.constant 32 : index
        %get3A_192 = tpu.vector_load %arg18[%get3A_190, %get3A_191] {strides = array<i32>} : memref<40x128xf32, #tpu.memory_space<vmem>>, vector<1x16xf32>,
        %get3A_193 = vector.shape_cast %get3A_192 : vector<1x16xf32> to vector<16xf32>
        %add3A_194 = arith.addf %add3A_189, %get3A_193 : vector<16xf32>
        %mul3A_195 = arith.constant 2.000000e-01 : f32
        %mul3A_196 = vector.broadcast %mul3A_195 : f32 to vector<16xf32>
        %mul3A_197 = arith.mulf %add3A_194, %mul3A_196 : vector<16xf32>
        %max3A_198 = arith.maximumf %add3A_194, %mul3A_197 : vector<16xf32>
        %mul3A_199 = arith.mulf %max3A_198, %get3A_10 : vector<16xf32>
        %get3A_200 = arith.index_cast %scan3A_143 : i32 to index
        %get3A_201 = arith.constant 48 : index
        %get3A_202 = tpu.vector_load %arg16[%get3A_200, %get3A_201] {strides = array<i32>} : memref<40x128xf32, #tpu.memory_space<vmem>>, vector<1x16xf32>,
        %get3A_203 = vector.shape_cast %get3A_202 : vector<1x16xf32> to vector<16xf32>
        %get3A_204 = arith.index_cast %scan3A_143 : i32 to index
        %get3A_205 = arith.constant 48 : index
        %get3A_206 = tpu.vector_load %arg17[%get3A_204, %get3A_205] {strides = array<i32>} : memref<40x128xf32, #tpu.memory_space<vmem>>, vector<1x16xf32>,
        %get3A_207 = vector.shape_cast %get3A_206 : vector<1x16xf32> to vector<16xf32>
        %add3A_208 = arith.addf %get3A_207, %get3A_203 : vector<16xf32>
        %get3A_209 = arith.index_cast %scan3A_143 : i32 to index
        %get3A_210 = arith.constant 48 : index
        %get3A_211 = tpu.vector_load %arg18[%get3A_209, %get3A_210] {strides = array<i32>} : memref<40x128xf32, #tpu.memory_space<vmem>>, vector<1x16xf32>,
        %get3A_212 = vector.shape_cast %get3A_211 : vector<1x16xf32> to vector<16xf32>
        %add3A_213 = arith.addf %add3A_208, %get3A_212 : vector<16xf32>
        %mul3A_214 = arith.constant 2.000000e-01 : f32
        %mul3A_215 = vector.broadcast %mul3A_214 : f32 to vector<16xf32>
        %mul3A_216 = arith.mulf %add3A_213, %mul3A_215 : vector<16xf32>
        %max3A_217 = arith.maximumf %add3A_213, %mul3A_216 : vector<16xf32>
        %mul3A_218 = arith.mulf %max3A_217, %get3A_13 : vector<16xf32>
        %get3A_219 = arith.index_cast %scan3A_143 : i32 to index
        %get3A_220 = arith.constant 64 : index
        %get3A_221 = tpu.vector_load %arg16[%get3A_219, %get3A_220] {strides = array<i32>} : memref<40x128xf32, #tpu.memory_space<vmem>>, vector<1x16xf32>,
        %get3A_222 = vector.shape_cast %get3A_221 : vector<1x16xf32> to vector<16xf32>
        %get3A_223 = arith.index_cast %scan3A_143 : i32 to index
        %get3A_224 = arith.constant 64 : index
        %get3A_225 = tpu.vector_load %arg17[%get3A_223, %get3A_224] {strides = array<i32>} : memref<40x128xf32, #tpu.memory_space<vmem>>, vector<1x16xf32>,
        %get3A_226 = vector.shape_cast %get3A_225 : vector<1x16xf32> to vector<16xf32>
        %add3A_227 = arith.addf %get3A_226, %get3A_222 : vector<16xf32>
        %get3A_228 = arith.index_cast %scan3A_143 : i32 to index
        %get3A_229 = arith.constant 64 : index
        %get3A_230 = tpu.vector_load %arg18[%get3A_228, %get3A_229] {strides = array<i32>} : memref<40x128xf32, #tpu.memory_space<vmem>>, vector<1x16xf32>,
        %get3A_231 = vector.shape_cast %get3A_230 : vector<1x16xf32> to vector<16xf32>
        %add3A_232 = arith.addf %add3A_227, %get3A_231 : vector<16xf32>
        %mul3A_233 = arith.constant 2.000000e-01 : f32
        %mul3A_234 = vector.broadcast %mul3A_233 : f32 to vector<16xf32>
        %mul3A_235 = arith.mulf %add3A_232, %mul3A_234 : vector<16xf32>
        %max3A_236 = arith.maximumf %add3A_232, %mul3A_235 : vector<16xf32>
        %mul3A_237 = arith.mulf %max3A_236, %get3A_16 : vector<16xf32>
        %get3A_238 = arith.index_cast %scan3A_143 : i32 to index
        %get3A_239 = arith.constant 80 : index
        %get3A_240 = tpu.vector_load %arg16[%get3A_238, %get3A_239] {strides = array<i32>} : memref<40x128xf32, #tpu.memory_space<vmem>>, vector<1x16xf32>,
        %get3A_241 = vector.shape_cast %get3A_240 : vector<1x16xf32> to vector<16xf32>
        %get3A_242 = arith.index_cast %scan3A_143 : i32 to index
        %get3A_243 = arith.constant 80 : index
        %get3A_244 = tpu.vector_load %arg17[%get3A_242, %get3A_243] {strides = array<i32>} : memref<40x128xf32, #tpu.memory_space<vmem>>, vector<1x16xf32>,
        %get3A_245 = vector.shape_cast %get3A_244 : vector<1x16xf32> to vector<16xf32>
        %add3A_246 = arith.addf %get3A_245, %get3A_241 : vector<16xf32>
        %get3A_247 = arith.index_cast %scan3A_143 : i32 to index
        %get3A_248 = arith.constant 80 : index
        %get3A_249 = tpu.vector_load %arg18[%get3A_247, %get3A_248] {strides = array<i32>} : memref<40x128xf32, #tpu.memory_space<vmem>>, vector<1x16xf32>,
        %get3A_250 = vector.shape_cast %get3A_249 : vector<1x16xf32> to vector<16xf32>
        %add3A_251 = arith.addf %add3A_246, %get3A_250 : vector<16xf32>
        %mul3A_252 = arith.constant 2.000000e-01 : f32
        %mul3A_253 = vector.broadcast %mul3A_252 : f32 to vector<16xf32>
        %mul3A_254 = arith.mulf %add3A_251, %mul3A_253 : vector<16xf32>
        %max3A_255 = arith.maximumf %add3A_251, %mul3A_254 : vector<16xf32>
        %mul3A_256 = arith.mulf %max3A_255, %get3A_19 : vector<16xf32>
        %get3A_257 = arith.index_cast %scan3A_143 : i32 to index
        %get3A_258 = arith.constant 96 : index
        %get3A_259 = tpu.vector_load %arg16[%get3A_257, %get3A_258] {strides = array<i32>} : memref<40x128xf32, #tpu.memory_space<vmem>>, vector<1x16xf32>,
        %get3A_260 = vector.shape_cast %get3A_259 : vector<1x16xf32> to vector<16xf32>
        %get3A_261 = arith.index_cast %scan3A_143 : i32 to index
        %get3A_262 = arith.constant 96 : index
        %get3A_263 = tpu.vector_load %arg17[%get3A_261, %get3A_262] {strides = array<i32>} : memref<40x128xf32, #tpu.memory_space<vmem>>, vector<1x16xf32>,
        %get3A_264 = vector.shape_cast %get3A_263 : vector<1x16xf32> to vector<16xf32>
        %add3A_265 = arith.addf %get3A_264, %get3A_260 : vector<16xf32>
        %get3A_266 = arith.index_cast %scan3A_143 : i32 to index
        %get3A_267 = arith.constant 96 : index
        %get3A_268 = tpu.vector_load %arg18[%get3A_266, %get3A_267] {strides = array<i32>} : memref<40x128xf32, #tpu.memory_space<vmem>>, vector<1x16xf32>,
        %get3A_269 = vector.shape_cast %get3A_268 : vector<1x16xf32> to vector<16xf32>
        %add3A_270 = arith.addf %add3A_265, %get3A_269 : vector<16xf32>
        %mul3A_271 = arith.constant 2.000000e-01 : f32
        %mul3A_272 = vector.broadcast %mul3A_271 : f32 to vector<16xf32>
        %mul3A_273 = arith.mulf %add3A_270, %mul3A_272 : vector<16xf32>
        %max3A_274 = arith.maximumf %add3A_270, %mul3A_273 : vector<16xf32>
        %mul3A_275 = arith.mulf %max3A_274, %get3A_22 : vector<16xf32>
        %get3A_276 = arith.index_cast %scan3A_143 : i32 to index
        %get3A_277 = arith.constant 112 : index
        %get3A_278 = tpu.vector_load %arg16[%get3A_276, %get3A_277] {strides = array<i32>} : memref<40x128xf32, #tpu.memory_space<vmem>>, vector<1x16xf32>,
        %get3A_279 = vector.shape_cast %get3A_278 : vector<1x16xf32> to vector<16xf32>
        %get3A_280 = arith.index_cast %scan3A_143 : i32 to index
        %get3A_281 = arith.constant 112 : index
        %get3A_282 = tpu.vector_load %arg17[%get3A_280, %get3A_281] {strides = array<i32>} : memref<40x128xf32, #tpu.memory_space<vmem>>, vector<1x16xf32>,
        %get3A_283 = vector.shape_cast %get3A_282 : vector<1x16xf32> to vector<16xf32>
        %add3A_284 = arith.addf %get3A_283, %get3A_279 : vector<16xf32>
        %get3A_285 = arith.index_cast %scan3A_143 : i32 to index
        %get3A_286 = arith.constant 112 : index
        %get3A_287 = tpu.vector_load %arg18[%get3A_285, %get3A_286] {strides = array<i32>} : memref<40x128xf32, #tpu.memory_space<vmem>>, vector<1x16xf32>,
        %get3A_288 = vector.shape_cast %get3A_287 : vector<1x16xf32> to vector<16xf32>
        %add3A_289 = arith.addf %add3A_284, %get3A_288 : vector<16xf32>
        %mul3A_290 = arith.constant 2.000000e-01 : f32
        %mul3A_291 = vector.broadcast %mul3A_290 : f32 to vector<16xf32>
        %mul3A_292 = arith.mulf %add3A_289, %mul3A_291 : vector<16xf32>
        %max3A_293 = arith.maximumf %add3A_289, %mul3A_292 : vector<16xf32>
        %mul3A_294 = arith.mulf %max3A_293, %get3A_25 : vector<16xf32>
        %broadcast_in_dim3A = arith.constant 0.000000e+00 : f32
        %broadcast_in_dim3A_295 = vector.broadcast %broadcast_in_dim3A : f32 to vector<16xf32>
        %add3A_296 = arith.addf %mul3A_161, %mul3A_180 : vector<16xf32>
        %broadcast_in_dim3A_297 = vector.shape_cast %xor3A_27 : vector<16xi32> to vector<16x1xi32>
        %gather3A = vector.shape_cast %broadcast_in_dim3A_297 : vector<16x1xi32> to vector<16xi32>
        %gather3A_298 = tpu.dynamic_gather %add3A_296[%gather3A] in [0] : vector<16xf32>, vector<16xi32> -> vector<16xf32>
        %add3A_299 = arith.addf %add3A_296, %gather3A_298 : vector<16xf32>
        %broadcast_in_dim3A_300 = vector.shape_cast %xor3A_30 : vector<16xi32> to vector<16x1xi32>
        %gather3A_301 = vector.shape_cast %broadcast_in_dim3A_300 : vector<16x1xi32> to vector<16xi32>
        %gather3A_302 = tpu.dynamic_gather %add3A_299[%gather3A_301] in [0] : vector<16xf32>, vector<16xi32> -> vector<16xf32>
        %add3A_303 = arith.addf %add3A_299, %gather3A_302 : vector<16xf32>
        %broadcast_in_dim3A_304 = vector.shape_cast %xor3A_33 : vector<16xi32> to vector<16x1xi32>
        %gather3A_305 = vector.shape_cast %broadcast_in_dim3A_304 : vector<16x1xi32> to vector<16xi32>
        %gather3A_306 = tpu.dynamic_gather %add3A_303[%gather3A_305] in [0] : vector<16xf32>, vector<16xi32> -> vector<16xf32>
        %add3A_307 = arith.addf %add3A_303, %gather3A_306 : vector<16xf32>
        %broadcast_in_dim3A_308 = vector.shape_cast %xor3A_36 : vector<16xi32> to vector<16x1xi32>
        %gather3A_309 = vector.shape_cast %broadcast_in_dim3A_308 : vector<16x1xi32> to vector<16xi32>
        %gather3A_310 = tpu.dynamic_gather %add3A_307[%gather3A_309] in [0] : vector<16xf32>, vector<16xi32> -> vector<16xf32>
        %add3A_311 = arith.addf %add3A_307, %gather3A_310 : vector<16xf32>
        %max3A_312 = arith.constant -6.000000e+01 : f32
        %max3A_313 = vector.broadcast %max3A_312 : f32 to vector<16xf32>
        %max3A_314 = arith.maximumf %add3A_311, %max3A_313 : vector<16xf32>
        %min3A = arith.constant 6.000000e+01 : f32
        %min3A_315 = vector.broadcast %min3A : f32 to vector<16xf32>
        %min3A_316 = arith.minimumf %max3A_314, %min3A_315 : vector<16xf32>
        %exp3A = math.exp %min3A_316 : vector<16xf32>
        %mul3A_317 = arith.mulf %get3A_147, %exp3A : vector<16xf32>
        %swap3A = arith.index_cast %scan3A_143 : i32 to index
        %swap3A_318 = arith.constant 0 : index
        %swap3A_319 = tpu.vector_load %arg16[%swap3A, %swap3A_318] {strides = array<i32>} : memref<40x128xf32, #tpu.memory_space<vmem>>, vector<1x16xf32>,
        %swap3A_320 = vector.shape_cast %swap3A_319 : vector<1x16xf32> to vector<16xf32>
        %swap3A_321 = vector.shape_cast %mul3A_317 : vector<16xf32> to vector<1x16xf32>
        tpu.vector_store %arg16[%swap3A, %swap3A_318], %swap3A_321 {strides = array<i32>} : memref<40x128xf32, #tpu.memory_space<vmem>>, vector<1x16xf32>,
        %mul3A_322 = arith.mulf %get3A_165, %exp3A : vector<16xf32>
        %swap3A_323 = arith.index_cast %scan3A_143 : i32 to index
        %swap3A_324 = arith.constant 16 : index
        %swap3A_325 = tpu.vector_load %arg16[%swap3A_323, %swap3A_324] {strides = array<i32>} : memref<40x128xf32, #tpu.memory_space<vmem>>, vector<1x16xf32>,
        %swap3A_326 = vector.shape_cast %swap3A_325 : vector<1x16xf32> to vector<16xf32>
        %swap3A_327 = vector.shape_cast %mul3A_322 : vector<16xf32> to vector<1x16xf32>
        tpu.vector_store %arg16[%swap3A_323, %swap3A_324], %swap3A_327 {strides = array<i32>} : memref<40x128xf32, #tpu.memory_space<vmem>>, vector<1x16xf32>,
        %eq3A = arith.constant 0 : i32
        %eq3A_328 = vector.broadcast %eq3A : i32 to vector<16xi32>
        %eq3A_329 = arith.cmpi eq, %iota3A, %eq3A_328 : vector<16xi32>
        %jit3A = arith.constant 0.000000e+00 : f32
        %broadcast_in_dim3A_330 = vector.broadcast %jit3A : f32 to vector<16xf32>
        %select_n3A = arith.select %eq3A_329, %exp3A, %broadcast_in_dim3A_330 : vector<16xi1>, vector<16xf32>
        %add3A_331 = arith.addf %broadcast_in_dim3A_295, %select_n3A : vector<16xf32>
        %add3A_332 = arith.addf %mul3A_199, %mul3A_218 : vector<16xf32>
        %broadcast_in_dim3A_333 = vector.shape_cast %xor3A_27 : vector<16xi32> to vector<16x1xi32>
        %gather3A_334 = vector.shape_cast %broadcast_in_dim3A_333 : vector<16x1xi32> to vector<16xi32>
        %gather3A_335 = tpu.dynamic_gather %add3A_332[%gather3A_334] in [0] : vector<16xf32>, vector<16xi32> -> vector<16xf32>
        %add3A_336 = arith.addf %add3A_332, %gather3A_335 : vector<16xf32>
        %broadcast_in_dim3A_337 = vector.shape_cast %xor3A_30 : vector<16xi32> to vector<16x1xi32>
        %gather3A_338 = vector.shape_cast %broadcast_in_dim3A_337 : vector<16x1xi32> to vector<16xi32>
        %gather3A_339 = tpu.dynamic_gather %add3A_336[%gather3A_338] in [0] : vector<16xf32>, vector<16xi32> -> vector<16xf32>
        %add3A_340 = arith.addf %add3A_336, %gather3A_339 : vector<16xf32>
        %broadcast_in_dim3A_341 = vector.shape_cast %xor3A_33 : vector<16xi32> to vector<16x1xi32>
        %gather3A_342 = vector.shape_cast %broadcast_in_dim3A_341 : vector<16x1xi32> to vector<16xi32>
        %gather3A_343 = tpu.dynamic_gather %add3A_340[%gather3A_342] in [0] : vector<16xf32>, vector<16xi32> -> vector<16xf32>
        %add3A_344 = arith.addf %add3A_340, %gather3A_343 : vector<16xf32>
        %broadcast_in_dim3A_345 = vector.shape_cast %xor3A_36 : vector<16xi32> to vector<16x1xi32>
        %gather3A_346 = vector.shape_cast %broadcast_in_dim3A_345 : vector<16x1xi32> to vector<16xi32>
        %gather3A_347 = tpu.dynamic_gather %add3A_344[%gather3A_346] in [0] : vector<16xf32>, vector<16xi32> -> vector<16xf32>
        %add3A_348 = arith.addf %add3A_344, %gather3A_347 : vector<16xf32>
        %max3A_349 = arith.constant -6.000000e+01 : f32
        %max3A_350 = vector.broadcast %max3A_349 : f32 to vector<16xf32>
        %max3A_351 = arith.maximumf %add3A_348, %max3A_350 : vector<16xf32>
        %min3A_352 = arith.constant 6.000000e+01 : f32
        %min3A_353 = vector.broadcast %min3A_352 : f32 to vector<16xf32>
        %min3A_354 = arith.minimumf %max3A_351, %min3A_353 : vector<16xf32>
        %exp3A_355 = math.exp %min3A_354 : vector<16xf32>
        %mul3A_356 = arith.mulf %get3A_184, %exp3A_355 : vector<16xf32>
        %swap3A_357 = arith.index_cast %scan3A_143 : i32 to index
        %swap3A_358 = arith.constant 32 : index
        %swap3A_359 = tpu.vector_load %arg16[%swap3A_357, %swap3A_358] {strides = array<i32>} : memref<40x128xf32, #tpu.memory_space<vmem>>, vector<1x16xf32>,
        %swap3A_360 = vector.shape_cast %swap3A_359 : vector<1x16xf32> to vector<16xf32>
        %swap3A_361 = vector.shape_cast %mul3A_356 : vector<16xf32> to vector<1x16xf32>
        tpu.vector_store %arg16[%swap3A_357, %swap3A_358], %swap3A_361 {strides = array<i32>} : memref<40x128xf32, #tpu.memory_space<vmem>>, vector<1x16xf32>,
        %mul3A_362 = arith.mulf %get3A_203, %exp3A_355 : vector<16xf32>
        %swap3A_363 = arith.index_cast %scan3A_143 : i32 to index
        %swap3A_364 = arith.constant 48 : index
        %swap3A_365 = tpu.vector_load %arg16[%swap3A_363, %swap3A_364] {strides = array<i32>} : memref<40x128xf32, #tpu.memory_space<vmem>>, vector<1x16xf32>,
        %swap3A_366 = vector.shape_cast %swap3A_365 : vector<1x16xf32> to vector<16xf32>
        %swap3A_367 = vector.shape_cast %mul3A_362 : vector<16xf32> to vector<1x16xf32>
        tpu.vector_store %arg16[%swap3A_363, %swap3A_364], %swap3A_367 {strides = array<i32>} : memref<40x128xf32, #tpu.memory_space<vmem>>, vector<1x16xf32>,
        %eq3A_368 = arith.constant 1 : i32
        %eq3A_369 = vector.broadcast %eq3A_368 : i32 to vector<16xi32>
        %eq3A_370 = arith.cmpi eq, %iota3A, %eq3A_369 : vector<16xi32>
        %jit3A_371 = arith.constant 0.000000e+00 : f32
        %broadcast_in_dim3A_372 = vector.broadcast %jit3A_371 : f32 to vector<16xf32>
        %select_n3A_373 = arith.select %eq3A_370, %exp3A_355, %broadcast_in_dim3A_372 : vector<16xi1>, vector<16xf32>
        %add3A_374 = arith.addf %add3A_331, %select_n3A_373 : vector<16xf32>
        %add3A_375 = arith.addf %mul3A_237, %mul3A_256 : vector<16xf32>
        %broadcast_in_dim3A_376 = vector.shape_cast %xor3A_27 : vector<16xi32> to vector<16x1xi32>
        %gather3A_377 = vector.shape_cast %broadcast_in_dim3A_376 : vector<16x1xi32> to vector<16xi32>
        %gather3A_378 = tpu.dynamic_gather %add3A_375[%gather3A_377] in [0] : vector<16xf32>, vector<16xi32> -> vector<16xf32>
        %add3A_379 = arith.addf %add3A_375, %gather3A_378 : vector<16xf32>
        %broadcast_in_dim3A_380 = vector.shape_cast %xor3A_30 : vector<16xi32> to vector<16x1xi32>
        %gather3A_381 = vector.shape_cast %broadcast_in_dim3A_380 : vector<16x1xi32> to vector<16xi32>
        %gather3A_382 = tpu.dynamic_gather %add3A_379[%gather3A_381] in [0] : vector<16xf32>, vector<16xi32> -> vector<16xf32>
        %add3A_383 = arith.addf %add3A_379, %gather3A_382 : vector<16xf32>
        %broadcast_in_dim3A_384 = vector.shape_cast %xor3A_33 : vector<16xi32> to vector<16x1xi32>
        %gather3A_385 = vector.shape_cast %broadcast_in_dim3A_384 : vector<16x1xi32> to vector<16xi32>
        %gather3A_386 = tpu.dynamic_gather %add3A_383[%gather3A_385] in [0] : vector<16xf32>, vector<16xi32> -> vector<16xf32>
        %add3A_387 = arith.addf %add3A_383, %gather3A_386 : vector<16xf32>
        %broadcast_in_dim3A_388 = vector.shape_cast %xor3A_36 : vector<16xi32> to vector<16x1xi32>
        %gather3A_389 = vector.shape_cast %broadcast_in_dim3A_388 : vector<16x1xi32> to vector<16xi32>
        %gather3A_390 = tpu.dynamic_gather %add3A_387[%gather3A_389] in [0] : vector<16xf32>, vector<16xi32> -> vector<16xf32>
        %add3A_391 = arith.addf %add3A_387, %gather3A_390 : vector<16xf32>
        %max3A_392 = arith.constant -6.000000e+01 : f32
        %max3A_393 = vector.broadcast %max3A_392 : f32 to vector<16xf32>
        %max3A_394 = arith.maximumf %add3A_391, %max3A_393 : vector<16xf32>
        %min3A_395 = arith.constant 6.000000e+01 : f32
        %min3A_396 = vector.broadcast %min3A_395 : f32 to vector<16xf32>
        %min3A_397 = arith.minimumf %max3A_394, %min3A_396 : vector<16xf32>
        %exp3A_398 = math.exp %min3A_397 : vector<16xf32>
        %mul3A_399 = arith.mulf %get3A_222, %exp3A_398 : vector<16xf32>
        %swap3A_400 = arith.index_cast %scan3A_143 : i32 to index
        %swap3A_401 = arith.constant 64 : index
        %swap3A_402 = tpu.vector_load %arg16[%swap3A_400, %swap3A_401] {strides = array<i32>} : memref<40x128xf32, #tpu.memory_space<vmem>>, vector<1x16xf32>,
        %swap3A_403 = vector.shape_cast %swap3A_402 : vector<1x16xf32> to vector<16xf32>
        %swap3A_404 = vector.shape_cast %mul3A_399 : vector<16xf32> to vector<1x16xf32>
        tpu.vector_store %arg16[%swap3A_400, %swap3A_401], %swap3A_404 {strides = array<i32>} : memref<40x128xf32, #tpu.memory_space<vmem>>, vector<1x16xf32>,
        %mul3A_405 = arith.mulf %get3A_241, %exp3A_398 : vector<16xf32>
        %swap3A_406 = arith.index_cast %scan3A_143 : i32 to index
        %swap3A_407 = arith.constant 80 : index
        %swap3A_408 = tpu.vector_load %arg16[%swap3A_406, %swap3A_407] {strides = array<i32>} : memref<40x128xf32, #tpu.memory_space<vmem>>, vector<1x16xf32>,
        %swap3A_409 = vector.shape_cast %swap3A_408 : vector<1x16xf32> to vector<16xf32>
        %swap3A_410 = vector.shape_cast %mul3A_405 : vector<16xf32> to vector<1x16xf32>
        tpu.vector_store %arg16[%swap3A_406, %swap3A_407], %swap3A_410 {strides = array<i32>} : memref<40x128xf32, #tpu.memory_space<vmem>>, vector<1x16xf32>,
        %eq3A_411 = arith.constant 2 : i32
        %eq3A_412 = vector.broadcast %eq3A_411 : i32 to vector<16xi32>
        %eq3A_413 = arith.cmpi eq, %iota3A, %eq3A_412 : vector<16xi32>
        %jit3A_414 = arith.constant 0.000000e+00 : f32
        %broadcast_in_dim3A_415 = vector.broadcast %jit3A_414 : f32 to vector<16xf32>
        %select_n3A_416 = arith.select %eq3A_413, %exp3A_398, %broadcast_in_dim3A_415 : vector<16xi1>, vector<16xf32>
        %add3A_417 = arith.addf %add3A_374, %select_n3A_416 : vector<16xf32>
        %add3A_418 = arith.addf %mul3A_275, %mul3A_294 : vector<16xf32>
        %broadcast_in_dim3A_419 = vector.shape_cast %xor3A_27 : vector<16xi32> to vector<16x1xi32>
        %gather3A_420 = vector.shape_cast %broadcast_in_dim3A_419 : vector<16x1xi32> to vector<16xi32>
        %gather3A_421 = tpu.dynamic_gather %add3A_418[%gather3A_420] in [0] : vector<16xf32>, vector<16xi32> -> vector<16xf32>
        %add3A_422 = arith.addf %add3A_418, %gather3A_421 : vector<16xf32>
        %broadcast_in_dim3A_423 = vector.shape_cast %xor3A_30 : vector<16xi32> to vector<16x1xi32>
        %gather3A_424 = vector.shape_cast %broadcast_in_dim3A_423 : vector<16x1xi32> to vector<16xi32>
        %gather3A_425 = tpu.dynamic_gather %add3A_422[%gather3A_424] in [0] : vector<16xf32>, vector<16xi32> -> vector<16xf32>
        %add3A_426 = arith.addf %add3A_422, %gather3A_425 : vector<16xf32>
        %broadcast_in_dim3A_427 = vector.shape_cast %xor3A_33 : vector<16xi32> to vector<16x1xi32>
        %gather3A_428 = vector.shape_cast %broadcast_in_dim3A_427 : vector<16x1xi32> to vector<16xi32>
        %gather3A_429 = tpu.dynamic_gather %add3A_426[%gather3A_428] in [0] : vector<16xf32>, vector<16xi32> -> vector<16xf32>
        %add3A_430 = arith.addf %add3A_426, %gather3A_429 : vector<16xf32>
        %broadcast_in_dim3A_431 = vector.shape_cast %xor3A_36 : vector<16xi32> to vector<16x1xi32>
        %gather3A_432 = vector.shape_cast %broadcast_in_dim3A_431 : vector<16x1xi32> to vector<16xi32>
        %gather3A_433 = tpu.dynamic_gather %add3A_430[%gather3A_432] in [0] : vector<16xf32>, vector<16xi32> -> vector<16xf32>
        %add3A_434 = arith.addf %add3A_430, %gather3A_433 : vector<16xf32>
        %max3A_435 = arith.constant -6.000000e+01 : f32
        %max3A_436 = vector.broadcast %max3A_435 : f32 to vector<16xf32>
        %max3A_437 = arith.maximumf %add3A_434, %max3A_436 : vector<16xf32>
        %min3A_438 = arith.constant 6.000000e+01 : f32
        %min3A_439 = vector.broadcast %min3A_438 : f32 to vector<16xf32>
        %min3A_440 = arith.minimumf %max3A_437, %min3A_439 : vector<16xf32>
        %exp3A_441 = math.exp %min3A_440 : vector<16xf32>
        %mul3A_442 = arith.mulf %get3A_260, %exp3A_441 : vector<16xf32>
        %swap3A_443 = arith.index_cast %scan3A_143 : i32 to index
        %swap3A_444 = arith.constant 96 : index
        %swap3A_445 = tpu.vector_load %arg16[%swap3A_443, %swap3A_444] {strides = array<i32>} : memref<40x128xf32, #tpu.memory_space<vmem>>, vector<1x16xf32>,
        %swap3A_446 = vector.shape_cast %swap3A_445 : vector<1x16xf32> to vector<16xf32>
        %swap3A_447 = vector.shape_cast %mul3A_442 : vector<16xf32> to vector<1x16xf32>
        tpu.vector_store %arg16[%swap3A_443, %swap3A_444], %swap3A_447 {strides = array<i32>} : memref<40x128xf32, #tpu.memory_space<vmem>>, vector<1x16xf32>,
        %mul3A_448 = arith.mulf %get3A_279, %exp3A_441 : vector<16xf32>
        %swap3A_449 = arith.index_cast %scan3A_143 : i32 to index
        %swap3A_450 = arith.constant 112 : index
        %swap3A_451 = tpu.vector_load %arg16[%swap3A_449, %swap3A_450] {strides = array<i32>} : memref<40x128xf32, #tpu.memory_space<vmem>>, vector<1x16xf32>,
        %swap3A_452 = vector.shape_cast %swap3A_451 : vector<1x16xf32> to vector<16xf32>
        %swap3A_453 = vector.shape_cast %mul3A_448 : vector<16xf32> to vector<1x16xf32>
        tpu.vector_store %arg16[%swap3A_449, %swap3A_450], %swap3A_453 {strides = array<i32>} : memref<40x128xf32, #tpu.memory_space<vmem>>, vector<1x16xf32>,
        %eq3A_454 = arith.constant 3 : i32
        %eq3A_455 = vector.broadcast %eq3A_454 : i32 to vector<16xi32>
        %eq3A_456 = arith.cmpi eq, %iota3A, %eq3A_455 : vector<16xi32>
        %jit3A_457 = arith.constant 0.000000e+00 : f32
        %broadcast_in_dim3A_458 = vector.broadcast %jit3A_457 : f32 to vector<16xf32>
        %select_n3A_459 = arith.select %eq3A_456, %exp3A_441, %broadcast_in_dim3A_458 : vector<16xi1>, vector<16xf32>
        %add3A_460 = arith.addf %add3A_417, %select_n3A_459 : vector<16xf32>
        %swap3A_461 = arith.index_cast %scan3A_143 : i32 to index
        %swap3A_462 = arith.constant 0 : index
        %swap3A_463 = tpu.vector_load %arg19[%swap3A_461, %swap3A_462] {strides = array<i32>} : memref<40x128xf32, #tpu.memory_space<vmem>>, vector<1x16xf32>,
        %swap3A_464 = vector.shape_cast %swap3A_463 : vector<1x16xf32> to vector<16xf32>
        %swap3A_465 = vector.shape_cast %add3A_460 : vector<16xf32> to vector<1x16xf32>
        tpu.vector_store %arg19[%swap3A_461, %swap3A_462], %swap3A_465 {strides = array<i32>} : memref<40x128xf32, #tpu.memory_space<vmem>>, vector<1x16xf32>,
      }
      %scan3A_118 = arith.constant 40 : i32
      %dma_start3A_119 = arith.constant 0 : i32
      %dma_start3A_120 = tpu.memref_slice %arg14[%add3A, %dma_start3A_119] : memref<32x40xi32, #tpu.memory_space<vmem>> -> memref<1x40xi32, #tpu.memory_space<vmem>>
      %dma_start3A_121 = tpu.memref_squeeze %dma_start3A_120 : memref<1x40xi32, #tpu.memory_space<vmem>> -> memref<40xi32, #tpu.memory_space<vmem>>
      %dma_start3A_122 = arith.constant 0 : i32
      %dma_start3A_123 = arith.constant 0 : i32
      %dma_start3A_124 = tpu.memref_slice %arg21[%dma_start3A_122, %dma_start3A_123] : memref<10752x128xf32, #tpu.memory_space<vmem_shared>> -> memref<10752x128xf32, #tpu.memory_space<vmem_shared>>
      tpu.enqueue_indirect_dma source(%arg16 : memref<40x128xf32, #tpu.memory_space<vmem>>) target(%dma_start3A_124 : memref<10752x128xf32, #tpu.memory_space<vmem_shared>>) offsets(%dma_start3A_121 : memref<40xi32, #tpu.memory_space<vmem>>) semaphore(%arg24 : memref<!tpu.dma_semaphore, #tpu.memory_space<semaphore_mem>>) {add = true}
      %dma_start3A_125 = arith.constant 0 : i32
      %dma_start3A_126 = tpu.memref_slice %arg15[%add3A, %dma_start3A_125] : memref<32x40xi32, #tpu.memory_space<vmem>> -> memref<1x40xi32, #tpu.memory_space<vmem>>
      %dma_start3A_127 = tpu.memref_squeeze %dma_start3A_126 : memref<1x40xi32, #tpu.memory_space<vmem>> -> memref<40xi32, #tpu.memory_space<vmem>>
      %dma_start3A_128 = arith.constant 0 : i32
      %dma_start3A_129 = arith.constant 0 : i32
      %dma_start3A_130 = tpu.memref_slice %arg21[%dma_start3A_128, %dma_start3A_129] : memref<10752x128xf32, #tpu.memory_space<vmem_shared>> -> memref<10752x128xf32, #tpu.memory_space<vmem_shared>>
      tpu.enqueue_indirect_dma source(%arg19 : memref<40x128xf32, #tpu.memory_space<vmem>>) target(%dma_start3A_130 : memref<10752x128xf32, #tpu.memory_space<vmem_shared>>) offsets(%dma_start3A_127 : memref<40xi32, #tpu.memory_space<vmem>>) semaphore(%arg25 : memref<!tpu.dma_semaphore, #tpu.memory_space<semaphore_mem>>) {add = true}
      %dma_wait3A_131 = arith.constant 0 : i32
      %dma_wait3A_132 = tpu.memref_slice %arg14[%add3A, %dma_wait3A_131] : memref<32x40xi32, #tpu.memory_space<vmem>> -> memref<1x40xi32, #tpu.memory_space<vmem>>
      %dma_wait3A_133 = tpu.memref_squeeze %dma_wait3A_132 : memref<1x40xi32, #tpu.memory_space<vmem>> -> memref<40xi32, #tpu.memory_space<vmem>>
      %dma_wait3A_134 = arith.constant 0 : i32
      %dma_wait3A_135 = arith.constant 0 : i32
      %dma_wait3A_136 = tpu.memref_slice %arg21[%dma_wait3A_134, %dma_wait3A_135] : memref<10752x128xf32, #tpu.memory_space<vmem_shared>> -> memref<10752x128xf32, #tpu.memory_space<vmem_shared>>
      tpu.wait_indirect_dma semaphore(%arg24 : memref<!tpu.dma_semaphore, #tpu.memory_space<semaphore_mem>>) src(%arg16 : memref<40x128xf32, #tpu.memory_space<vmem>>) dst(%dma_wait3A_136 : memref<10752x128xf32, #tpu.memory_space<vmem_shared>>)
      %dma_wait3A_137 = arith.constant 0 : i32
      %dma_wait3A_138 = tpu.memref_slice %arg15[%add3A, %dma_wait3A_137] : memref<32x40xi32, #tpu.memory_space<vmem>> -> memref<1x40xi32, #tpu.memory_space<vmem>>
      %dma_wait3A_139 = tpu.memref_squeeze %dma_wait3A_138 : memref<1x40xi32, #tpu.memory_space<vmem>> -> memref<40xi32, #tpu.memory_space<vmem>>
      %dma_wait3A_140 = arith.constant 0 : i32
      %dma_wait3A_141 = arith.constant 0 : i32
      %dma_wait3A_142 = tpu.memref_slice %arg21[%dma_wait3A_140, %dma_wait3A_141] : memref<10752x128xf32, #tpu.memory_space<vmem_shared>> -> memref<10752x128xf32, #tpu.memory_space<vmem_shared>>
      tpu.wait_indirect_dma semaphore(%arg25 : memref<!tpu.dma_semaphore, #tpu.memory_space<semaphore_mem>>) src(%arg19 : memref<40x128xf32, #tpu.memory_space<vmem>>) dst(%dma_wait3A_142 : memref<10752x128xf32, #tpu.memory_space<vmem_shared>>)
    }
    %scan3A_43 = arith.constant 500 : i32
    %barrier3A_44 = arith.constant 0 : index
    tpu.barrier barrier_id(%barrier3A_44)
    "tpu.region"() ({
      %run_scoped3A = tpu.sem_alloc : memref<!tpu.dma_semaphore, #tpu.memory_space<semaphore_mem>>
      %dma_start3A = arith.constant 0 : i32
      %dma_start3A_45 = tpu.memref_slice %arg11[%arg0, %mul3A_2, %dma_start3A] : memref<2x10752x128xf32, #tpu.memory_space<hbm>> -> memref<1x672x128xf32, #tpu.memory_space<hbm>>
      %dma_start3A_46 = tpu.memref_squeeze %dma_start3A_45 : memref<1x672x128xf32, #tpu.memory_space<hbm>> -> memref<672x128xf32, #tpu.memory_space<hbm>>
      %dma_start3A_47 = arith.constant 0 : i32
      %dma_start3A_48 = tpu.memref_slice %arg21[%mul3A_2, %dma_start3A_47] : memref<10752x128xf32, #tpu.memory_space<vmem_shared>> -> memref<672x128xf32, #tpu.memory_space<vmem_shared>>
      tpu.enqueue_dma source(%dma_start3A_48 : memref<672x128xf32, #tpu.memory_space<vmem_shared>>) target(%dma_start3A_46 : memref<672x128xf32, #tpu.memory_space<hbm>>) target_semaphore(%run_scoped3A : memref<!tpu.dma_semaphore, #tpu.memory_space<semaphore_mem>>)
      %dma_wait3A = arith.constant 0 : i32
      %dma_wait3A_49 = tpu.memref_slice %arg11[%arg0, %mul3A_2, %dma_wait3A] : memref<2x10752x128xf32, #tpu.memory_space<hbm>> -> memref<1x672x128xf32, #tpu.memory_space<hbm>>
      %dma_wait3A_50 = tpu.memref_squeeze %dma_wait3A_49 : memref<1x672x128xf32, #tpu.memory_space<hbm>> -> memref<672x128xf32, #tpu.memory_space<hbm>>
      %dma_wait3A_51 = arith.constant 0 : i32
      %dma_wait3A_52 = tpu.memref_slice %arg21[%mul3A_2, %dma_wait3A_51] : memref<10752x128xf32, #tpu.memory_space<vmem_shared>> -> memref<672x128xf32, #tpu.memory_space<vmem_shared>>
      tpu.wait_dma2 semaphore(%run_scoped3A : memref<!tpu.dma_semaphore, #tpu.memory_space<semaphore_mem>>) src(%dma_wait3A_52 : memref<672x128xf32, #tpu.memory_space<vmem_shared>>) dst(%dma_wait3A_50 : memref<672x128xf32, #tpu.memory_space<hbm>>)
      tpu.yield
    }) : () -> ()
    return
  }
}

module attributes {stable_mosaic.version = 14 : i64} {
  func.func @body(%arg0: i32, %arg1: memref<4000x16xf32, #tpu.memory_space<vmem>>, %arg2: memref<1x1x4000xi32, #tpu.memory_space<vmem>>, %arg3: memref<16x128xf32, #tpu.memory_space<vmem>>, %arg4: memref<16x128xf32, #tpu.memory_space<vmem>>, %arg5: memref<4000x128xf32, #tpu.memory_space<vmem>>, %arg6: memref<4000x128xf32, #tpu.memory_space<vmem>>, %arg7: memref<1x1x4000xi32, #tpu.memory_space<vmem>>, %arg8: memref<1x1x4000xi32, #tpu.memory_space<vmem>>, %arg9: memref<1x1x4000xi32, #tpu.memory_space<vmem>>, %arg10: memref<1x1x4000xi32, #tpu.memory_space<vmem>>) attributes {dimension_semantics = [#tpu.dimension_semantics<arbitrary>], iteration_bounds = array<i64: 80>, scalar_prefetch = 0 : i64, scratch_operands = 0 : i64, tpu.core_type = #tpu.core_type<tc>, window_params = [{transform_indices = @transform_0, window_bounds = array<i64: 4000, 16>}, {transform_indices = @transform_1, window_bounds = array<i64: 1, 1, 4000>}, {pipeline_mode = #tpu.pipeline_mode<synchronous>, transform_indices = @transform_2, window_bounds = array<i64: 16, 128>}, {pipeline_mode = #tpu.pipeline_mode<synchronous>, transform_indices = @transform_3, window_bounds = array<i64: 16, 128>}, {transform_indices = @transform_4, window_bounds = array<i64: 4000, 128>}, {transform_indices = @transform_5, window_bounds = array<i64: 4000, 128>}, {transform_indices = @transform_6, window_bounds = array<i64: 1, 1, 4000>}, {transform_indices = @transform_7, window_bounds = array<i64: 1, 1, 4000>}, {transform_indices = @transform_8, window_bounds = array<i64: 1, 1, 4000>}, {transform_indices = @transform_9, window_bounds = array<i64: 1, 1, 4000>}]} {
    %get3A = arith.constant 0 : index
    %get3A_0 = arith.constant 0 : index
    %get3A_1 = vector.load %arg1[%get3A, %get3A_0] : memref<4000x16xf32, #tpu.memory_space<vmem>>, vector<4000x16xf32>
    %get3A_2 = arith.constant 0 : index
    %get3A_3 = arith.constant 0 : index
    %get3A_4 = vector.load %arg3[%get3A_2, %get3A_3] : memref<16x128xf32, #tpu.memory_space<vmem>>, vector<16x128xf32>
    %dot_general3A = arith.constant dense<0.000000e+00> : vector<4000x128xf32>
    %dot_general3A_5 = tpu.matmul %get3A_1, %get3A_4, %dot_general3A {dimension_numbers = #tpu.dot_dimension_numbers<[1], [0], [0], [1], [0, 0, 1, 1], [], []>, transpose_lhs_hint = false} : vector<4000x16xf32>, vector<16x128xf32>, vector<4000x128xf32> -> vector<4000x128xf32>
    %swap3A = arith.constant 0 : index
    %swap3A_6 = arith.constant 0 : index
    %swap3A_7 = vector.load %arg5[%swap3A, %swap3A_6] : memref<4000x128xf32, #tpu.memory_space<vmem>>, vector<4000x128xf32>
    tpu.vector_store %arg5[%swap3A, %swap3A_6], %dot_general3A_5 {strides = array<i32>} : memref<4000x128xf32, #tpu.memory_space<vmem>>, vector<4000x128xf32>,
    %get3A_8 = arith.constant 0 : index
    %get3A_9 = arith.constant 0 : index
    %get3A_10 = vector.load %arg4[%get3A_8, %get3A_9] : memref<16x128xf32, #tpu.memory_space<vmem>>, vector<16x128xf32>
    %dot_general3A_11 = arith.constant dense<0.000000e+00> : vector<4000x128xf32>
    %dot_general3A_12 = tpu.matmul %get3A_1, %get3A_10, %dot_general3A_11 {dimension_numbers = #tpu.dot_dimension_numbers<[1], [0], [0], [1], [0, 0, 1, 1], [], []>, transpose_lhs_hint = false} : vector<4000x16xf32>, vector<16x128xf32>, vector<4000x128xf32> -> vector<4000x128xf32>
    %swap3A_13 = arith.constant 0 : index
    %swap3A_14 = arith.constant 0 : index
    %swap3A_15 = vector.load %arg6[%swap3A_13, %swap3A_14] : memref<4000x128xf32, #tpu.memory_space<vmem>>, vector<4000x128xf32>
    tpu.vector_store %arg6[%swap3A_13, %swap3A_14], %dot_general3A_12 {strides = array<i32>} : memref<4000x128xf32, #tpu.memory_space<vmem>>, vector<4000x128xf32>,
    %get3A_16 = arith.constant 0 : index
    %get3A_17 = arith.constant 0 : index
    %get3A_18 = arith.constant 0 : index
    %get3A_19 = vector.load %arg2[%get3A_16, %get3A_17, %get3A_18] : memref<1x1x4000xi32, #tpu.memory_space<vmem>>, vector<1x1x4000xi32>
    %lt3A = arith.constant 5120 : i32
    %lt3A_20 = vector.broadcast %lt3A : i32 to vector<1x1x4000xi32>
    %lt3A_21 = arith.cmpi slt, %get3A_19, %lt3A_20 : vector<1x1x4000xi32>
    %jit3A = arith.constant 5120 : i32
    %broadcast_in_dim3A = vector.broadcast %jit3A : i32 to vector<1x1x4000xi32>
    %select_n3A = arith.select %lt3A_21, %get3A_19, %broadcast_in_dim3A : vector<1x1x4000xi1>, vector<1x1x4000xi32>
    %sub3A = arith.constant 5120 : i32
    %sub3A_22 = vector.broadcast %sub3A : i32 to vector<1x1x4000xi32>
    %sub3A_23 = arith.subi %get3A_19, %sub3A_22 : vector<1x1x4000xi32>
    %ge3A = arith.constant 0 : i32
    %ge3A_24 = vector.broadcast %ge3A : i32 to vector<1x1x4000xi32>
    %ge3A_25 = arith.cmpi sge, %sub3A_23, %ge3A_24 : vector<1x1x4000xi32>
    %jit3A_26 = arith.constant 5120 : i32
    %broadcast_in_dim3A_27 = vector.broadcast %jit3A_26 : i32 to vector<1x1x4000xi32>
    %select_n3A_28 = arith.select %ge3A_25, %sub3A_23, %broadcast_in_dim3A_27 : vector<1x1x4000xi1>, vector<1x1x4000xi32>
    %mul3A = arith.constant 2 : i32
    %mul3A_29 = vector.broadcast %mul3A : i32 to vector<1x1x4000xi32>
    %mul3A_30 = arith.muli %mul3A_29, %select_n3A : vector<1x1x4000xi32>
    %swap3A_31 = arith.constant 0 : index
    %swap3A_32 = arith.constant 0 : index
    %swap3A_33 = arith.constant 0 : index
    %swap3A_34 = vector.load %arg7[%swap3A_31, %swap3A_32, %swap3A_33] : memref<1x1x4000xi32, #tpu.memory_space<vmem>>, vector<1x1x4000xi32>
    tpu.vector_store %arg7[%swap3A_31, %swap3A_32, %swap3A_33], %mul3A_30 {strides = array<i32>} : memref<1x1x4000xi32, #tpu.memory_space<vmem>>, vector<1x1x4000xi32>,
    %mul3A_35 = arith.constant 2 : i32
    %mul3A_36 = vector.broadcast %mul3A_35 : i32 to vector<1x1x4000xi32>
    %mul3A_37 = arith.muli %mul3A_36, %select_n3A : vector<1x1x4000xi32>
    %add3A = arith.constant 1 : i32
    %add3A_38 = vector.broadcast %add3A : i32 to vector<1x1x4000xi32>
    %add3A_39 = arith.addi %mul3A_37, %add3A_38 : vector<1x1x4000xi32>
    %swap3A_40 = arith.constant 0 : index
    %swap3A_41 = arith.constant 0 : index
    %swap3A_42 = arith.constant 0 : index
    %swap3A_43 = vector.load %arg8[%swap3A_40, %swap3A_41, %swap3A_42] : memref<1x1x4000xi32, #tpu.memory_space<vmem>>, vector<1x1x4000xi32>
    tpu.vector_store %arg8[%swap3A_40, %swap3A_41, %swap3A_42], %add3A_39 {strides = array<i32>} : memref<1x1x4000xi32, #tpu.memory_space<vmem>>, vector<1x1x4000xi32>,
    %mul3A_44 = arith.constant 2 : i32
    %mul3A_45 = vector.broadcast %mul3A_44 : i32 to vector<1x1x4000xi32>
    %mul3A_46 = arith.muli %mul3A_45, %select_n3A_28 : vector<1x1x4000xi32>
    %swap3A_47 = arith.constant 0 : index
    %swap3A_48 = arith.constant 0 : index
    %swap3A_49 = arith.constant 0 : index
    %swap3A_50 = vector.load %arg9[%swap3A_47, %swap3A_48, %swap3A_49] : memref<1x1x4000xi32, #tpu.memory_space<vmem>>, vector<1x1x4000xi32>
    tpu.vector_store %arg9[%swap3A_47, %swap3A_48, %swap3A_49], %mul3A_46 {strides = array<i32>} : memref<1x1x4000xi32, #tpu.memory_space<vmem>>, vector<1x1x4000xi32>,
    %mul3A_51 = arith.constant 2 : i32
    %mul3A_52 = vector.broadcast %mul3A_51 : i32 to vector<1x1x4000xi32>
    %mul3A_53 = arith.muli %mul3A_52, %select_n3A_28 : vector<1x1x4000xi32>
    %add3A_54 = arith.constant 1 : i32
    %add3A_55 = vector.broadcast %add3A_54 : i32 to vector<1x1x4000xi32>
    %add3A_56 = arith.addi %mul3A_53, %add3A_55 : vector<1x1x4000xi32>
    %swap3A_57 = arith.constant 0 : index
    %swap3A_58 = arith.constant 0 : index
    %swap3A_59 = arith.constant 0 : index
    %swap3A_60 = vector.load %arg10[%swap3A_57, %swap3A_58, %swap3A_59] : memref<1x1x4000xi32, #tpu.memory_space<vmem>>, vector<1x1x4000xi32>
    tpu.vector_store %arg10[%swap3A_57, %swap3A_58, %swap3A_59], %add3A_56 {strides = array<i32>} : memref<1x1x4000xi32, #tpu.memory_space<vmem>>, vector<1x1x4000xi32>,
    return
  }
  func.func @transform_0(%arg0: i32) -> (i32, i32) {
    %c0_i32 = arith.constant 0 : i32
    %c0_i32_0 = arith.constant 0 : i32
    return %arg0, %c0_i32 : i32, i32
  }
  func.func @transform_1(%arg0: i32) -> (i32, i32, i32) {
    %c0_i32 = arith.constant 0 : i32
    %c0_i32_0 = arith.constant 0 : i32
    %c0_i32_1 = arith.constant 0 : i32
    return %arg0, %c0_i32, %c0_i32_0 : i32, i32, i32
  }
  func.func @transform_2(%arg0: i32) -> (i32, i32) {
    %c0_i32 = arith.constant 0 : i32
    %c0_i32_0 = arith.constant 0 : i32
    %c0_i32_1 = arith.constant 0 : i32
    return %c0_i32, %c0_i32_0 : i32, i32
  }
  func.func @transform_3(%arg0: i32) -> (i32, i32) {
    %c0_i32 = arith.constant 0 : i32
    %c0_i32_0 = arith.constant 0 : i32
    %c0_i32_1 = arith.constant 0 : i32
    return %c0_i32, %c0_i32_0 : i32, i32
  }
  func.func @transform_4(%arg0: i32) -> (i32, i32) {
    %c0_i32 = arith.constant 0 : i32
    %c0_i32_0 = arith.constant 0 : i32
    return %arg0, %c0_i32 : i32, i32
  }
  func.func @transform_5(%arg0: i32) -> (i32, i32) {
    %c0_i32 = arith.constant 0 : i32
    %c0_i32_0 = arith.constant 0 : i32
    return %arg0, %c0_i32 : i32, i32
  }
  func.func @transform_6(%arg0: i32) -> (i32, i32, i32) {
    %c0_i32 = arith.constant 0 : i32
    %c0_i32_0 = arith.constant 0 : i32
    %c0_i32_1 = arith.constant 0 : i32
    return %arg0, %c0_i32, %c0_i32_0 : i32, i32, i32
  }
  func.func @transform_7(%arg0: i32) -> (i32, i32, i32) {
    %c0_i32 = arith.constant 0 : i32
    %c0_i32_0 = arith.constant 0 : i32
    %c0_i32_1 = arith.constant 0 : i32
    return %arg0, %c0_i32, %c0_i32_0 : i32, i32, i32
  }
  func.func @transform_8(%arg0: i32) -> (i32, i32, i32) {
    %c0_i32 = arith.constant 0 : i32
    %c0_i32_0 = arith.constant 0 : i32
    %c0_i32_1 = arith.constant 0 : i32
    return %arg0, %c0_i32, %c0_i32_0 : i32, i32, i32
  }
  func.func @transform_9(%arg0: i32) -> (i32, i32, i32) {
    %c0_i32 = arith.constant 0 : i32
    %c0_i32_0 = arith.constant 0 : i32
    %c0_i32_1 = arith.constant 0 : i32
    return %arg0, %c0_i32, %c0_i32_0 : i32, i32, i32
  }
}

module attributes {stable_mosaic.version = 14 : i64} {
  func.func @body(%arg0: i32, %arg1: memref<1000x128xf32, #tpu.memory_space<vmem>>, %arg2: memref<128x128xf32, #tpu.memory_space<vmem>>, %arg3: memref<1x128xf32, #tpu.memory_space<vmem>>, %arg4: memref<128x128xf32, #tpu.memory_space<vmem>>, %arg5: memref<1x128xf32, #tpu.memory_space<vmem>>, %arg6: memref<1000x128xf32, #tpu.memory_space<vmem>>, %arg7: memref<1000x128xf32, #tpu.memory_space<vmem>>) attributes {dimension_semantics = [#tpu.dimension_semantics<arbitrary>], iteration_bounds = array<i64: 10>, scalar_prefetch = 0 : i64, scratch_operands = 0 : i64, tpu.core_type = #tpu.core_type<tc>, window_params = [{transform_indices = @transform_0, window_bounds = array<i64: 1000, 128>}, {pipeline_mode = #tpu.pipeline_mode<synchronous>, transform_indices = @transform_1, window_bounds = array<i64: 128, 128>}, {pipeline_mode = #tpu.pipeline_mode<synchronous>, transform_indices = @transform_2, window_bounds = array<i64: 1, 128>}, {pipeline_mode = #tpu.pipeline_mode<synchronous>, transform_indices = @transform_3, window_bounds = array<i64: 128, 128>}, {pipeline_mode = #tpu.pipeline_mode<synchronous>, transform_indices = @transform_4, window_bounds = array<i64: 1, 128>}, {transform_indices = @transform_5, window_bounds = array<i64: 1000, 128>}, {transform_indices = @transform_6, window_bounds = array<i64: 1000, 128>}]} {
    %get3A = arith.constant 0 : index
    %get3A_0 = arith.constant 0 : index
    %get3A_1 = vector.load %arg1[%get3A, %get3A_0] : memref<1000x128xf32, #tpu.memory_space<vmem>>, vector<1000x128xf32>
    %get3A_2 = arith.constant 0 : index
    %get3A_3 = arith.constant 0 : index
    %get3A_4 = vector.load %arg2[%get3A_2, %get3A_3] : memref<128x128xf32, #tpu.memory_space<vmem>>, vector<128x128xf32>
    %dot_general3A = arith.constant dense<0.000000e+00> : vector<1000x128xf32>
    %dot_general3A_5 = tpu.matmul %get3A_1, %get3A_4, %dot_general3A {dimension_numbers = #tpu.dot_dimension_numbers<[1], [0], [0], [1], [0, 0, 1, 1], [], []>, transpose_lhs_hint = false} : vector<1000x128xf32>, vector<128x128xf32>, vector<1000x128xf32> -> vector<1000x128xf32>
    %get3A_6 = arith.constant 0 : index
    %get3A_7 = arith.constant 0 : index
    %get3A_8 = vector.load %arg3[%get3A_6, %get3A_7] : memref<1x128xf32, #tpu.memory_space<vmem>>, vector<1x128xf32>
    %add3A = vector.broadcast %get3A_8 : vector<1x128xf32> to vector<1000x128xf32>
    %add3A_9 = arith.addf %dot_general3A_5, %add3A : vector<1000x128xf32>
    %swap3A = arith.constant 0 : index
    %swap3A_10 = arith.constant 0 : index
    %swap3A_11 = vector.load %arg6[%swap3A, %swap3A_10] : memref<1000x128xf32, #tpu.memory_space<vmem>>, vector<1000x128xf32>
    tpu.vector_store %arg6[%swap3A, %swap3A_10], %add3A_9 {strides = array<i32>} : memref<1000x128xf32, #tpu.memory_space<vmem>>, vector<1000x128xf32>,
    %get3A_12 = arith.constant 0 : index
    %get3A_13 = arith.constant 0 : index
    %get3A_14 = vector.load %arg4[%get3A_12, %get3A_13] : memref<128x128xf32, #tpu.memory_space<vmem>>, vector<128x128xf32>
    %dot_general3A_15 = arith.constant dense<0.000000e+00> : vector<1000x128xf32>
    %dot_general3A_16 = tpu.matmul %get3A_1, %get3A_14, %dot_general3A_15 {dimension_numbers = #tpu.dot_dimension_numbers<[1], [0], [0], [1], [0, 0, 1, 1], [], []>, transpose_lhs_hint = false} : vector<1000x128xf32>, vector<128x128xf32>, vector<1000x128xf32> -> vector<1000x128xf32>
    %get3A_17 = arith.constant 0 : index
    %get3A_18 = arith.constant 0 : index
    %get3A_19 = vector.load %arg5[%get3A_17, %get3A_18] : memref<1x128xf32, #tpu.memory_space<vmem>>, vector<1x128xf32>
    %add3A_20 = vector.broadcast %get3A_19 : vector<1x128xf32> to vector<1000x128xf32>
    %add3A_21 = arith.addf %dot_general3A_16, %add3A_20 : vector<1000x128xf32>
    %swap3A_22 = arith.constant 0 : index
    %swap3A_23 = arith.constant 0 : index
    %swap3A_24 = vector.load %arg7[%swap3A_22, %swap3A_23] : memref<1000x128xf32, #tpu.memory_space<vmem>>, vector<1000x128xf32>
    tpu.vector_store %arg7[%swap3A_22, %swap3A_23], %add3A_21 {strides = array<i32>} : memref<1000x128xf32, #tpu.memory_space<vmem>>, vector<1000x128xf32>,
    return
  }
  func.func @transform_0(%arg0: i32) -> (i32, i32) {
    %c0_i32 = arith.constant 0 : i32
    %c0_i32_0 = arith.constant 0 : i32
    return %arg0, %c0_i32 : i32, i32
  }
  func.func @transform_1(%arg0: i32) -> (i32, i32) {
    %c0_i32 = arith.constant 0 : i32
    %c0_i32_0 = arith.constant 0 : i32
    %c0_i32_1 = arith.constant 0 : i32
    return %c0_i32, %c0_i32_0 : i32, i32
  }
  func.func @transform_2(%arg0: i32) -> (i32, i32) {
    %c0_i32 = arith.constant 0 : i32
    %c0_i32_0 = arith.constant 0 : i32
    %c0_i32_1 = arith.constant 0 : i32
    return %c0_i32, %c0_i32_0 : i32, i32
  }
  func.func @transform_3(%arg0: i32) -> (i32, i32) {
    %c0_i32 = arith.constant 0 : i32
    %c0_i32_0 = arith.constant 0 : i32
    %c0_i32_1 = arith.constant 0 : i32
    return %c0_i32, %c0_i32_0 : i32, i32
  }
  func.func @transform_4(%arg0: i32) -> (i32, i32) {
    %c0_i32 = arith.constant 0 : i32
    %c0_i32_0 = arith.constant 0 : i32
    %c0_i32_1 = arith.constant 0 : i32
    return %c0_i32, %c0_i32_0 : i32, i32
  }
  func.func @transform_5(%arg0: i32) -> (i32, i32) {
    %c0_i32 = arith.constant 0 : i32
    %c0_i32_0 = arith.constant 0 : i32
    return %arg0, %c0_i32 : i32, i32
  }
  func.func @transform_6(%arg0: i32) -> (i32, i32) {
    %c0_i32 = arith.constant 0 : i32
    %c0_i32_0 = arith.constant 0 : i32
    return %arg0, %c0_i32 : i32, i32
  }
}

module attributes {stable_mosaic.version = 14 : i64} {
  func.func @body(%arg0: i32, %arg1: memref<1000x128xf32, #tpu.memory_space<vmem>>, %arg2: memref<1000x8xf32, #tpu.memory_space<vmem>>, %arg3: memref<1x128xf32, #tpu.memory_space<vmem>>, %arg4: memref<1x128xf32, #tpu.memory_space<vmem>>, %arg5: memref<1x128xf32, #tpu.memory_space<vmem>>, %arg6: memref<128x128xf32, #tpu.memory_space<vmem>>, %arg7: memref<1x128xf32, #tpu.memory_space<vmem>>, %arg8: memref<128x128xf32, #tpu.memory_space<vmem>>, %arg9: memref<1x128xf32, #tpu.memory_space<vmem>>, %arg10: memref<1000x128xf32, #tpu.memory_space<vmem>>, %arg11: memref<1000x128xf32, #tpu.memory_space<vmem>>) attributes {dimension_semantics = [#tpu.dimension_semantics<arbitrary>], iteration_bounds = array<i64: 10>, scalar_prefetch = 0 : i64, scratch_operands = 0 : i64, tpu.core_type = #tpu.core_type<tc>, window_params = [{transform_indices = @transform_0, window_bounds = array<i64: 1000, 128>}, {transform_indices = @transform_1, window_bounds = array<i64: 1000, 8>}, {pipeline_mode = #tpu.pipeline_mode<synchronous>, transform_indices = @transform_2, window_bounds = array<i64: 1, 128>}, {pipeline_mode = #tpu.pipeline_mode<synchronous>, transform_indices = @transform_3, window_bounds = array<i64: 1, 128>}, {pipeline_mode = #tpu.pipeline_mode<synchronous>, transform_indices = @transform_4, window_bounds = array<i64: 1, 128>}, {pipeline_mode = #tpu.pipeline_mode<synchronous>, transform_indices = @transform_5, window_bounds = array<i64: 128, 128>}, {pipeline_mode = #tpu.pipeline_mode<synchronous>, transform_indices = @transform_6, window_bounds = array<i64: 1, 128>}, {pipeline_mode = #tpu.pipeline_mode<synchronous>, transform_indices = @transform_7, window_bounds = array<i64: 128, 128>}, {pipeline_mode = #tpu.pipeline_mode<synchronous>, transform_indices = @transform_8, window_bounds = array<i64: 1, 128>}, {transform_indices = @transform_9, window_bounds = array<i64: 1000, 128>}, {transform_indices = @transform_10, window_bounds = array<i64: 1000, 128>}]} {
    %get3A = arith.constant 0 : index
    %get3A_0 = arith.constant 0 : index
    %get3A_1 = vector.load %arg1[%get3A, %get3A_0] : memref<1000x128xf32, #tpu.memory_space<vmem>>, vector<1000x128xf32>
    %get3A_2 = arith.constant 0 : index
    %get3A_3 = arith.constant 0 : index
    %get3A_4 = vector.load %arg2[%get3A_2, %get3A_3] : memref<1000x8xf32, #tpu.memory_space<vmem>>, vector<1000x8xf32>
    %iota3A = tpu.iota {dimensions = array<i32: 0>} : vector<8x128xi32>
    %iota3A_5 = tpu.iota {dimensions = array<i32: 1>} : vector<8x128xi32>
    %jit3A = arith.constant 32 : i32
    %div3A = vector.broadcast %jit3A : i32 to vector<8x128xi32>
    %div3A_6 = arith.divsi %iota3A_5, %div3A : vector<8x128xi32>
    %sign3A = arith.constant 0 : i32
    %sign3A_7 = vector.broadcast %sign3A : i32 to vector<8x128xi32>
    %sign3A_8 = arith.cmpi sgt, %iota3A_5, %sign3A_7 : vector<8x128xi32>
    %sign3A_9 = arith.extui %sign3A_8 : vector<8x128xi1> to vector<8x128xi32>
    %sign3A_10 = arith.constant 0 : i32
    %sign3A_11 = vector.broadcast %sign3A_10 : i32 to vector<8x128xi32>
    %sign3A_12 = arith.cmpi slt, %iota3A_5, %sign3A_11 : vector<8x128xi32>
    %sign3A_13 = arith.extui %sign3A_12 : vector<8x128xi1> to vector<8x128xi32>
    %sign3A_14 = arith.subi %sign3A_9, %sign3A_13 : vector<8x128xi32>
    %sign3A_15 = arith.constant 0 : i32
    %sign3A_16 = arith.cmpi sgt, %jit3A, %sign3A_15 : i32
    %sign3A_17 = arith.extui %sign3A_16 : i1 to i32
    %sign3A_18 = arith.constant 0 : i32
    %sign3A_19 = arith.cmpi slt, %jit3A, %sign3A_18 : i32
    %sign3A_20 = arith.extui %sign3A_19 : i1 to i32
    %sign3A_21 = arith.subi %sign3A_17, %sign3A_20 : i32
    %ne3A = vector.broadcast %sign3A_21 : i32 to vector<8x128xi32>
    %ne3A_22 = arith.cmpi ne, %sign3A_14, %ne3A : vector<8x128xi32>
    %rem3A = vector.broadcast %jit3A : i32 to vector<8x128xi32>
    %rem3A_23 = arith.remsi %iota3A_5, %rem3A : vector<8x128xi32>
    %ne3A_24 = arith.constant 0 : i32
    %ne3A_25 = vector.broadcast %ne3A_24 : i32 to vector<8x128xi32>
    %ne3A_26 = arith.cmpi ne, %rem3A_23, %ne3A_25 : vector<8x128xi32>
    %and3A = arith.andi %ne3A_22, %ne3A_26 : vector<8x128xi1>
    %sub3A = arith.constant 1 : i32
    %sub3A_27 = vector.broadcast %sub3A : i32 to vector<8x128xi32>
    %sub3A_28 = arith.subi %div3A_6, %sub3A_27 : vector<8x128xi32>
    %select_n3A = arith.select %and3A, %sub3A_28, %div3A_6 : vector<8x128xi1>, vector<8x128xi32>
    %eq3A = arith.cmpi eq, %iota3A, %select_n3A : vector<8x128xi32>
    %convert_element_type3A = arith.extui %eq3A : vector<8x128xi1> to vector<8x128xi32>
    %convert_element_type3A_29 = arith.sitofp %convert_element_type3A : vector<8x128xi32> to vector<8x128xf32>
    %dot_general3A = arith.constant dense<0.000000e+00> : vector<1000x128xf32>
    %dot_general3A_30 = tpu.matmul %get3A_4, %convert_element_type3A_29, %dot_general3A {dimension_numbers = #tpu.dot_dimension_numbers<[1], [0], [0], [1], [0, 0, 1, 1], [], []>, transpose_lhs_hint = false} : vector<1000x8xf32>, vector<8x128xf32>, vector<1000x128xf32> -> vector<1000x128xf32>
    %gt3A = arith.constant 0.000000e+00 : f32
    %gt3A_31 = vector.broadcast %gt3A : f32 to vector<1000x128xf32>
    %gt3A_32 = arith.cmpf ogt, %dot_general3A_30, %gt3A_31 : vector<1000x128xf32>
    %max3A = arith.constant 1.000000e-30 : f32
    %max3A_33 = vector.broadcast %max3A : f32 to vector<1000x128xf32>
    %max3A_34 = arith.maximumf %dot_general3A_30, %max3A_33 : vector<1000x128xf32>
    %div3A_35 = arith.divf %get3A_1, %max3A_34 : vector<1000x128xf32>
    %jit3A_36 = arith.constant 0.000000e+00 : f32
    %broadcast_in_dim3A = vector.broadcast %jit3A_36 : f32 to vector<1000x128xf32>
    %select_n3A_37 = arith.select %gt3A_32, %div3A_35, %broadcast_in_dim3A : vector<1000x128xi1>, vector<1000x128xf32>
    %get3A_38 = arith.constant 0 : index
    %get3A_39 = arith.constant 0 : index
    %get3A_40 = vector.load %arg3[%get3A_38, %get3A_39] : memref<1x128xf32, #tpu.memory_space<vmem>>, vector<1x128xf32>
    %add3A = vector.broadcast %get3A_40 : vector<1x128xf32> to vector<1000x128xf32>
    %add3A_41 = arith.addf %select_n3A_37, %add3A : vector<1000x128xf32>
    %reduce_sum3A = arith.constant dense<0.000000e+00> : vector<1000xf32>
    %reduce_sum3A_42 = vector.multi_reduction <add>, %add3A_41, %reduce_sum3A [1] : vector<1000x128xf32> to vector<1000xf32>
    %broadcast_in_dim3A_43 = vector.shape_cast %reduce_sum3A_42 : vector<1000xf32> to vector<1000x1xf32>
    %div3A_44 = arith.constant 1.280000e+02 : f32
    %div3A_45 = vector.broadcast %div3A_44 : f32 to vector<1000x1xf32>
    %div3A_46 = arith.divf %broadcast_in_dim3A_43, %div3A_45 : vector<1000x1xf32>
    %sub3A_47 = vector.broadcast %div3A_46 : vector<1000x1xf32> to vector<1000x128xf32>
    %sub3A_48 = arith.subf %add3A_41, %sub3A_47 : vector<1000x128xf32>
    %integer_pow3A = arith.mulf %sub3A_48, %sub3A_48 : vector<1000x128xf32>
    %reduce_sum3A_49 = arith.constant dense<0.000000e+00> : vector<1000xf32>
    %reduce_sum3A_50 = vector.multi_reduction <add>, %integer_pow3A, %reduce_sum3A_49 [1] : vector<1000x128xf32> to vector<1000xf32>
    %broadcast_in_dim3A_51 = vector.shape_cast %reduce_sum3A_50 : vector<1000xf32> to vector<1000x1xf32>
    %div3A_52 = arith.constant 1.280000e+02 : f32
    %div3A_53 = vector.broadcast %div3A_52 : f32 to vector<1000x1xf32>
    %div3A_54 = arith.divf %broadcast_in_dim3A_51, %div3A_53 : vector<1000x1xf32>
    %sub3A_55 = vector.broadcast %div3A_46 : vector<1000x1xf32> to vector<1000x128xf32>
    %sub3A_56 = arith.subf %add3A_41, %sub3A_55 : vector<1000x128xf32>
    %add3A_57 = arith.constant 9.99999974E-6 : f32
    %add3A_58 = vector.broadcast %add3A_57 : f32 to vector<1000x1xf32>
    %add3A_59 = arith.addf %div3A_54, %add3A_58 : vector<1000x1xf32>
    %rsqrt3A = math.rsqrt %add3A_59 : vector<1000x1xf32>
    %mul3A = vector.broadcast %rsqrt3A : vector<1000x1xf32> to vector<1000x128xf32>
    %mul3A_60 = arith.mulf %sub3A_56, %mul3A : vector<1000x128xf32>
    %get3A_61 = arith.constant 0 : index
    %get3A_62 = arith.constant 0 : index
    %get3A_63 = vector.load %arg4[%get3A_61, %get3A_62] : memref<1x128xf32, #tpu.memory_space<vmem>>, vector<1x128xf32>
    %mul3A_64 = vector.broadcast %get3A_63 : vector<1x128xf32> to vector<1000x128xf32>
    %mul3A_65 = arith.mulf %mul3A_60, %mul3A_64 : vector<1000x128xf32>
    %get3A_66 = arith.constant 0 : index
    %get3A_67 = arith.constant 0 : index
    %get3A_68 = vector.load %arg5[%get3A_66, %get3A_67] : memref<1x128xf32, #tpu.memory_space<vmem>>, vector<1x128xf32>
    %add3A_69 = vector.broadcast %get3A_68 : vector<1x128xf32> to vector<1000x128xf32>
    %add3A_70 = arith.addf %mul3A_65, %add3A_69 : vector<1000x128xf32>
    %gt3A_71 = arith.constant 0.000000e+00 : f32
    %gt3A_72 = vector.broadcast %gt3A_71 : f32 to vector<1000x128xf32>
    %gt3A_73 = arith.cmpf ogt, %add3A_70, %gt3A_72 : vector<1000x128xf32>
    %min3A = arith.constant 0.000000e+00 : f32
    %min3A_74 = vector.broadcast %min3A : f32 to vector<1000x128xf32>
    %min3A_75 = arith.minimumf %add3A_70, %min3A_74 : vector<1000x128xf32>
    %exp3A = math.exp %min3A_75 : vector<1000x128xf32>
    %sub3A_76 = arith.constant 1.000000e+00 : f32
    %sub3A_77 = vector.broadcast %sub3A_76 : f32 to vector<1000x128xf32>
    %sub3A_78 = arith.subf %exp3A, %sub3A_77 : vector<1000x128xf32>
    %select_n3A_79 = arith.select %gt3A_73, %add3A_70, %sub3A_78 : vector<1000x128xi1>, vector<1000x128xf32>
    %get3A_80 = arith.constant 0 : index
    %get3A_81 = arith.constant 0 : index
    %get3A_82 = vector.load %arg6[%get3A_80, %get3A_81] : memref<128x128xf32, #tpu.memory_space<vmem>>, vector<128x128xf32>
    %dot_general3A_83 = arith.constant dense<0.000000e+00> : vector<1000x128xf32>
    %dot_general3A_84 = tpu.matmul %select_n3A_79, %get3A_82, %dot_general3A_83 {dimension_numbers = #tpu.dot_dimension_numbers<[1], [0], [0], [1], [0, 0, 1, 1], [], []>, transpose_lhs_hint = false} : vector<1000x128xf32>, vector<128x128xf32>, vector<1000x128xf32> -> vector<1000x128xf32>
    %get3A_85 = arith.constant 0 : index
    %get3A_86 = arith.constant 0 : index
    %get3A_87 = vector.load %arg7[%get3A_85, %get3A_86] : memref<1x128xf32, #tpu.memory_space<vmem>>, vector<1x128xf32>
    %add3A_88 = vector.broadcast %get3A_87 : vector<1x128xf32> to vector<1000x128xf32>
    %add3A_89 = arith.addf %dot_general3A_84, %add3A_88 : vector<1000x128xf32>
    %swap3A = arith.constant 0 : index
    %swap3A_90 = arith.constant 0 : index
    %swap3A_91 = vector.load %arg10[%swap3A, %swap3A_90] : memref<1000x128xf32, #tpu.memory_space<vmem>>, vector<1000x128xf32>
    tpu.vector_store %arg10[%swap3A, %swap3A_90], %add3A_89 {strides = array<i32>} : memref<1000x128xf32, #tpu.memory_space<vmem>>, vector<1000x128xf32>,
    %get3A_92 = arith.constant 0 : index
    %get3A_93 = arith.constant 0 : index
    %get3A_94 = vector.load %arg8[%get3A_92, %get3A_93] : memref<128x128xf32, #tpu.memory_space<vmem>>, vector<128x128xf32>
    %dot_general3A_95 = arith.constant dense<0.000000e+00> : vector<1000x128xf32>
    %dot_general3A_96 = tpu.matmul %select_n3A_79, %get3A_94, %dot_general3A_95 {dimension_numbers = #tpu.dot_dimension_numbers<[1], [0], [0], [1], [0, 0, 1, 1], [], []>, transpose_lhs_hint = false} : vector<1000x128xf32>, vector<128x128xf32>, vector<1000x128xf32> -> vector<1000x128xf32>
    %get3A_97 = arith.constant 0 : index
    %get3A_98 = arith.constant 0 : index
    %get3A_99 = vector.load %arg9[%get3A_97, %get3A_98] : memref<1x128xf32, #tpu.memory_space<vmem>>, vector<1x128xf32>
    %add3A_100 = vector.broadcast %get3A_99 : vector<1x128xf32> to vector<1000x128xf32>
    %add3A_101 = arith.addf %dot_general3A_96, %add3A_100 : vector<1000x128xf32>
    %swap3A_102 = arith.constant 0 : index
    %swap3A_103 = arith.constant 0 : index
    %swap3A_104 = vector.load %arg11[%swap3A_102, %swap3A_103] : memref<1000x128xf32, #tpu.memory_space<vmem>>, vector<1000x128xf32>
    tpu.vector_store %arg11[%swap3A_102, %swap3A_103], %add3A_101 {strides = array<i32>} : memref<1000x128xf32, #tpu.memory_space<vmem>>, vector<1000x128xf32>,
    return
  }
  func.func @transform_0(%arg0: i32) -> (i32, i32) {
    %c0_i32 = arith.constant 0 : i32
    %c0_i32_0 = arith.constant 0 : i32
    return %arg0, %c0_i32 : i32, i32
  }
  func.func @transform_1(%arg0: i32) -> (i32, i32) {
    %c0_i32 = arith.constant 0 : i32
    %c0_i32_0 = arith.constant 0 : i32
    return %arg0, %c0_i32 : i32, i32
  }
  func.func @transform_2(%arg0: i32) -> (i32, i32) {
    %c0_i32 = arith.constant 0 : i32
    %c0_i32_0 = arith.constant 0 : i32
    %c0_i32_1 = arith.constant 0 : i32
    return %c0_i32, %c0_i32_0 : i32, i32
  }
  func.func @transform_3(%arg0: i32) -> (i32, i32) {
    %c0_i32 = arith.constant 0 : i32
    %c0_i32_0 = arith.constant 0 : i32
    %c0_i32_1 = arith.constant 0 : i32
    return %c0_i32, %c0_i32_0 : i32, i32
  }
  func.func @transform_4(%arg0: i32) -> (i32, i32) {
    %c0_i32 = arith.constant 0 : i32
    %c0_i32_0 = arith.constant 0 : i32
    %c0_i32_1 = arith.constant 0 : i32
    return %c0_i32, %c0_i32_0 : i32, i32
  }
  func.func @transform_5(%arg0: i32) -> (i32, i32) {
    %c0_i32 = arith.constant 0 : i32
    %c0_i32_0 = arith.constant 0 : i32
    %c0_i32_1 = arith.constant 0 : i32
    return %c0_i32, %c0_i32_0 : i32, i32
  }
  func.func @transform_6(%arg0: i32) -> (i32, i32) {
    %c0_i32 = arith.constant 0 : i32
    %c0_i32_0 = arith.constant 0 : i32
    %c0_i32_1 = arith.constant 0 : i32
    return %c0_i32, %c0_i32_0 : i32, i32
  }
  func.func @transform_7(%arg0: i32) -> (i32, i32) {
    %c0_i32 = arith.constant 0 : i32
    %c0_i32_0 = arith.constant 0 : i32
    %c0_i32_1 = arith.constant 0 : i32
    return %c0_i32, %c0_i32_0 : i32, i32
  }
  func.func @transform_8(%arg0: i32) -> (i32, i32) {
    %c0_i32 = arith.constant 0 : i32
    %c0_i32_0 = arith.constant 0 : i32
    %c0_i32_1 = arith.constant 0 : i32
    return %c0_i32, %c0_i32_0 : i32, i32
  }
  func.func @transform_9(%arg0: i32) -> (i32, i32) {
    %c0_i32 = arith.constant 0 : i32
    %c0_i32_0 = arith.constant 0 : i32
    return %arg0, %c0_i32 : i32, i32
  }
  func.func @transform_10(%arg0: i32) -> (i32, i32) {
    %c0_i32 = arith.constant 0 : i32
    %c0_i32_0 = arith.constant 0 : i32
    return %arg0, %c0_i32 : i32, i32
  }
}

module attributes {stable_mosaic.version = 14 : i64} {
  func.func @body(%arg0: i32, %arg1: memref<1000x128xf32, #tpu.memory_space<vmem>>, %arg2: memref<1000x8xf32, #tpu.memory_space<vmem>>, %arg3: memref<1x128xf32, #tpu.memory_space<vmem>>, %arg4: memref<1x128xf32, #tpu.memory_space<vmem>>, %arg5: memref<1x128xf32, #tpu.memory_space<vmem>>, %arg6: memref<1000x128xf32, #tpu.memory_space<vmem>>) attributes {dimension_semantics = [#tpu.dimension_semantics<arbitrary>], iteration_bounds = array<i64: 10>, scalar_prefetch = 0 : i64, scratch_operands = 0 : i64, tpu.core_type = #tpu.core_type<tc>, window_params = [{transform_indices = @transform_0, window_bounds = array<i64: 1000, 128>}, {transform_indices = @transform_1, window_bounds = array<i64: 1000, 8>}, {pipeline_mode = #tpu.pipeline_mode<synchronous>, transform_indices = @transform_2, window_bounds = array<i64: 1, 128>}, {pipeline_mode = #tpu.pipeline_mode<synchronous>, transform_indices = @transform_3, window_bounds = array<i64: 1, 128>}, {pipeline_mode = #tpu.pipeline_mode<synchronous>, transform_indices = @transform_4, window_bounds = array<i64: 1, 128>}, {transform_indices = @transform_5, window_bounds = array<i64: 1000, 128>}]} {
    %get3A = arith.constant 0 : index
    %get3A_0 = arith.constant 0 : index
    %get3A_1 = vector.load %arg1[%get3A, %get3A_0] : memref<1000x128xf32, #tpu.memory_space<vmem>>, vector<1000x128xf32>
    %get3A_2 = arith.constant 0 : index
    %get3A_3 = arith.constant 0 : index
    %get3A_4 = vector.load %arg2[%get3A_2, %get3A_3] : memref<1000x8xf32, #tpu.memory_space<vmem>>, vector<1000x8xf32>
    %iota3A = tpu.iota {dimensions = array<i32: 0>} : vector<8x128xi32>
    %iota3A_5 = tpu.iota {dimensions = array<i32: 1>} : vector<8x128xi32>
    %jit3A = arith.constant 32 : i32
    %div3A = vector.broadcast %jit3A : i32 to vector<8x128xi32>
    %div3A_6 = arith.divsi %iota3A_5, %div3A : vector<8x128xi32>
    %sign3A = arith.constant 0 : i32
    %sign3A_7 = vector.broadcast %sign3A : i32 to vector<8x128xi32>
    %sign3A_8 = arith.cmpi sgt, %iota3A_5, %sign3A_7 : vector<8x128xi32>
    %sign3A_9 = arith.extui %sign3A_8 : vector<8x128xi1> to vector<8x128xi32>
    %sign3A_10 = arith.constant 0 : i32
    %sign3A_11 = vector.broadcast %sign3A_10 : i32 to vector<8x128xi32>
    %sign3A_12 = arith.cmpi slt, %iota3A_5, %sign3A_11 : vector<8x128xi32>
    %sign3A_13 = arith.extui %sign3A_12 : vector<8x128xi1> to vector<8x128xi32>
    %sign3A_14 = arith.subi %sign3A_9, %sign3A_13 : vector<8x128xi32>
    %sign3A_15 = arith.constant 0 : i32
    %sign3A_16 = arith.cmpi sgt, %jit3A, %sign3A_15 : i32
    %sign3A_17 = arith.extui %sign3A_16 : i1 to i32
    %sign3A_18 = arith.constant 0 : i32
    %sign3A_19 = arith.cmpi slt, %jit3A, %sign3A_18 : i32
    %sign3A_20 = arith.extui %sign3A_19 : i1 to i32
    %sign3A_21 = arith.subi %sign3A_17, %sign3A_20 : i32
    %ne3A = vector.broadcast %sign3A_21 : i32 to vector<8x128xi32>
    %ne3A_22 = arith.cmpi ne, %sign3A_14, %ne3A : vector<8x128xi32>
    %rem3A = vector.broadcast %jit3A : i32 to vector<8x128xi32>
    %rem3A_23 = arith.remsi %iota3A_5, %rem3A : vector<8x128xi32>
    %ne3A_24 = arith.constant 0 : i32
    %ne3A_25 = vector.broadcast %ne3A_24 : i32 to vector<8x128xi32>
    %ne3A_26 = arith.cmpi ne, %rem3A_23, %ne3A_25 : vector<8x128xi32>
    %and3A = arith.andi %ne3A_22, %ne3A_26 : vector<8x128xi1>
    %sub3A = arith.constant 1 : i32
    %sub3A_27 = vector.broadcast %sub3A : i32 to vector<8x128xi32>
    %sub3A_28 = arith.subi %div3A_6, %sub3A_27 : vector<8x128xi32>
    %select_n3A = arith.select %and3A, %sub3A_28, %div3A_6 : vector<8x128xi1>, vector<8x128xi32>
    %eq3A = arith.cmpi eq, %iota3A, %select_n3A : vector<8x128xi32>
    %convert_element_type3A = arith.extui %eq3A : vector<8x128xi1> to vector<8x128xi32>
    %convert_element_type3A_29 = arith.sitofp %convert_element_type3A : vector<8x128xi32> to vector<8x128xf32>
    %dot_general3A = arith.constant dense<0.000000e+00> : vector<1000x128xf32>
    %dot_general3A_30 = tpu.matmul %get3A_4, %convert_element_type3A_29, %dot_general3A {dimension_numbers = #tpu.dot_dimension_numbers<[1], [0], [0], [1], [0, 0, 1, 1], [], []>, transpose_lhs_hint = false} : vector<1000x8xf32>, vector<8x128xf32>, vector<1000x128xf32> -> vector<1000x128xf32>
    %gt3A = arith.constant 0.000000e+00 : f32
    %gt3A_31 = vector.broadcast %gt3A : f32 to vector<1000x128xf32>
    %gt3A_32 = arith.cmpf ogt, %dot_general3A_30, %gt3A_31 : vector<1000x128xf32>
    %max3A = arith.constant 1.000000e-30 : f32
    %max3A_33 = vector.broadcast %max3A : f32 to vector<1000x128xf32>
    %max3A_34 = arith.maximumf %dot_general3A_30, %max3A_33 : vector<1000x128xf32>
    %div3A_35 = arith.divf %get3A_1, %max3A_34 : vector<1000x128xf32>
    %jit3A_36 = arith.constant 0.000000e+00 : f32
    %broadcast_in_dim3A = vector.broadcast %jit3A_36 : f32 to vector<1000x128xf32>
    %select_n3A_37 = arith.select %gt3A_32, %div3A_35, %broadcast_in_dim3A : vector<1000x128xi1>, vector<1000x128xf32>
    %get3A_38 = arith.constant 0 : index
    %get3A_39 = arith.constant 0 : index
    %get3A_40 = vector.load %arg3[%get3A_38, %get3A_39] : memref<1x128xf32, #tpu.memory_space<vmem>>, vector<1x128xf32>
    %add3A = vector.broadcast %get3A_40 : vector<1x128xf32> to vector<1000x128xf32>
    %add3A_41 = arith.addf %select_n3A_37, %add3A : vector<1000x128xf32>
    %reduce_sum3A = arith.constant dense<0.000000e+00> : vector<1000xf32>
    %reduce_sum3A_42 = vector.multi_reduction <add>, %add3A_41, %reduce_sum3A [1] : vector<1000x128xf32> to vector<1000xf32>
    %broadcast_in_dim3A_43 = vector.shape_cast %reduce_sum3A_42 : vector<1000xf32> to vector<1000x1xf32>
    %div3A_44 = arith.constant 1.280000e+02 : f32
    %div3A_45 = vector.broadcast %div3A_44 : f32 to vector<1000x1xf32>
    %div3A_46 = arith.divf %broadcast_in_dim3A_43, %div3A_45 : vector<1000x1xf32>
    %sub3A_47 = vector.broadcast %div3A_46 : vector<1000x1xf32> to vector<1000x128xf32>
    %sub3A_48 = arith.subf %add3A_41, %sub3A_47 : vector<1000x128xf32>
    %integer_pow3A = arith.mulf %sub3A_48, %sub3A_48 : vector<1000x128xf32>
    %reduce_sum3A_49 = arith.constant dense<0.000000e+00> : vector<1000xf32>
    %reduce_sum3A_50 = vector.multi_reduction <add>, %integer_pow3A, %reduce_sum3A_49 [1] : vector<1000x128xf32> to vector<1000xf32>
    %broadcast_in_dim3A_51 = vector.shape_cast %reduce_sum3A_50 : vector<1000xf32> to vector<1000x1xf32>
    %div3A_52 = arith.constant 1.280000e+02 : f32
    %div3A_53 = vector.broadcast %div3A_52 : f32 to vector<1000x1xf32>
    %div3A_54 = arith.divf %broadcast_in_dim3A_51, %div3A_53 : vector<1000x1xf32>
    %sub3A_55 = vector.broadcast %div3A_46 : vector<1000x1xf32> to vector<1000x128xf32>
    %sub3A_56 = arith.subf %add3A_41, %sub3A_55 : vector<1000x128xf32>
    %add3A_57 = arith.constant 9.99999974E-6 : f32
    %add3A_58 = vector.broadcast %add3A_57 : f32 to vector<1000x1xf32>
    %add3A_59 = arith.addf %div3A_54, %add3A_58 : vector<1000x1xf32>
    %rsqrt3A = math.rsqrt %add3A_59 : vector<1000x1xf32>
    %mul3A = vector.broadcast %rsqrt3A : vector<1000x1xf32> to vector<1000x128xf32>
    %mul3A_60 = arith.mulf %sub3A_56, %mul3A : vector<1000x128xf32>
    %get3A_61 = arith.constant 0 : index
    %get3A_62 = arith.constant 0 : index
    %get3A_63 = vector.load %arg4[%get3A_61, %get3A_62] : memref<1x128xf32, #tpu.memory_space<vmem>>, vector<1x128xf32>
    %mul3A_64 = vector.broadcast %get3A_63 : vector<1x128xf32> to vector<1000x128xf32>
    %mul3A_65 = arith.mulf %mul3A_60, %mul3A_64 : vector<1000x128xf32>
    %get3A_66 = arith.constant 0 : index
    %get3A_67 = arith.constant 0 : index
    %get3A_68 = vector.load %arg5[%get3A_66, %get3A_67] : memref<1x128xf32, #tpu.memory_space<vmem>>, vector<1x128xf32>
    %add3A_69 = vector.broadcast %get3A_68 : vector<1x128xf32> to vector<1000x128xf32>
    %add3A_70 = arith.addf %mul3A_65, %add3A_69 : vector<1000x128xf32>
    %gt3A_71 = arith.constant 0.000000e+00 : f32
    %gt3A_72 = vector.broadcast %gt3A_71 : f32 to vector<1000x128xf32>
    %gt3A_73 = arith.cmpf ogt, %add3A_70, %gt3A_72 : vector<1000x128xf32>
    %min3A = arith.constant 0.000000e+00 : f32
    %min3A_74 = vector.broadcast %min3A : f32 to vector<1000x128xf32>
    %min3A_75 = arith.minimumf %add3A_70, %min3A_74 : vector<1000x128xf32>
    %exp3A = math.exp %min3A_75 : vector<1000x128xf32>
    %sub3A_76 = arith.constant 1.000000e+00 : f32
    %sub3A_77 = vector.broadcast %sub3A_76 : f32 to vector<1000x128xf32>
    %sub3A_78 = arith.subf %exp3A, %sub3A_77 : vector<1000x128xf32>
    %select_n3A_79 = arith.select %gt3A_73, %add3A_70, %sub3A_78 : vector<1000x128xi1>, vector<1000x128xf32>
    %swap3A = arith.constant 0 : index
    %swap3A_80 = arith.constant 0 : index
    %swap3A_81 = vector.load %arg6[%swap3A, %swap3A_80] : memref<1000x128xf32, #tpu.memory_space<vmem>>, vector<1000x128xf32>
    tpu.vector_store %arg6[%swap3A, %swap3A_80], %select_n3A_79 {strides = array<i32>} : memref<1000x128xf32, #tpu.memory_space<vmem>>, vector<1000x128xf32>,
    return
  }
  func.func @transform_0(%arg0: i32) -> (i32, i32) {
    %c0_i32 = arith.constant 0 : i32
    %c0_i32_0 = arith.constant 0 : i32
    return %arg0, %c0_i32 : i32, i32
  }
  func.func @transform_1(%arg0: i32) -> (i32, i32) {
    %c0_i32 = arith.constant 0 : i32
    %c0_i32_0 = arith.constant 0 : i32
    return %arg0, %c0_i32 : i32, i32
  }
  func.func @transform_2(%arg0: i32) -> (i32, i32) {
    %c0_i32 = arith.constant 0 : i32
    %c0_i32_0 = arith.constant 0 : i32
    %c0_i32_1 = arith.constant 0 : i32
    return %c0_i32, %c0_i32_0 : i32, i32
  }
  func.func @transform_3(%arg0: i32) -> (i32, i32) {
    %c0_i32 = arith.constant 0 : i32
    %c0_i32_0 = arith.constant 0 : i32
    %c0_i32_1 = arith.constant 0 : i32
    return %c0_i32, %c0_i32_0 : i32, i32
  }
  func.func @transform_4(%arg0: i32) -> (i32, i32) {
    %c0_i32 = arith.constant 0 : i32
    %c0_i32_0 = arith.constant 0 : i32
    %c0_i32_1 = arith.constant 0 : i32
    return %c0_i32, %c0_i32_0 : i32, i32
  }
  func.func @transform_5(%arg0: i32) -> (i32, i32) {
    %c0_i32 = arith.constant 0 : i32
    %c0_i32_0 = arith.constant 0 : i32
    return %arg0, %c0_i32 : i32, i32
  }
}

</mosaic_0001>

<sc_bundles>
// kernel: kernel.11.cloned.1.call-start
scs
__scs_entry_jumppad:
0x0: {  	(pc) =	sbr.rel $0x88, $3  }
0x1: {  	(tag) =	ssettag $0x0;
	lr =	simm.s32 $0x1  }
0x2: {  	[smem:$0x3F8C] =	sst lr;
	_ =	strace $0xD0000000  }
0x3: {  	_ = 	snop  }
0x4: {  	_ = 	snop  }
0x5: {  	_ = 	snop  }
0x6: {  	_ = 	snop  }
0x7: {  	_ = 	snop  }
__scs_overlays_trampoline_lowered:
0x8: {  	[smem:$0x3F9B] =	sst s0  }
0x9: {  	[smem:$0x3F9C] =	sst s1  }
0xa: {  	[smem:$0x3F9D] =	sst s2  }
0xb: {  	[smem:$0x3F9E] =	sst s3  }
0xc: {  	[smem:$0x3F9F] =	sst s4  }
0xd: {  	[smem:$0x3FA0] =	sst s5  }
0xe: {  	[smem:$0x3FA1] =	sst s6  }
0xf: {  	[smem:$0x3FA2] =	sst s7  }
0x10: {  	[smem:$0x3FA3] =	sst s8  }
0x11: {  	[smem:$0x3FA4] =	sst s9;
	s0 =	simm.s32 @!p0 $0x0  }
0x12: {  	s1 =	sld [smem:$0x3F8A];
	s0 =	simm.s32 @p0 $0x1  }
0x13: {  	[smem:$0x3FA5] =	sst s0;
	s0 =	simm.s32 @!p1 $0x0  }
0x14: {  	s2 =	sld [smem:$0x3F89];
	s0 =	simm.s32 @p1 $0x1  }
0x15: {  	[smem:$0x3FA6] =	sst s0;
	s0 =	simm.s32 @!p2 $0x0  }
0x16: {  	s3 =	sld [smem:$0x3FDB];
	s0 =	simm.s32 @p2 $0x1  }
0x17: {  	s4 =	simm.s32 $0x1BF5;
	[smem:$0x3FA8] =	sst s0  }
0x18: {  	s0 =	sld [smem:$0x3F8B];
	_ =	swait.ge [sflag:s4], $0x0  }
0x19: {  	s7 =	sld [smem:$0x3F8C]  }
0x1a: {  	s8 =	sadd.s32 $0xFFFFE003, lr  }
0x1b: {  	s9 =	sadd.s32 $0xFFFFFEF7, lr;
	s5 =	simm.s32 $0xFFFFFFFF;
	p2 =	slt.u32 s8, $0xFFFFF086  }
0x1c: {  	p1 =	slt.u32 s9, $0xF7A;
	s5 =	simm.s32 @!p2 $0x0  }
0x1d: {  	s5 =	simm.s32 @p1 $0x1;
	p0 =	seq.s32 s7, s2  }
0x1e: {  	s7 =	smul.u32 @!p0 $0xF7A, s2;
	p2 =	seq.s32 @!p0 s5, $0x0  }
0x1f: {  	s9 =	smul.u32 $0xF7A, s1;
	s8 =	simm.s32 @!p0 $0x1BF5;
	p2 =	por !p2, p0  }
0x20: {  	[sflag:s8] =	ssyncset.s32 @!p0 $0xFFFFF086;
	s6 =	sadd.s32 @!p0 s3, s7;
	s7 =	simm.s32 @!p0 $0x108  }
0x21: {  	s3 =	sadd.s32 s3, s9;
	s6 =	sadd.s32 @!p0 $0x88, s6;
	s7 =	simm.s32 @p2 $0x1082  }
0x22: {  	[simem:s7], [sflag:s8] =	dma.local @!p0 [hbm:s6], $0xF7A  }
0x23: {  	s9 =	sor.u32 $0xD0000000, s2;
	s6 =	simm.s32 $0x108;
	_ =	swait.ge @!p0 [sflag:s8], $0x0  }
0x24: {  	s3 =	sadd.s32 $0x88, s3;
	s6 =	simm.s32 @!p1 $0x1082;
	[sflag:s4] =	ssyncset.s32 $0xFFFFF086  }
0x25: {  	[simem:s6], [sflag:s4] =	dma.local [hbm:s3], $0xF7A  }
0x26: {  	[smem:$0x3F8C] =	sst s1;
	(tag) =	ssettag s2;
	_ =	strace s9  }
0x27: {  	s1 =	sld [smem:$0x3F9C]  }
0x28: {  	s2 =	sld [smem:$0x3F9D]  }
0x29: {  	s4 =	sld [smem:$0x3F9F]  }
0x2a: {  	p0 =	seq.s32 s5, $0x0;
	s5 =	sld [smem:$0x3FA0]  }
0x2b: {  	s6 =	sld [smem:$0x3FA1]  }
0x2c: {  	s7 =	sld [smem:$0x3FA2]  }
0x2d: {  	s3 =	simm.s32 $0x108;
	s8 =	sld [smem:$0x3FA3]  }
0x2e: {  	s3 =	simm.s32 @!p0 $0x1082;
	s9 =	sld [smem:$0x3FA4]  }
0x2f: {  	lr =	sadd.s32 s0, s3;
	s0 =	sld [smem:$0x3F9B]  }
0x30: {  	s3 =	sld [smem:$0x3F9E]  }
0x31: {  	[smem:$0x3FA7] =	sst s10  }
0x32: {  	s10 =	sld [smem:$0x3FA5];
	_ =	sdelay $0x3  }
0x33: {  	p0 =	seq.s32 s10, $0x1;
	s10 =	sld [smem:$0x3FA7];
	_ =	sdelay $0x3  }
0x34: {  	[smem:$0x3FA7] =	sst s10  }
0x35: {  	s10 =	sld [smem:$0x3FA6];
	_ =	sdelay $0x3  }
0x36: {  	p1 =	seq.s32 s10, $0x1;
	s10 =	sld [smem:$0x3FA7];
	_ =	sdelay $0x3  }
0x37: {  	[smem:$0x3FA7] =	sst s10  }
0x38: {  	s10 =	sld [smem:$0x3FA8]  }
0x39: {  	_ = 	snop;
	(pc) =	sbr.ind lr, $3  }
0x3a: {  	_ = 	snop  }
0x3b: {  	_ = 	snop  }
0x3c: {  	p2 =	seq.s32 s10, $0x1;
	s10 =	sld [smem:$0x3FA7]  }
0x3d: {  	_ =	shalt  }
0x3e: {  	_ =	shalt  }
0x3f: {  	_ =	shalt  }
0x40: {  	_ =	shalt  }
0x41: {  	_ =	shalt  }
0x42: {  	_ =	shalt  }
0x43: {  	_ =	shalt  }
0x44: {  	_ =	shalt  }
0x45: {  	_ =	shalt  }
0x46: {  	_ =	shalt  }
0x47: {  	_ =	shalt  }
0x48: {  	_ =	shalt  }
0x49: {  	_ =	shalt  }
0x4a: {  	_ =	shalt  }
0x4b: {  	_ =	shalt  }
0x4c: {  	_ =	shalt  }
0x4d: {  	_ =	shalt  }
0x4e: {  	_ =	shalt  }
0x4f: {  	_ =	shalt  }
0x50: {  	_ =	shalt  }
0x51: {  	_ =	shalt  }
0x52: {  	_ =	shalt  }
0x53: {  	_ =	shalt  }
0x54: {  	_ =	shalt  }
0x55: {  	_ =	shalt  }
0x56: {  	_ =	shalt  }
0x57: {  	_ =	shalt  }
0x58: {  	_ =	shalt  }
0x59: {  	_ =	shalt  }
0x5a: {  	_ =	shalt  }
0x5b: {  	_ =	shalt  }
0x5c: {  	_ =	shalt  }
0x5d: {  	_ =	shalt  }
0x5e: {  	_ =	shalt  }
0x5f: {  	_ =	shalt  }
0x60: {  	_ =	shalt  }
0x61: {  	_ =	shalt  }
0x62: {  	_ =	shalt  }
0x63: {  	_ =	shalt  }
0x64: {  	_ =	shalt  }
0x65: {  	_ =	shalt  }
0x66: {  	_ =	shalt  }
0x67: {  	_ =	shalt  }
0x68: {  	_ =	shalt  }
0x69: {  	_ =	shalt  }
0x6a: {  	_ =	shalt  }
0x6b: {  	_ =	shalt  }
0x6c: {  	_ =	shalt  }
0x6d: {  	_ =	shalt  }
0x6e: {  	_ =	shalt  }
0x6f: {  	_ =	shalt  }
0x70: {  	_ =	shalt  }
0x71: {  	_ =	shalt  }
0x72: {  	_ =	shalt  }
0x73: {  	_ =	shalt  }
0x74: {  	_ =	shalt  }
0x75: {  	_ =	shalt  }
0x76: {  	_ =	shalt  }
0x77: {  	_ =	shalt  }
0x78: {  	_ =	shalt  }
0x79: {  	_ =	shalt  }
0x7a: {  	_ =	shalt  }
0x7b: {  	_ =	shalt  }
0x7c: {  	_ =	shalt  }
0x7d: {  	_ =	shalt  }
0x7e: {  	_ =	shalt  }
0x7f: {  	_ =	shalt  }
0x80: {  	_ =	shalt  }
0x81: {  	_ =	shalt  }
0x82: {  	_ =	shalt  }
0x83: {  	_ =	shalt  }
0x84: {  	_ =	shalt  }
0x85: {  	_ =	shalt  }
0x86: {  	_ =	shalt  }
0x87: {  	_ =	shalt  }
.Lfunc_end0:
.L_simem_size_0:
called_computation.1_lowered:
.L_overlay_start_0:
0x88: {  	s2 =	sld [smem:$0x3FD9]  }
0x89: {  	s3 =	sld [smem:$0x3FFE];
	_ =	sdelay $0x1  }
0x8a: {  	s1 =	srdreg.scid  }
0x8b: {  	s0 =	sand.u32 $0x1, s1  }
0x8c: {  	s17 =	sshll.u32 s0, $0xA;
	s2 =	sadd.s32 s3, s2  }
0x8d: {  	s2 =	sadd.s32 s2, s17  }
0x8e: {  	[smem:$0x3FB3] =	sst s2  }
0x8f: {  	_ = 	snop  }
0x90: {  	s2 =	sld [smem:$0x3FD0];
	(tm) =	ssettm $0x1  }
0x91: {  	s18 =	sld [smem:$0x3FFB];
	_ =	sdelay $0x3  }
0x92: {  	_ =	strace s18  }
0x93: {  	s3 =	sld [smem:$0x3FFC];
	_ =	sdelay $0x3  }
0x94: {  	_ =	strace s3  }
0x95: {  	s3 =	sld [smem:$0x3FFD];
	_ =	sdelay $0x3  }
0x96: {  	_ =	strace s3  }
0x97: {  	_ =	strace $0x8FFFFFFF  }
0x98: {  	s19 =	sld [smem:$0x3FDB];
	_ =	sdelay $0x1  }
0x99: {  	s4 =	simm.s32 $_scs_section_size  }
0x9a: {  	s5 =	simm.s32 $_size__tile_overlayer_lowered;
	s6 =	simm.s32 $_tile_overlayer_lowered  }
0x9b: {  	s22 =	simm.s32 $0x1BFF;
	s21 =	sshll.u32 s6, $0x1;
	s3 =	sadd.s32 s4, s19  }
0x9c: {  	s7 =	simm.s32 $0x0;
	s20 =	sshll.u32 s5, $0x1;
	s5 =	sadd.s32 s21, s3  }
0x9d: {  	[timem:s7], [sflag:s22] =	dma.local [hbm:s5], s20  }
0x9e: {  	_ =	swait.ge [sflag:s22], s20  }
0x9f: {  	s4 =	ssub.s32 $0x0, s20;
	[sflag:s22] =	ssyncset.done $0x0  }
0xa0: {  	[sflag:s22] =	ssyncadd.s32 s4;
	_ =	sdelay $0x1  }
0xa1: {  	s23 =	simm.s32 $0x1B8B  }
0xa2: {  	_ =	swait.ge [sflag:s23], $0x1  }
0xa3: {  	[sflag:s23] =	ssyncset.done $0x0  }
0xa4: {  	s25 =	simm.s32 $0x1B8E;
	s24 =	sld [smem:$0x3FFE];
	[sflag:s23] =	ssyncadd.s32 $0xFFFFFFFF  }
0xa5: {  	s26 =	simm.s32 $execute0_lowered;
	[smem:$0x3FD2] =	sst s25  }
0xa6: {  	s5 =	sshll.u32 s26, $0x1;
	_ =	strace $0x80000049;
	[dreg:$0x1] =	wrdreg $0xFFFFFFFF  }
0xa7: {  	s28 =	simm.s32 $_size_execute0_lowered;
	s3 =	sadd.s32 s3, s5;
	[dreg:$0x0] =	wrdreg $0x0  }
0xa8: {  	s5 =	sshll.u32 s28, $0x1;
	[dreg:$0x2] =	wrdreg s3  }
0xa9: {  	[dreg:$0x3] =	wrdreg s5  }
0xaa: {  	[dreg:$0x4] =	wrdreg $0xC0  }
0xab: {  	_ =	task [dreg:s7], $0x5FFFF  }
0xac: {  	[dreg:$0x1] =	wrdreg $0xFFFFFFFF  }
0xad: {  	[dreg:$0x0] =	wrdreg $0x60  }
0xae: {  	[dreg:$0x2] =	wrdreg s24  }
0xaf: {  	[dreg:$0x3] =	wrdreg s2  }
0xb0: {  	[dreg:$0x4] =	wrdreg $0x71800  }
0xb1: {  	[dreg:$0x5] =	wrdreg $0x9  }
0xb2: {  	_ =	task.clear_ibuf [dreg:s7], $0x6FFFF;
	_ =	strace $0x90000049  }
0xb3: {  	s29 =	simm.s32 $0x9;
	_ =	strace $0x8000004B  }
0xb4: {  	_ =	swait.ge [sflag:s29], $0x1  }
0xb5: {  	[sflag:s29] =	ssyncadd.s32 $0xFFFFFFFF  }
0xb6: {  	_ =	strace $0x9000004B  }
0xb7: {  	_ =	sfence  }
0xb8: {  	s30 =	sld [smem:$0x0];
	_ =	sdelay $0x2  }
0xb9: {  	s31 =	sshll.u32 s1, $0xD;
	s1 =	sshrl.u32 s1, $0x2  }
0xba: {  	s3 =	sand.u32 $0x4000, s31;
	s1 =	sadd.s32 s1, s30  }
0xbb: {  	s0 =	sor.u32 s3, s0;
	s1 =	sshll.u32 s1, $0x11  }
0xbc: {  	s0 =	sor.u32 s1, s0  }
0xbd: {  	s0 =	sadd.s32 $0x8F2B, s0  }
0xbe: {  	[sflag:s0] =	ssyncadd.remote.s32 $0x1  }
0xbf: {  	_ =	sfence.sel $0xFFFF  }
0xc0: {  	[dreg:$0x0] =	wrdreg $0xFFFFFFFF;
	(pc) =	sbr.abs _section_cstart, $3  }
0xc1: {  	[dreg:$0x1] =	wrdreg $0xFFFFFFFF  }
0xc2: {  	_ =	task.clear_ibuf [dreg:s7], $0x2FFFF;
	_ =	strace $0x9FFFFFFF  }
0xc3: {  	(tm) =	ssettm $0x7FFFFFFF  }
tec
execute0_lowered:
.L_overlay_start_1:
0x0: {  	(tag) =	ssettag $0x1  }
0x1: {  	s0 =	rddreg [dreg:$0x0]  }
0x2: {  	s1 =	rddreg [dreg:$0x1]  }
0x3: {  	s2 =	rddreg [dreg:$0x2];
	s3 =	simm.s32 $0x0  }
0x4: {  	s19 =	srdreg.scid;
	s16 =	stileid.u32;
	s28 =	simm.s32 $0x28  }
0x5: {  	s29 =	simm.s32 $0x2100;
	s30 =	simm.s32 $0x2;
	s31 =	simm.s32 $0x3500  }
0x6: {  	[smem:$0x7FF] =	sst s3;
	s5 =	sadd.s32 $0x3400, s0;
	s6 =	sadd.s32 $0xD200, s0  }
0x7: {  	s3 =	sand.u32 $0x1, s19;
	s7 =	sadd.s32 $0x2AC00, s0;
	s8 =	sadd.s32 $0x17200, s0  }
0x8: {  	v0 =	vimm.s32 $0xEFCDAB89;
	s9 =	sadd.s32 $0x3E600, s0;
	s11 =	smul.u32 $0x15000, s16;
	s10 =	sadd.s32 $0x9DB000, s0  }
0x9: {  	v1 =	vimm.s32 $0x67452301;
	s12 =	sadd.s32 $0xBC200, s0;
	s21 =	smul.u32 $0x54000, s16;
	s13 =	sadd.s32 $0x65800, s0  }
0xa: {  	v2 =	vimm.s32 $0xDCFE98BA;
	v3 =	vimm.s32 $0x54761032;
	s25 =	sshll.u32 s16, $0x8;
	s15 =	sshll.u32 s16, $0x6;
	_ =	strace $0x8000004A  }
0xb: {  	v4 =	vimm.s32 $0xBA98FEDC;
	v5 =	vimm.s32 $0x32107654;
	s4 =	smul.u32 $0x150000, s3;
	[dreg:$0x4] =	wrdreg s12;
	s20 =	ssub.s32 $0x2, s3  }
0xc: {  	v6 =	vimm.s32 $0xFEDCBA98;
	v7 =	vimm.s32 $0x76543210;
	vm0 =	vmmov $0x1;
	[dreg:$0x5] =	wrdreg s13;
	s14 =	sshll.u32 s3, $0x7;
	s13 =	smul.u32 $0x4E20, s16  }
0xd: {  	vm1 =	vcmask $0x308;
	v0 =	vunpack.c.l.s4.s8 v0;
	v1 =	vunpack.c.l.s4.s8 v1;
	s16 =	smul.u32 $0x4E200, s3;
	s3 =	simm.s32 $0x0;
	s22 =	sshrl.u32 s20, $0x1  }
0xe: {  	v2 =	vunpack.c.l.s4.s8 v2;
	v3 =	vunpack.c.l.s4.s8 v3;
	v4 =	vunpack.c.l.s4.s8 v4;
	s24 =	sshrl.u32 s21, $0x2;
	s12 =	sor.u32 s14, s25;
	s14 =	sor.u32 $0x1C06, s15  }
0xf: {  	v5 =	vunpack.c.l.s4.s8 v5;
	v6 =	vunpack.c.l.s4.s8 v6;
	v0 =	vunpack.c.0.s8.s32 v0;
	s21 =	simm.s32 $0x6;
	s25 =	simm.s32 $0x4900;
	s4 =	sadd.s32 s11, s4  }
0x10: {  	v1 =	vunpack.c.0.s8.s32 v1;
	v2 =	vunpack.c.0.s8.s32 v2;
	v3 =	vunpack.c.0.s8.s32 v3;
	s23 =	ssub.s32 s20, s22;
	s11 =	sadd.s32 s24, s2;
	s15 =	sadd.s32 $0x100, s12  }
0x11: {  	v7 =	vunpack.c.l.s4.s8 v7;
	v4 =	vunpack.c.0.s8.s32 v4;
	v5 =	vunpack.c.0.s8.s32 v5;
	s17 =	sadd.s32 $0x1100, s12;
	s22 =	simm.s32 $0x5D00;
	s24 =	simm.s32 $0x80  }
0x12: {  	s4 =	sshrl.u32 s4, $0x3;
	s26 =	smax.u32 s23, $0x1;
	v0 =	vcombine.low v1, v0;
	v1 =	vcombine.low v3, v2;
	s18 =	sshrl.u32 s11, $0x3;
	v2 =	vunpack.c.0.s8.s32 v6  }
0x13: {  	vm2 =	vcmask $0x70C;
	v3 =	vcombine.low v5, v4;
	v4 =	vunpack.c.0.s8.s32 v7;
	s23 =	simm.s32 $0x5;
	s0 =	sadd.s32 s4, s0;
	[dreg:$0x7] =	wrdreg s26  }
0x14: {  	vm3 =	vcmask $0xB10;
	s26 =	simm.s32 $0x1;
	[dreg:$0x8] =	wrdreg s18;
	s0 =	sadd.s32 $0x68200, s0;
	v0 =	vand.u32 $0xF, v0;
	v5 =	vand.u32 $0xF, v2  }
0x15: {  	s4 =	simm.s32 $0x4;
	v1 =	vand.u32 $0xF, v1;
	v2 =	vand.u32 $0xF, v3;
	[dreg:$0x6] =	wrdreg s0;
	v3 =	vcombine.low v5, v4;
	s0 =	simm.s32 $0x3  }
.LBB2_1:
0x16: {  	s12 =	rddreg [dreg:$0x5]  }
0x17: {  	[spmem:s18], [sflag:s14] =	dma.local [hbm:s12], $0x2A00  }
0x18: {  	_ =	swait.ge [sflag:s21], $0x2A00  }
0x19: {  	[sflag:s21] =	ssyncset.done $0x0  }
0x1a: {  	s11 =	simm.s32 $0x0;
	[sflag:s21] =	ssyncadd.s32 $0xFFFFD600  }
0x1b: {  	[tilespmem:s22], [sflag:$0x6] =	stream.linear.gather [hbm4b:s12+s11], $0x1400, $0x38;
	[tilespmem:$0x1C180] =	vst v63  }
0x1c: {  	_ =	swait.ge [sflag:s21], $0x1400  }
0x1d: {  	[sflag:s21] =	ssyncset.done $0x0  }
0x1e: {  	s19 =	simm.s32 $0x7100;
	s18 =	rddreg [dreg:$0x4];
	[sflag:s21] =	ssyncadd.s32 $0xFFFFEC00  }
0x1f: {  	[tilespmem:s19], [sflag:$0x6] =	stream.linear.gather [hbm4b:s18+s11], $0x80, $0x38;
	[tilespmem:$0x1C180] =	vst v63  }
0x20: {  	_ =	swait.ge [sflag:s21], $0x80  }
0x21: {  	[sflag:s21] =	ssyncset.done $0x0  }
0x22: {  	[sflag:s21] =	ssyncadd.s32 $0xFFFFFF80  }
0x23: {  	[bflag:$0x0] =	sbarrier.arrive $0xFFFF  }
0x24: {  	v4 =	vld [tilespmem:$0x7100]  }
0x25: {  	v5 =	vld [tilespmem:$0x7110]  }
0x26: {  	v6 =	vld [tilespmem:$0x7120]  }
0x27: {  	v7 =	vld [tilespmem:$0x7130]  }
0x28: {  	v8 =	vld [tilespmem:$0x7140]  }
0x29: {  	v9 =	vld [tilespmem:$0x7150]  }
0x2a: {  	v10 =	vld [tilespmem:$0x7160]  }
0x2b: {  	s20 =	smov.u32 s14;
	s11 =	simm.s32 $0x0;
	v11 =	vld [tilespmem:$0x7170]  }
.LBB2_2:
0x2c: {  	s12 =	smul.u32 $0x28, s11;
	_ =	sdelay $0x1  }
0x2d: {  	s12 =	sadd.s32 s13, s12  }
0x2e: {  	s14 =	sshrl.u32 s12, $0x3  }
0x2f: {  	s19 =	simm.s32 $0x0;
	s18 =	sadd.s32 s5, s14  }
0x30: {  	[tilespmem:s19], [sflag:$0x1] =	stream.linear.gather [hbm4b:s18+s19], $0x28, $0x38;
	[tilespmem:$0x1C180] =	vst v63  }
0x31: {  	s14 =	sadd.s32 s6, s14;
	s18 =	sadd.s32 s16, s12  }
0x32: {  	[tilespmem:s24], [sflag:$0x2] =	stream.linear.gather [hbm4b:s14+s19], $0x28, $0x38;
	[tilespmem:$0x1C180] =	vst v63  }
0x33: {  	s14 =	sshrl.u32 s18, $0x3  }
0x34: {  	s18 =	sadd.s32 s7, s14  }
0x35: {  	[tilespmem:s15], [sflag:$0x3] =	stream.linear.gather [hbm4b:s18+s19], $0x28, $0x38;
	[tilespmem:$0x1C180] =	vst v63  }
0x36: {  	s12 =	sshll.u32 s12, $0x4;
	s14 =	sadd.s32 s8, s14  }
0x37: {  	[tilespmem:s17], [sflag:$0x4] =	stream.linear.gather [hbm4b:s14+s19], $0x28, $0x38;
	[tilespmem:$0x1C180] =	vst v63  }
0x38: {  	s12 =	sadd.s32 s10, s12  }
0x39: {  	[tilespmem:s25], [sflag:$0x5] =	stream.linear.gather [hbm4b:s12+s19], $0x1400, $0x38;
	[tilespmem:$0x1C180] =	vst v63  }
0x3a: {  	_ =	swait.ge [sflag:s26], $0x28  }
0x3b: {  	[sflag:s26] =	ssyncset.done $0x0  }
0x3c: {  	[sflag:s26] =	ssyncadd.s32 $0xFFFFFFD8  }
0x3d: {  	[tilespmem:s29], [sflag:$0x1] =	stream.indirect.gather [hbm4b:s1+s28], $0x80, s19, s28, $0xb8;
	[tilespmem:$0x1C180] =	vst v63  }
0x3e: {  	_ =	swait.ge [sflag:s30], $0x28  }
0x3f: {  	[sflag:s30] =	ssyncset.done $0x0  }
0x40: {  	[sflag:s30] =	ssyncadd.s32 $0xFFFFFFD8  }
0x41: {  	[tilespmem:s31], [sflag:$0x2] =	stream.indirect.gather [hbm4b:s9+s28], $0x80, s24, s28, $0xb8;
	[tilespmem:$0x1C180] =	vst v63  }
0x42: {  	_ =	swait.ge [sflag:s0], $0x28  }
0x43: {  	[sflag:s0] =	ssyncset.done $0x0  }
0x44: {  	[sflag:s0] =	ssyncadd.s32 $0xFFFFFFD8  }
0x45: {  	_ =	swait.ge [sflag:s4], $0x28  }
0x46: {  	[sflag:s4] =	ssyncset.done $0x0  }
0x47: {  	[sflag:s4] =	ssyncadd.s32 $0xFFFFFFD8  }
0x48: {  	_ =	swait.ge [sflag:s26], $0x1400  }
0x49: {  	[sflag:s26] =	ssyncset.done $0x0  }
0x4a: {  	[sflag:s26] =	ssyncadd.s32 $0xFFFFEC00  }
0x4b: {  	_ =	swait.ge [sflag:s30], $0x1400  }
0x4c: {  	[sflag:s30] =	ssyncset.done $0x0  }
0x4d: {  	[sflag:s30] =	ssyncadd.s32 $0xFFFFEC00  }
0x4e: {  	_ =	swait.ge [sflag:s23], $0x1400  }
0x4f: {  	[sflag:s23] =	ssyncset.done $0x0  }
0x50: {  	s18 =	simm.s32 $0x0;
	[sflag:s23] =	ssyncadd.s32 $0xFFFFEC00  }
0x51: {  	v12 =	vld [tilespmem:s18+$0x3550]  }
0x52: {  	v14 =	vld [tilespmem:s18+$0x3540]  }
0x53: {  	v13 =	vld [tilespmem:s18+$0x2150]  }
0x54: {  	v17 =	vld [tilespmem:s18+$0x2140]  }
0x55: {  	v15 =	vld [tilespmem:s18+$0x4950]  }
0x56: {  	v16 =	vld [tilespmem:s18+$0x4940];
	_ =	sdelay $0x2  }
0x57: {  	v19 =	vld [tilespmem:s18+$0x3560];
	v18 =	vadd.f32 v12, v13;
	v14 =	vadd.f32 v14, v17  }
0x58: {  	v12 =	vld [tilespmem:s18+$0x2160]  }
0x59: {  	v15 =	vadd.f32 v15, v18;
	v16 =	vadd.f32 v16, v14;
	v14 =	vld [tilespmem:s18+$0x2170]  }
0x5a: {  	v18 =	vld [tilespmem:s18+$0x3570]  }
0x5b: {  	v21 =	vld [tilespmem:s18+$0x4960];
	v20 =	vmul.f32 $2.000000030e-01, v15;
	v22 =	vmul.f32 $2.000000030e-01, v16  }
0x5c: {  	v23 =	vld [tilespmem:s18+$0x4970]  }
0x5d: {  	v15 =	vmax.f32 v15, v20;
	v16 =	vmax.f32 v16, v22  }
0x5e: {  	v15 =	vmul.f32 v15, v9;
	v16 =	vmul.f32 v16, v8  }
0x5f: {  	v19 =	vadd.f32 v19, v12;
	v18 =	vadd.f32 v18, v14  }
0x60: {  	v15 =	vadd.f32 v15, v16  }
0x61: {  	v16 =	vadd.f32 v21, v19;
	v18 =	vadd.f32 v23, v18;
	_ =	sdelay $0x1  }
0x62: {  	v20 =	vmul.f32 $2.000000030e-01, v16;
	v21 =	vmul.f32 $2.000000030e-01, v18;
	_ =	sdelay $0x1  }
0x63: {  	v19 =	vperm.xlane v15, v0;
	v16 =	vmax.f32 v16, v20;
	v18 =	vmax.f32 v18, v21  }
0x64: {  	v16 =	vmul.f32 v16, v10;
	v18 =	vmul.f32 v18, v11  }
0x65: {  	v15 =	vadd.f32 v19, v15  }
0x66: {  	v16 =	vadd.f32 v18, v16  }
0x67: {  	v24 =	vld [tilespmem:s18+$0x3500];
	v19 =	vperm.xlane v15, v1  }
0x68: {  	v23 =	vld [tilespmem:s18+$0x3510];
	v25 =	vperm.xlane v16, v0  }
0x69: {  	v18 =	vld [tilespmem:s18+$0x2100];
	v15 =	vadd.f32 v19, v15  }
0x6a: {  	v19 =	vld [tilespmem:s18+$0x2110];
	v25 =	vadd.f32 v25, v16  }
0x6b: {  	v27 =	vld [tilespmem:s18+$0x4900];
	v26 =	vperm.xlane v15, v2  }
0x6c: {  	v21 =	vld [tilespmem:s18+$0x4910];
	v28 =	vperm.xlane v25, v1  }
0x6d: {  	v26 =	vadd.f32 v26, v15  }
0x6e: {  	v24 =	vadd.f32 v24, v18;
	v25 =	vadd.f32 v28, v25  }
0x6f: {  	v22 =	vld [tilespmem:s18+$0x3530];
	v23 =	vadd.f32 v23, v19  }
0x70: {  	v20 =	vld [tilespmem:s18+$0x3520];
	v29 =	vperm.xlane v26, v3;
	v24 =	vadd.f32 v27, v24;
	v27 =	vperm.xlane v25, v2  }
0x71: {  	v16 =	vld [tilespmem:s18+$0x2130];
	v21 =	vadd.f32 v21, v23  }
0x72: {  	v15 =	vld [tilespmem:s18+$0x2120];
	v26 =	vadd.f32 v29, v26;
	v23 =	vmul.f32 $2.000000030e-01, v24;
	v25 =	vadd.f32 v27, v25  }
0x73: {  	v30 =	vld [tilespmem:s18+$0x4930]  }
0x74: {  	v62 =	vld [tilespmem:s18+$0x4920];
	v26 =	vmax.f32 v26, $-6.000000000e+01;
	v23 =	vmax.f32 v24, v23;
	v24 =	vperm.xlane v25, v3  }
0x75: {  	v26 =	vmin.f32 v26, $6.000000000e+01  }
0x76: {  	v22 =	vadd.f32 v22, v16;
	v24 =	vadd.f32 v24, v25;
	v25 =	vmul.f32 $1.442695020e+00, v26  }
0x77: {  	v20 =	vadd.f32 v20, v15  }
0x78: {  	v22 =	vadd.f32 v30, v22;
	v27 =	vmul.f32 $2.000000030e-01, v21;
	(erf) = vpow2.f32 v25  }
0x79: {  	v20 =	vadd.f32 v62, v20  }
0x7a: {  	v23 =	vmul.f32 v23, v4;
	v63 =	vmul.f32 $2.000000030e-01, v22;
	v21 =	vmax.f32 v21, v27  }
0x7b: {  	v27 =	vmul.f32 $2.000000030e-01, v20;
	v21 =	vmul.f32 v21, v5  }
0x7c: {  	v22 =	vmax.f32 v22, v63  }
0x7d: {  	v20 =	vmax.f32 v20, v27;
	v21 =	vadd.f32 v21, v23;
	v23 =	vmax.f32 v24, $-6.000000000e+01  }
0x7e: {  	s19 =	simm.s32 $0x80;
	v27 =	vmul.f32 v22, v7;
	v20 =	vmul.f32 v20, v6;
	v24 =	vmin.f32 v23, $6.000000000e+01  }
0x7f: {  	v22 =	vld [tilespmem:s19+$0x4950];
	v26 =	vmul.f32 $1.442695020e+00, v24  }
0x80: {  	s12 =	simm.s32 $0x400;
	v23 =	vld [tilespmem:s19+$0x3550];
	v25 =	vperm.xlane v21, v0;
	v24 =	vadd.f32 v27, v20  }
.LBB2_3:
0x81: {  	p0 =	sne.s32 s12, $0x4E00;
	v20 =	vpop (erf);
	(erf) = vpow2.f32 v26;
	s14 =	smov.u32 s12;
	s12 =	sadd.s32 $0x200, s12  }
0x82: {  	v21 =	vadd.f32 v25, v21;
	v25 =	vperm.xlane v24, v0;
	v17 =	vmul.f32 v20, v17  }
0x83: {  	v13 =	vmul.f32 v20, v13  }
0x84: {  	v26 =	vperm.xlane v21, v1;
	v24 =	vadd.f32 v25, v24;
	[tilespmem:s18+$0x2140] =	vst v17  }
0x85: {  	v25 =	vld [tilespmem:s19+$0x3540];
	[tilespmem:s18+$0x2150] =	vst v13  }
0x86: {  	v21 =	vadd.f32 v26, v21;
	v13 =	vld [tilespmem:s19+$0x2150];
	v26 =	vperm.xlane v24, v1  }
0x87: {  	v17 =	vld [tilespmem:s19+$0x2140]  }
0x88: {  	v27 =	vperm.xlane v21, v2;
	v24 =	vadd.f32 v26, v24  }
0x89: {  	v26 =	vld [tilespmem:s19+$0x4940]  }
0x8a: {  	v21 =	vadd.f32 v27, v21;
	v27 =	vperm.xlane v24, v2;
	v28 =	vpop (erf)  }
0x8b: {  	v23 =	vadd.f32 v23, v13;
	v12 =	vmul.f32 v28, v12  }
0x8c: {  	v29 =	vperm.xlane v21, v3;
	v14 =	vmul.f32 v28, v14;
	v25 =	vadd.f32 v25, v17  }
0x8d: {  	v24 =	vadd.f32 v27, v24;
	v22 =	vadd.f32 v22, v23;
	v23 =	vld [tilespmem:s19+$0x3560];
	[tilespmem:s18+$0x2160] =	vst v12  }
0x8e: {  	v21 =	vadd.f32 v29, v21;
	v25 =	vadd.f32 v26, v25;
	v12 =	vld [tilespmem:s19+$0x2160];
	[tilespmem:s18+$0x2170] =	vst v14  }
0x8f: {  	v29 =	vperm.xlane v24, v3;
	v26 =	vmul.f32 $2.000000030e-01, v22;
	v27 =	vld [tilespmem:s19+$0x4960]  }
0x90: {  	v21 =	vmax.f32 v21, $-6.000000000e+01;
	v30 =	vmul.f32 $2.000000030e-01, v25;
	v14 =	vld [tilespmem:s19+$0x2170]  }
0x91: {  	v21 =	vmin.f32 v21, $6.000000000e+01;
	v24 =	vadd.f32 v29, v24;
	v22 =	vmax.f32 v22, v26;
	v26 =	vld [tilespmem:s19+$0x3570]  }
0x92: {  	v21 =	vmul.f32 $1.442695020e+00, v21;
	v25 =	vmax.f32 v25, v30;
	v22 =	vmul.f32 v22, v9  }
0x93: {  	v24 =	vmax.f32 v24, $-6.000000000e+01;
	v25 =	vmul.f32 v25, v8;
	v23 =	vadd.f32 v23, v12;
	v29 =	vld [tilespmem:s19+$0x4970]  }
0x94: {  	v24 =	vmin.f32 v24, $6.000000000e+01;
	(erf) = vpow2.f32 v21  }
0x95: {  	v21 =	vadd.f32 v27, v23;
	v22 =	vadd.f32 v22, v25;
	v23 =	vmul.f32 $1.442695020e+00, v24  }
0x96: {  	v24 =	vadd.f32 v26, v14  }
0x97: {  	v25 =	vperm.xlane v22, v0;
	(erf) = vpow2.f32 v23  }
0x98: {  	v23 =	vmul.f32 $2.000000030e-01, v21;
	v24 =	vadd.f32 v29, v24  }
0x99: {  	v22 =	vadd.f32 v25, v22  }
0x9a: {  	v21 =	vmax.f32 v21, v23;
	v23 =	vmul.f32 $2.000000030e-01, v24  }
0x9b: {  	v27 =	vperm.xlane v22, v1  }
0x9c: {  	v21 =	vmul.f32 v21, v10;
	v26 =	vld [tilespmem:s19+$0x3520];
	v23 =	vmax.f32 v24, v23  }
0x9d: {  	v24 =	vld [tilespmem:s19+$0x4910];
	v23 =	vmul.f32 v23, v11;
	v22 =	vadd.f32 v27, v22;
	v25 =	vpop (erf)  }
0x9e: {  	v27 =	vld [tilespmem:s19+$0x3530];
	v18 =	vmul.f32 v25, v18;
	v19 =	vmul.f32 v25, v19;
	v25 =	vnsel vm0, $0x0, v25  }
0x9f: {  	v29 =	vld [tilespmem:s19+$0x3510];
	v30 =	vperm.xlane v22, v2;
	v21 =	vadd.f32 v23, v21  }
0xa0: {  	v25 =	vadd.f32 $0.0e+00, v25;
	v23 =	vld [tilespmem:s19+$0x3500];
	[tilespmem:s18+$0x2100] =	vst v18;
	v31 =	vpop (erf)  }
0xa1: {  	v18 =	vld [tilespmem:s19+$0x2100];
	v22 =	vadd.f32 v30, v22;
	v30 =	vperm.xlane v21, v0;
	[tilespmem:s18+$0x2110] =	vst v19;
	v16 =	vmul.f32 v31, v16  }
0xa2: {  	v15 =	vmul.f32 v31, v15;
	v31 =	vsel vm1, $0x0, v31;
	v19 =	vld [tilespmem:s19+$0x2110]  }
0xa3: {  	v25 =	vadd.f32 v31, v25;
	v32 =	vld [tilespmem:s19+$0x4900];
	v33 =	vperm.xlane v22, v3;
	v21 =	vadd.f32 v30, v21;
	[tilespmem:s18+$0x2130] =	vst v16  }
0xa4: {  	v20 =	vsel vm2, $0x0, v20;
	v16 =	vld [tilespmem:s19+$0x2130];
	[tilespmem:s18+$0x2120] =	vst v15  }
0xa5: {  	v20 =	vadd.f32 v20, v25;
	v15 =	vld [tilespmem:s19+$0x2120];
	v22 =	vadd.f32 v33, v22;
	v30 =	vperm.xlane v21, v1  }
0xa6: {  	v28 =	vsel vm3, $0x0, v28;
	v23 =	vadd.f32 v23, v18;
	v25 =	vld [tilespmem:s19+$0x4930]  }
0xa7: {  	v20 =	vadd.f32 v28, v20;
	v31 =	vld [tilespmem:s19+$0x4920];
	v22 =	vmax.f32 v22, $-6.000000000e+01;
	v21 =	vadd.f32 v30, v21  }
0xa8: {  	v28 =	vadd.f32 v29, v19;
	v23 =	vadd.f32 v32, v23;
	v22 =	vmin.f32 v22, $6.000000000e+01  }
0xa9: {  	v27 =	vadd.f32 v27, v16;
	v29 =	vperm.xlane v21, v2;
	[tilespmem:s18+$0x5D00] =	vst v20;
	s18 =	smov.u32 s19  }
0xaa: {  	v20 =	vadd.f32 v24, v28;
	v22 =	vmul.f32 $1.442695020e+00, v22;
	v24 =	vadd.f32 v26, v15  }
0xab: {  	v26 =	vmul.f32 $2.000000030e-01, v23;
	v25 =	vadd.f32 v25, v27;
	v21 =	vadd.f32 v29, v21  }
0xac: {  	v27 =	vmul.f32 $2.000000030e-01, v20;
	v24 =	vadd.f32 v31, v24;
	(erf) = vpow2.f32 v22  }
0xad: {  	v22 =	vmax.f32 v23, v26;
	v23 =	vperm.xlane v21, v3  }
0xae: {  	v20 =	vmax.f32 v20, v27;
	v27 =	vmul.f32 $2.000000030e-01, v25;
	v26 =	vmul.f32 $2.000000030e-01, v24  }
0xaf: {  	v22 =	vmul.f32 v22, v4;
	v20 =	vmul.f32 v20, v5;
	v23 =	vadd.f32 v23, v21  }
.Ltmp0:
0xb0: {  	v21 =	vmax.f32 v25, v27;
	v24 =	vmax.f32 v24, v26;
	(pc) =	sbr.rel @p0 .LBB2_3-.Ltmp0, $4  }
0xb1: {  	s19 =	sshra.s32 s14, $0x2;
	v27 =	vmul.f32 v21, v7;
	v21 =	vadd.f32 v20, v22;
	v20 =	vmax.f32 v23, $-6.000000000e+01  }
0xb2: {  	v24 =	vmul.f32 v24, v6;
	v22 =	vld [tilespmem:s19+$0x4950];
	v20 =	vmin.f32 v20, $6.000000000e+01  }
0xb3: {  	v25 =	vperm.xlane v21, v0;
	v23 =	vld [tilespmem:s19+$0x3550];
	v26 =	vmul.f32 $1.442695020e+00, v20  }
0xb4: {  	v24 =	vadd.f32 v27, v24  }
0xb5: {  	v20 =	vadd.f32 v25, v21  }
0xb6: {  	v34 =	vperm.xlane v24, v0  }
0xb7: {  	v21 =	vperm.xlane v20, v1  }
0xb8: {  	v24 =	vadd.f32 v34, v24  }
0xb9: {  	v21 =	vadd.f32 v21, v20  }
0xba: {  	v36 =	vperm.xlane v24, v1  }
0xbb: {  	v35 =	vperm.xlane v21, v2  }
0xbc: {  	v24 =	vadd.f32 v36, v24  }
0xbd: {  	(erf) = vpow2.f32 v26;
	v21 =	vadd.f32 v35, v21  }
0xbe: {  	v37 =	vperm.xlane v24, v2  }
0xbf: {  	v25 =	vperm.xlane v21, v3  }
0xc0: {  	v24 =	vadd.f32 v37, v24  }
0xc1: {  	v20 =	vpop (erf);
	v21 =	vadd.f32 v25, v21  }
0xc2: {  	v17 =	vmul.f32 v20, v17;
	v27 =	vperm.xlane v24, v3  }
0xc3: {  	v13 =	vmul.f32 v20, v13;
	v25 =	vmax.f32 v21, $-6.000000000e+01  }
0xc4: {  	[tilespmem:s18+$0x2140] =	vst v17;
	v25 =	vmin.f32 v25, $6.000000000e+01;
	v24 =	vadd.f32 v27, v24  }
0xc5: {  	v38 =	vld [tilespmem:s19+$0x3540];
	[tilespmem:s18+$0x2150] =	vst v13;
	v25 =	vmul.f32 $1.442695020e+00, v25  }
0xc6: {  	v13 =	vld [tilespmem:s19+$0x2150];
	v21 =	vpop (erf);
	v24 =	vmax.f32 v24, $-6.000000000e+01  }
0xc7: {  	v17 =	vld [tilespmem:s19+$0x2140];
	v12 =	vmul.f32 v21, v12;
	(erf) = vpow2.f32 v25;
	v39 =	vmin.f32 v24, $6.000000000e+01  }
0xc8: {  	v28 =	vld [tilespmem:s19+$0x4940];
	v14 =	vmul.f32 v21, v14;
	v41 =	vmul.f32 $1.442695020e+00, v39  }
0xc9: {  	v29 =	vld [tilespmem:s19+$0x3560];
	[tilespmem:s18+$0x2160] =	vst v12  }
0xca: {  	v12 =	vld [tilespmem:s19+$0x2160];
	[tilespmem:s18+$0x2170] =	vst v14;
	(erf) = vpow2.f32 v41  }
0xcb: {  	v40 =	vld [tilespmem:s19+$0x4960]  }
0xcc: {  	v14 =	vld [tilespmem:s19+$0x2170]  }
0xcd: {  	v42 =	vld [tilespmem:s19+$0x3570]  }
0xce: {  	v43 =	vld [tilespmem:s19+$0x4970]  }
0xcf: {  	v30 =	vld [tilespmem:s19+$0x3520]  }
0xd0: {  	v31 =	vld [tilespmem:s19+$0x4910];
	v32 =	vpop (erf)  }
0xd1: {  	v33 =	vld [tilespmem:s19+$0x3530];
	v18 =	vmul.f32 v32, v18  }
0xd2: {  	v23 =	vadd.f32 v23, v13;
	v34 =	vld [tilespmem:s19+$0x3510];
	v19 =	vmul.f32 v32, v19  }
0xd3: {  	v26 =	vadd.f32 v38, v17;
	v35 =	vld [tilespmem:s19+$0x3500];
	v49 =	vadd.f32 v42, v14;
	[tilespmem:s18+$0x2100] =	vst v18;
	v36 =	vpop (erf)  }
0xd4: {  	v22 =	vadd.f32 v22, v23;
	v18 =	vld [tilespmem:s19+$0x2100];
	[tilespmem:s18+$0x2110] =	vst v19;
	v16 =	vmul.f32 v36, v16  }
0xd5: {  	v44 =	vadd.f32 v28, v26;
	v23 =	vadd.f32 v43, v49;
	v15 =	vmul.f32 v36, v15;
	v19 =	vld [tilespmem:s19+$0x2110]  }
0xd6: {  	v45 =	vld [tilespmem:s19+$0x4900];
	[tilespmem:s18+$0x2130] =	vst v16  }
0xd7: {  	v28 =	vmul.f32 $2.000000030e-01, v44;
	v55 =	vmul.f32 $2.000000030e-01, v23;
	v37 =	vld [tilespmem:s19+$0x2130];
	[tilespmem:s18+$0x2120] =	vst v15  }
0xd8: {  	v46 =	vmul.f32 $2.000000030e-01, v22;
	v47 =	vadd.f32 v29, v12;
	v27 =	vld [tilespmem:s19+$0x2120]  }
0xd9: {  	v48 =	vmax.f32 v44, v28;
	v23 =	vmax.f32 v23, v55;
	v50 =	vld [tilespmem:s19+$0x4930]  }
0xda: {  	v16 =	vmax.f32 v22, v46;
	v15 =	vadd.f32 v40, v47;
	v52 =	vld [tilespmem:s19+$0x4920];
	v51 =	vadd.f32 v35, v18  }
0xdb: {  	v22 =	vmul.f32 v48, v8;
	v16 =	vmul.f32 v16, v9;
	v54 =	vadd.f32 v34, v19  }
0xdc: {  	v53 =	vmul.f32 $2.000000030e-01, v15;
	v25 =	vadd.f32 v45, v51;
	v33 =	vadd.f32 v33, v37  }
0xdd: {  	v23 =	vmul.f32 v23, v11;
	v56 =	vadd.f32 v31, v54;
	v57 =	vadd.f32 v30, v27  }
0xde: {  	v16 =	vadd.f32 v16, v22;
	v15 =	vmax.f32 v15, v53;
	v58 =	vmul.f32 $2.000000030e-01, v25  }
0xdf: {  	v24 =	vadd.f32 v50, v33;
	v60 =	vmul.f32 $2.000000030e-01, v56;
	v28 =	vadd.f32 v52, v57  }
0xe0: {  	v59 =	vperm.xlane v16, v0;
	v15 =	vmul.f32 v15, v10;
	v25 =	vmax.f32 v25, v58  }
0xe1: {  	v22 =	vmax.f32 v56, v60;
	v62 =	vmul.f32 $2.000000030e-01, v24;
	v61 =	vmul.f32 $2.000000030e-01, v28  }
0xe2: {  	v25 =	vmul.f32 v25, v4;
	v22 =	vmul.f32 v22, v5  }
0xe3: {  	v15 =	vadd.f32 v23, v15;
	v24 =	vmax.f32 v24, v62;
	v63 =	vmax.f32 v28, v61  }
0xe4: {  	v24 =	vmul.f32 v24, v7;
	v22 =	vadd.f32 v22, v25;
	v23 =	vmul.f32 v63, v6  }
0xe5: {  	v16 =	vadd.f32 v59, v16;
	v28 =	vperm.xlane v15, v0  }
0xe6: {  	v29 =	vperm.xlane v22, v0;
	v23 =	vadd.f32 v24, v23  }
0xe7: {  	v30 =	vperm.xlane v16, v1;
	v15 =	vadd.f32 v28, v15  }
0xe8: {  	v22 =	vadd.f32 v29, v22;
	v31 =	vperm.xlane v23, v0  }
0xe9: {  	v16 =	vadd.f32 v30, v16;
	v33 =	vperm.xlane v15, v1  }
0xea: {  	v26 =	vperm.xlane v22, v1;
	v23 =	vadd.f32 v31, v23  }
0xeb: {  	v34 =	vperm.xlane v16, v2;
	v15 =	vadd.f32 v33, v15  }
0xec: {  	v22 =	vadd.f32 v26, v22;
	v35 =	vperm.xlane v23, v1  }
0xed: {  	v16 =	vadd.f32 v34, v16;
	v38 =	vperm.xlane v15, v2  }
0xee: {  	v26 =	vperm.xlane v22, v2;
	v23 =	vadd.f32 v35, v23  }
0xef: {  	v39 =	vperm.xlane v16, v3;
	v15 =	vadd.f32 v38, v15  }
0xf0: {  	v22 =	vadd.f32 v26, v22;
	v40 =	vperm.xlane v23, v2  }
0xf1: {  	v16 =	vadd.f32 v39, v16;
	v41 =	vperm.xlane v15, v3  }
0xf2: {  	v26 =	vperm.xlane v22, v3;
	v23 =	vadd.f32 v40, v23  }
0xf3: {  	v16 =	vmax.f32 v16, $-6.000000000e+01;
	v15 =	vadd.f32 v41, v15  }
0xf4: {  	v16 =	vmin.f32 v16, $6.000000000e+01;
	v22 =	vadd.f32 v26, v22;
	v42 =	vperm.xlane v23, v3  }
0xf5: {  	v16 =	vmul.f32 $1.442695020e+00, v16;
	v15 =	vmax.f32 v15, $-6.000000000e+01  }
0xf6: {  	v15 =	vmin.f32 v15, $6.000000000e+01;
	v22 =	vmax.f32 v22, $-6.000000000e+01;
	v23 =	vadd.f32 v42, v23  }
0xf7: {  	v15 =	vmul.f32 $1.442695020e+00, v15;
	v22 =	vmin.f32 v22, $6.000000000e+01  }
0xf8: {  	(erf) = vpow2.f32 v16;
	v43 =	vmul.f32 $1.442695020e+00, v22;
	v44 =	vmax.f32 v23, $-6.000000000e+01  }
0xf9: {  	(erf) = vpow2.f32 v15;
	v45 =	vmin.f32 v44, $6.000000000e+01  }
0xfa: {  	(erf) = vpow2.f32 v43;
	v15 =	vmul.f32 $1.442695020e+00, v45  }
0xfb: {  	v46 =	vnsel vm0, $0x0, v32  }
0xfc: {  	v16 =	vadd.f32 $0.0e+00, v46;
	(erf) = vpow2.f32 v15  }
0xfd: {  	v47 =	vsel vm1, $0x0, v36  }
0xfe: {  	v15 =	vadd.f32 v47, v16  }
0xff: {  	v48 =	vsel vm2, $0x0, v20  }
0x100: {  	v15 =	vadd.f32 v48, v15  }
0x101: {  	v50 =	vsel vm3, $0x0, v21;
	v49 =	vpop (erf)  }
0x102: {  	v51 =	vpop (erf);
	v15 =	vadd.f32 v50, v15  }
0x103: {  	v17 =	vmul.f32 v49, v17;
	v52 =	vpop (erf)  }
0x104: {  	v13 =	vmul.f32 v49, v13;
	[tilespmem:s18+$0x5D00] =	vst v15;
	v53 =	vnsel vm0, $0x0, v52  }
0x105: {  	v12 =	vmul.f32 v51, v12;
	[tilespmem:s19+$0x2140] =	vst v17;
	v15 =	vadd.f32 $0.0e+00, v53;
	v54 =	vpop (erf)  }
0x106: {  	v55 =	vmul.f32 v51, v14;
	[tilespmem:s19+$0x2150] =	vst v13;
	v56 =	vsel vm1, $0x0, v54  }
0x107: {  	[tilespmem:s19+$0x2160] =	vst v12;
	v57 =	vmul.f32 v52, v18;
	v14 =	vadd.f32 v56, v15  }
0x108: {  	v59 =	vsel vm2, $0x0, v49;
	[tilespmem:s19+$0x2170] =	vst v55;
	v58 =	vmul.f32 v52, v19  }
0x109: {  	[tilespmem:s19+$0x2100] =	vst v57;
	v60 =	vmul.f32 v54, v37;
	v14 =	vadd.f32 v59, v14  }
0x10a: {  	v62 =	vsel vm3, $0x0, v51;
	[tilespmem:s19+$0x2110] =	vst v58;
	v61 =	vmul.f32 v54, v27  }
0x10b: {  	[tilespmem:s19+$0x2130] =	vst v60;
	v63 =	vadd.f32 v62, v14  }
0x10c: {  	[tilespmem:s19+$0x2120] =	vst v61  }
0x10d: {  	[tilespmem:s19+$0x5D00] =	vst v63  }
0x10e: {  	[spmem:s2] =	stream.indirect.scatter.add.f32 [tilespmem:s29], [sflag:$0x3], $0x80, s15, s28, $0xb8;
	[tilespmem:$0x1C180] =	vst v63  }
0x10f: {  	s11 =	sadd.s32 $0x1, s11  }
0x110: {  	[spmem:s2] =	stream.indirect.scatter.add.f32 [tilespmem:s22], [sflag:$0x4], $0x80, s17, s28, $0xb8;
	[tilespmem:$0x1C180] =	vst v63  }
0x111: {  	p0 =	sne.s32 s11, $0x1F4;
	_ =	swait.ge [sflag:s0], $0x1400  }
.Ltmp1:
0x112: {  	[sflag:s0] =	ssyncset.done $0x0;
	(pc) =	sbr.rel @p0 .LBB2_2-.Ltmp1, $4  }
0x113: {  	[sflag:s0] =	ssyncadd.s32 $0xFFFFEC00  }
0x114: {  	_ =	swait.ge [sflag:s4], $0x1400  }
0x115: {  	[sflag:s4] =	ssyncset.done $0x0  }
0x116: {  	[sflag:s4] =	ssyncadd.s32 $0xFFFFEC00  }
0x117: {  	[bflag:$0x0] =	sbarrier.arrive $0xFFFF  }
0x118: {  	s11 =	rddreg [dreg:$0x6]  }
0x119: {  	s18 =	rddreg [dreg:$0x8]  }
0x11a: {  	[hbm:s11], [sflag:s20] =	dma.local [spmem:s18], $0x2A00  }
0x11b: {  	_ =	swait.ge [sflag:s21], $0x2A00  }
0x11c: {  	s14 =	smov.u32 s20;
	s3 =	sadd.s32 $0x1, s3;
	s20 =	rddreg [dreg:$0x7]  }
0x11d: {  	p0 =	sne.s32 s3, s20  }
.Ltmp2:
0x11e: {  	_ = 	snop;
	(pc) =	sbr.rel @p0 .LBB2_1-.Ltmp2, $3  }
0x11f: {  	_ =	sdelay $0x1  }
0x120: {  	[sflag:s21] =	ssyncset.done $0x0  }
0x121: {  	[sflag:s21] =	ssyncadd.s32 $0xFFFFD600  }
0x122: {  	_ =	sfence.sel $0x180000  }
0x123: {  	[bflag:$0x0] =	sbarrier.arrive $0xFFFF  }
0x124: {  	_ =	strace $0x9000004A  }
0x125: {  	s0 =	stileid.u32;
	[bflag:$0x2] =	sbarrier.arrive $0xFFFF  }
0x126: {  	p0 =	sne.s32 s0, $0x0;
	s0 =	rddreg [dreg:$0x3]  }
0x127: {  	s0 =	sadd.s32 @!p0 $0x100000, s0  }
0x128: {  	[sflag:s0] =	ssyncadd.tile.s32 @!p0 $0x1;
	_ =	shalt  }
.Lfunc_end2:
_tile_overlayer_lowered:
.L_overlay_start_2:
0x129: {  	(tag) =	ssettag $0x2  }
0x12a: {  	s0 =	rddreg [dreg:$0x0];
	s2 =	stileid.u32  }
0x12b: {  	s1 =	rddreg [dreg:$0x1];
	p0 =	sne.s32 s2, $0x0  }
0x12c: {  	s3 =	rddreg [dreg:$0x2];
	[bflag:$0x3] =	sbarrier.arrive $0xFFFF;
	s2 =	simm.s32 @!p0 $0x1C06  }
0x12d: {  	[timem:s3], [sflag:s2] =	dma.local @!p0 [hbm:s0], s1  }
0x12e: {  	s0 =	simm.s32 @!p0 $0x6  }
0x12f: {  	_ =	swait.ge @!p0 [sflag:s0], s1  }
0x130: {  	s1 =	ssub.s32 @!p0 $0x0, s1;
	[sflag:s0] =	ssyncset.done @!p0 $0x0  }
0x131: {  	[sflag:s0] =	ssyncadd.s32 @!p0 s1  }
0x132: {  	[bflag:$0x3] =	sbarrier.arrive $0xFFFF  }
0x133: {  	_ =	shalt  }

// kernel: kernel.8.cloned.1.call-start
scs
__scs_entry_jumppad:
0x0: {  	(pc) =	sbr.rel $0x88, $3  }
0x1: {  	(tag) =	ssettag $0x0;
	lr =	simm.s32 $0x1  }
0x2: {  	[smem:$0x3F8C] =	sst lr;
	_ =	strace $0xD0000000  }
0x3: {  	_ = 	snop  }
0x4: {  	_ = 	snop  }
0x5: {  	_ = 	snop  }
0x6: {  	_ = 	snop  }
0x7: {  	_ = 	snop  }
__scs_overlays_trampoline_lowered:
0x8: {  	[smem:$0x3F9B] =	sst s0  }
0x9: {  	[smem:$0x3F9C] =	sst s1  }
0xa: {  	[smem:$0x3F9D] =	sst s2  }
0xb: {  	[smem:$0x3F9E] =	sst s3  }
0xc: {  	[smem:$0x3F9F] =	sst s4  }
0xd: {  	[smem:$0x3FA0] =	sst s5  }
0xe: {  	[smem:$0x3FA1] =	sst s6  }
0xf: {  	[smem:$0x3FA2] =	sst s7  }
0x10: {  	[smem:$0x3FA3] =	sst s8  }
0x11: {  	[smem:$0x3FA4] =	sst s9;
	s0 =	simm.s32 @!p0 $0x0  }
0x12: {  	s1 =	sld [smem:$0x3F8A];
	s0 =	simm.s32 @p0 $0x1  }
0x13: {  	[smem:$0x3FA5] =	sst s0;
	s0 =	simm.s32 @!p1 $0x0  }
0x14: {  	s2 =	sld [smem:$0x3F89];
	s0 =	simm.s32 @p1 $0x1  }
0x15: {  	[smem:$0x3FA6] =	sst s0;
	s0 =	simm.s32 @!p2 $0x0  }
0x16: {  	s3 =	sld [smem:$0x3FDB];
	s0 =	simm.s32 @p2 $0x1  }
0x17: {  	s4 =	simm.s32 $0x1BF5;
	[smem:$0x3FA8] =	sst s0  }
0x18: {  	s0 =	sld [smem:$0x3F8B];
	_ =	swait.ge [sflag:s4], $0x0  }
0x19: {  	s7 =	sld [smem:$0x3F8C]  }
0x1a: {  	s8 =	sadd.s32 $0xFFFFE003, lr  }
0x1b: {  	s9 =	sadd.s32 $0xFFFFFEF7, lr;
	s5 =	simm.s32 $0xFFFFFFFF;
	p2 =	slt.u32 s8, $0xFFFFF086  }
0x1c: {  	p1 =	slt.u32 s9, $0xF7A;
	s5 =	simm.s32 @!p2 $0x0  }
0x1d: {  	s5 =	simm.s32 @p1 $0x1;
	p0 =	seq.s32 s7, s2  }
0x1e: {  	s7 =	smul.u32 @!p0 $0xF7A, s2;
	p2 =	seq.s32 @!p0 s5, $0x0  }
0x1f: {  	s9 =	smul.u32 $0xF7A, s1;
	s8 =	simm.s32 @!p0 $0x1BF5;
	p2 =	por !p2, p0  }
0x20: {  	[sflag:s8] =	ssyncset.s32 @!p0 $0xFFFFF086;
	s6 =	sadd.s32 @!p0 s3, s7;
	s7 =	simm.s32 @!p0 $0x108  }
0x21: {  	s3 =	sadd.s32 s3, s9;
	s6 =	sadd.s32 @!p0 $0x88, s6;
	s7 =	simm.s32 @p2 $0x1082  }
0x22: {  	[simem:s7], [sflag:s8] =	dma.local @!p0 [hbm:s6], $0xF7A  }
0x23: {  	s9 =	sor.u32 $0xD0000000, s2;
	s6 =	simm.s32 $0x108;
	_ =	swait.ge @!p0 [sflag:s8], $0x0  }
0x24: {  	s3 =	sadd.s32 $0x88, s3;
	s6 =	simm.s32 @!p1 $0x1082;
	[sflag:s4] =	ssyncset.s32 $0xFFFFF086  }
0x25: {  	[simem:s6], [sflag:s4] =	dma.local [hbm:s3], $0xF7A  }
0x26: {  	[smem:$0x3F8C] =	sst s1;
	(tag) =	ssettag s2;
	_ =	strace s9  }
0x27: {  	s1 =	sld [smem:$0x3F9C]  }
0x28: {  	s2 =	sld [smem:$0x3F9D]  }
0x29: {  	s4 =	sld [smem:$0x3F9F]  }
0x2a: {  	p0 =	seq.s32 s5, $0x0;
	s5 =	sld [smem:$0x3FA0]  }
0x2b: {  	s6 =	sld [smem:$0x3FA1]  }
0x2c: {  	s7 =	sld [smem:$0x3FA2]  }
0x2d: {  	s3 =	simm.s32 $0x108;
	s8 =	sld [smem:$0x3FA3]  }
0x2e: {  	s3 =	simm.s32 @!p0 $0x1082;
	s9 =	sld [smem:$0x3FA4]  }
0x2f: {  	lr =	sadd.s32 s0, s3;
	s0 =	sld [smem:$0x3F9B]  }
0x30: {  	s3 =	sld [smem:$0x3F9E]  }
0x31: {  	[smem:$0x3FA7] =	sst s10  }
0x32: {  	s10 =	sld [smem:$0x3FA5];
	_ =	sdelay $0x3  }
0x33: {  	p0 =	seq.s32 s10, $0x1;
	s10 =	sld [smem:$0x3FA7];
	_ =	sdelay $0x3  }
0x34: {  	[smem:$0x3FA7] =	sst s10  }
0x35: {  	s10 =	sld [smem:$0x3FA6];
	_ =	sdelay $0x3  }
0x36: {  	p1 =	seq.s32 s10, $0x1;
	s10 =	sld [smem:$0x3FA7];
	_ =	sdelay $0x3  }
0x37: {  	[smem:$0x3FA7] =	sst s10  }
0x38: {  	s10 =	sld [smem:$0x3FA8]  }
0x39: {  	_ = 	snop;
	(pc) =	sbr.ind lr, $3  }
0x3a: {  	_ = 	snop  }
0x3b: {  	_ = 	snop  }
0x3c: {  	p2 =	seq.s32 s10, $0x1;
	s10 =	sld [smem:$0x3FA7]  }
0x3d: {  	_ =	shalt  }
0x3e: {  	_ =	shalt  }
0x3f: {  	_ =	shalt  }
0x40: {  	_ =	shalt  }
0x41: {  	_ =	shalt  }
0x42: {  	_ =	shalt  }
0x43: {  	_ =	shalt  }
0x44: {  	_ =	shalt  }
0x45: {  	_ =	shalt  }
0x46: {  	_ =	shalt  }
0x47: {  	_ =	shalt  }
0x48: {  	_ =	shalt  }
0x49: {  	_ =	shalt  }
0x4a: {  	_ =	shalt  }
0x4b: {  	_ =	shalt  }
0x4c: {  	_ =	shalt  }
0x4d: {  	_ =	shalt  }
0x4e: {  	_ =	shalt  }
0x4f: {  	_ =	shalt  }
0x50: {  	_ =	shalt  }
0x51: {  	_ =	shalt  }
0x52: {  	_ =	shalt  }
0x53: {  	_ =	shalt  }
0x54: {  	_ =	shalt  }
0x55: {  	_ =	shalt  }
0x56: {  	_ =	shalt  }
0x57: {  	_ =	shalt  }
0x58: {  	_ =	shalt  }
0x59: {  	_ =	shalt  }
0x5a: {  	_ =	shalt  }
0x5b: {  	_ =	shalt  }
0x5c: {  	_ =	shalt  }
0x5d: {  	_ =	shalt  }
0x5e: {  	_ =	shalt  }
0x5f: {  	_ =	shalt  }
0x60: {  	_ =	shalt  }
0x61: {  	_ =	shalt  }
0x62: {  	_ =	shalt  }
0x63: {  	_ =	shalt  }
0x64: {  	_ =	shalt  }
0x65: {  	_ =	shalt  }
0x66: {  	_ =	shalt  }
0x67: {  	_ =	shalt  }
0x68: {  	_ =	shalt  }
0x69: {  	_ =	shalt  }
0x6a: {  	_ =	shalt  }
0x6b: {  	_ =	shalt  }
0x6c: {  	_ =	shalt  }
0x6d: {  	_ =	shalt  }
0x6e: {  	_ =	shalt  }
0x6f: {  	_ =	shalt  }
0x70: {  	_ =	shalt  }
0x71: {  	_ =	shalt  }
0x72: {  	_ =	shalt  }
0x73: {  	_ =	shalt  }
0x74: {  	_ =	shalt  }
0x75: {  	_ =	shalt  }
0x76: {  	_ =	shalt  }
0x77: {  	_ =	shalt  }
0x78: {  	_ =	shalt  }
0x79: {  	_ =	shalt  }
0x7a: {  	_ =	shalt  }
0x7b: {  	_ =	shalt  }
0x7c: {  	_ =	shalt  }
0x7d: {  	_ =	shalt  }
0x7e: {  	_ =	shalt  }
0x7f: {  	_ =	shalt  }
0x80: {  	_ =	shalt  }
0x81: {  	_ =	shalt  }
0x82: {  	_ =	shalt  }
0x83: {  	_ =	shalt  }
0x84: {  	_ =	shalt  }
0x85: {  	_ =	shalt  }
0x86: {  	_ =	shalt  }
0x87: {  	_ =	shalt  }
.Lfunc_end0:
.L_simem_size_0:
called_computation_lowered:
.L_overlay_start_0:
0x88: {  	s2 =	sld [smem:$0x3FD9]  }
0x89: {  	s3 =	sld [smem:$0x3FFE];
	_ =	sdelay $0x1  }
0x8a: {  	s1 =	srdreg.scid  }
0x8b: {  	s0 =	sand.u32 $0x1, s1  }
0x8c: {  	s17 =	sshll.u32 s0, $0xA;
	s2 =	sadd.s32 s3, s2  }
0x8d: {  	s2 =	sadd.s32 s2, s17  }
0x8e: {  	[smem:$0x3FB3] =	sst s2  }
0x8f: {  	_ = 	snop  }
0x90: {  	s2 =	sld [smem:$0x3FD0];
	(tm) =	ssettm $0x1  }
0x91: {  	s18 =	sld [smem:$0x3FFB];
	_ =	sdelay $0x3  }
0x92: {  	_ =	strace s18  }
0x93: {  	s3 =	sld [smem:$0x3FFC];
	_ =	sdelay $0x3  }
0x94: {  	_ =	strace s3  }
0x95: {  	s3 =	sld [smem:$0x3FFD];
	_ =	sdelay $0x3  }
0x96: {  	_ =	strace s3  }
0x97: {  	_ =	strace $0x8FFFFFFF  }
0x98: {  	s19 =	sld [smem:$0x3FDB];
	_ =	sdelay $0x1  }
0x99: {  	s4 =	simm.s32 $_scs_section_size  }
0x9a: {  	s5 =	simm.s32 $_size__tile_overlayer_lowered;
	s6 =	simm.s32 $_tile_overlayer_lowered  }
0x9b: {  	s22 =	simm.s32 $0x1BFF;
	s21 =	sshll.u32 s6, $0x1;
	s3 =	sadd.s32 s4, s19  }
0x9c: {  	s7 =	simm.s32 $0x0;
	s20 =	sshll.u32 s5, $0x1;
	s5 =	sadd.s32 s21, s3  }
0x9d: {  	[timem:s7], [sflag:s22] =	dma.local [hbm:s5], s20  }
0x9e: {  	_ =	swait.ge [sflag:s22], s20  }
0x9f: {  	s4 =	ssub.s32 $0x0, s20;
	[sflag:s22] =	ssyncset.done $0x0  }
0xa0: {  	[sflag:s22] =	ssyncadd.s32 s4;
	_ =	sdelay $0x1  }
0xa1: {  	s23 =	simm.s32 $0x1B8B  }
0xa2: {  	_ =	swait.ge [sflag:s23], $0x1  }
0xa3: {  	[sflag:s23] =	ssyncset.done $0x0  }
0xa4: {  	s25 =	simm.s32 $0x1B8E;
	s24 =	sld [smem:$0x3FFE];
	[sflag:s23] =	ssyncadd.s32 $0xFFFFFFFF  }
0xa5: {  	s26 =	simm.s32 $execute0_lowered;
	[smem:$0x3FD2] =	sst s25  }
0xa6: {  	s5 =	sshll.u32 s26, $0x1;
	_ =	strace $0x80000046;
	[dreg:$0x1] =	wrdreg $0xFFFFFFFF  }
0xa7: {  	s28 =	simm.s32 $_size_execute0_lowered;
	s3 =	sadd.s32 s3, s5;
	[dreg:$0x0] =	wrdreg $0x0  }
0xa8: {  	s5 =	sshll.u32 s28, $0x1;
	[dreg:$0x2] =	wrdreg s3  }
0xa9: {  	[dreg:$0x3] =	wrdreg s5  }
0xaa: {  	[dreg:$0x4] =	wrdreg $0xC0  }
0xab: {  	_ =	task [dreg:s7], $0x5FFFF  }
0xac: {  	[dreg:$0x1] =	wrdreg $0xFFFFFFFF  }
0xad: {  	[dreg:$0x0] =	wrdreg $0x60  }
0xae: {  	[dreg:$0x2] =	wrdreg s24  }
0xaf: {  	[dreg:$0x3] =	wrdreg s2  }
0xb0: {  	[dreg:$0x4] =	wrdreg $0x71800  }
0xb1: {  	[dreg:$0x5] =	wrdreg $0x9  }
0xb2: {  	_ =	task.clear_ibuf [dreg:s7], $0x6FFFF;
	_ =	strace $0x90000046  }
0xb3: {  	s29 =	simm.s32 $0x9;
	_ =	strace $0x80000048  }
0xb4: {  	_ =	swait.ge [sflag:s29], $0x1  }
0xb5: {  	[sflag:s29] =	ssyncadd.s32 $0xFFFFFFFF  }
0xb6: {  	_ =	strace $0x90000048  }
0xb7: {  	_ =	sfence  }
0xb8: {  	s30 =	sld [smem:$0x0];
	_ =	sdelay $0x2  }
0xb9: {  	s31 =	sshll.u32 s1, $0xD;
	s1 =	sshrl.u32 s1, $0x2  }
0xba: {  	s3 =	sand.u32 $0x4000, s31;
	s1 =	sadd.s32 s1, s30  }
0xbb: {  	s0 =	sor.u32 s3, s0;
	s1 =	sshll.u32 s1, $0x11  }
0xbc: {  	s0 =	sor.u32 s1, s0  }
0xbd: {  	s0 =	sadd.s32 $0x8F2B, s0  }
0xbe: {  	[sflag:s0] =	ssyncadd.remote.s32 $0x1  }
0xbf: {  	_ =	sfence.sel $0xFFFF  }
0xc0: {  	[dreg:$0x0] =	wrdreg $0xFFFFFFFF;
	(pc) =	sbr.abs _section_cstart, $3  }
0xc1: {  	[dreg:$0x1] =	wrdreg $0xFFFFFFFF  }
0xc2: {  	_ =	task.clear_ibuf [dreg:s7], $0x2FFFF;
	_ =	strace $0x9FFFFFFF  }
0xc3: {  	(tm) =	ssettm $0x7FFFFFFF  }
tec
execute0_lowered:
.L_overlay_start_1:
0x0: {  	(tag) =	ssettag $0x1  }
0x1: {  	s0 =	rddreg [dreg:$0x0]  }
0x2: {  	s1 =	rddreg [dreg:$0x1]  }
0x3: {  	s2 =	rddreg [dreg:$0x2];
	s3 =	simm.s32 $0x0  }
0x4: {  	s19 =	srdreg.scid;
	s16 =	stileid.u32;
	s28 =	simm.s32 $0x28  }
0x5: {  	s29 =	simm.s32 $0x2100;
	s30 =	simm.s32 $0x2;
	s31 =	simm.s32 $0x3500  }
0x6: {  	[smem:$0x7FF] =	sst s3;
	s5 =	sadd.s32 $0x3400, s0;
	s6 =	sadd.s32 $0xD200, s0  }
0x7: {  	s3 =	sand.u32 $0x1, s19;
	s7 =	sadd.s32 $0x2AC00, s0;
	s8 =	sadd.s32 $0x17200, s0  }
0x8: {  	v0 =	vimm.s32 $0xEFCDAB89;
	s9 =	sadd.s32 $0x3E600, s0;
	s11 =	smul.u32 $0x15000, s16;
	s10 =	sadd.s32 $0x4F9000, s0  }
0x9: {  	v1 =	vimm.s32 $0x67452301;
	s12 =	sadd.s32 $0x17000, s0;
	s21 =	smul.u32 $0x54000, s16;
	s13 =	sadd.s32 $0x65800, s0  }
0xa: {  	v2 =	vimm.s32 $0xDCFE98BA;
	v3 =	vimm.s32 $0x54761032;
	s25 =	sshll.u32 s16, $0x8;
	s15 =	sshll.u32 s16, $0x6;
	_ =	strace $0x80000047  }
0xb: {  	v4 =	vimm.s32 $0xBA98FEDC;
	v5 =	vimm.s32 $0x32107654;
	s4 =	smul.u32 $0x150000, s3;
	[dreg:$0x4] =	wrdreg s12;
	s20 =	ssub.s32 $0x2, s3  }
0xc: {  	v6 =	vimm.s32 $0xFEDCBA98;
	v7 =	vimm.s32 $0x76543210;
	vm0 =	vmmov $0x1;
	[dreg:$0x5] =	wrdreg s13;
	s14 =	sshll.u32 s3, $0x7;
	s13 =	smul.u32 $0x4E20, s16  }
0xd: {  	vm1 =	vcmask $0x308;
	v0 =	vunpack.c.l.s4.s8 v0;
	v1 =	vunpack.c.l.s4.s8 v1;
	s16 =	smul.u32 $0x4E200, s3;
	s3 =	simm.s32 $0x0;
	s22 =	sshrl.u32 s20, $0x1  }
0xe: {  	v2 =	vunpack.c.l.s4.s8 v2;
	v3 =	vunpack.c.l.s4.s8 v3;
	v4 =	vunpack.c.l.s4.s8 v4;
	s24 =	sshrl.u32 s21, $0x2;
	s12 =	sor.u32 s14, s25;
	s14 =	sor.u32 $0x1C06, s15  }
0xf: {  	v5 =	vunpack.c.l.s4.s8 v5;
	v6 =	vunpack.c.l.s4.s8 v6;
	v0 =	vunpack.c.0.s8.s32 v0;
	s21 =	simm.s32 $0x6;
	s25 =	simm.s32 $0x4900;
	s4 =	sadd.s32 s11, s4  }
0x10: {  	v1 =	vunpack.c.0.s8.s32 v1;
	v2 =	vunpack.c.0.s8.s32 v2;
	v3 =	vunpack.c.0.s8.s32 v3;
	s23 =	ssub.s32 s20, s22;
	s11 =	sadd.s32 s24, s2;
	s15 =	sadd.s32 $0x100, s12  }
0x11: {  	v7 =	vunpack.c.l.s4.s8 v7;
	v4 =	vunpack.c.0.s8.s32 v4;
	v5 =	vunpack.c.0.s8.s32 v5;
	s17 =	sadd.s32 $0x1100, s12;
	s22 =	simm.s32 $0x5D00;
	s24 =	simm.s32 $0x80  }
0x12: {  	s4 =	sshrl.u32 s4, $0x3;
	s26 =	smax.u32 s23, $0x1;
	v0 =	vcombine.low v1, v0;
	v1 =	vcombine.low v3, v2;
	s18 =	sshrl.u32 s11, $0x3;
	v2 =	vunpack.c.0.s8.s32 v6  }
0x13: {  	vm2 =	vcmask $0x70C;
	v3 =	vcombine.low v5, v4;
	v4 =	vunpack.c.0.s8.s32 v7;
	s23 =	simm.s32 $0x5;
	s0 =	sadd.s32 s4, s0;
	[dreg:$0x7] =	wrdreg s26  }
0x14: {  	vm3 =	vcmask $0xB10;
	s26 =	simm.s32 $0x1;
	[dreg:$0x8] =	wrdreg s18;
	s0 =	sadd.s32 $0x68200, s0;
	v0 =	vand.u32 $0xF, v0;
	v5 =	vand.u32 $0xF, v2  }
0x15: {  	s4 =	simm.s32 $0x4;
	v1 =	vand.u32 $0xF, v1;
	v2 =	vand.u32 $0xF, v3;
	[dreg:$0x6] =	wrdreg s0;
	v3 =	vcombine.low v5, v4;
	s0 =	simm.s32 $0x3  }
.LBB2_1:
0x16: {  	s12 =	rddreg [dreg:$0x5]  }
0x17: {  	[spmem:s18], [sflag:s14] =	dma.local [hbm:s12], $0x2A00  }
0x18: {  	_ =	swait.ge [sflag:s21], $0x2A00  }
0x19: {  	[sflag:s21] =	ssyncset.done $0x0  }
0x1a: {  	s11 =	simm.s32 $0x0;
	[sflag:s21] =	ssyncadd.s32 $0xFFFFD600  }
0x1b: {  	[tilespmem:s22], [sflag:$0x6] =	stream.linear.gather [hbm4b:s12+s11], $0x1400, $0x38;
	[tilespmem:$0x1C180] =	vst v63  }
0x1c: {  	_ =	swait.ge [sflag:s21], $0x1400  }
0x1d: {  	[sflag:s21] =	ssyncset.done $0x0  }
0x1e: {  	s19 =	simm.s32 $0x7100;
	s18 =	rddreg [dreg:$0x4];
	[sflag:s21] =	ssyncadd.s32 $0xFFFFEC00  }
0x1f: {  	[tilespmem:s19], [sflag:$0x6] =	stream.linear.gather [hbm4b:s18+s11], $0x80, $0x38;
	[tilespmem:$0x1C180] =	vst v63  }
0x20: {  	_ =	swait.ge [sflag:s21], $0x80  }
0x21: {  	[sflag:s21] =	ssyncset.done $0x0  }
0x22: {  	[sflag:s21] =	ssyncadd.s32 $0xFFFFFF80  }
0x23: {  	[bflag:$0x0] =	sbarrier.arrive $0xFFFF  }
0x24: {  	v4 =	vld [tilespmem:$0x7100]  }
0x25: {  	v5 =	vld [tilespmem:$0x7110]  }
0x26: {  	v6 =	vld [tilespmem:$0x7120]  }
0x27: {  	v7 =	vld [tilespmem:$0x7130]  }
0x28: {  	v8 =	vld [tilespmem:$0x7140]  }
0x29: {  	v9 =	vld [tilespmem:$0x7150]  }
0x2a: {  	v10 =	vld [tilespmem:$0x7160]  }
0x2b: {  	s20 =	smov.u32 s14;
	s11 =	simm.s32 $0x0;
	v11 =	vld [tilespmem:$0x7170]  }
.LBB2_2:
0x2c: {  	s12 =	smul.u32 $0x28, s11;
	_ =	sdelay $0x1  }
0x2d: {  	s12 =	sadd.s32 s13, s12  }
0x2e: {  	s14 =	sshrl.u32 s12, $0x3  }
0x2f: {  	s19 =	simm.s32 $0x0;
	s18 =	sadd.s32 s5, s14  }
0x30: {  	[tilespmem:s19], [sflag:$0x1] =	stream.linear.gather [hbm4b:s18+s19], $0x28, $0x38;
	[tilespmem:$0x1C180] =	vst v63  }
0x31: {  	s14 =	sadd.s32 s6, s14;
	s18 =	sadd.s32 s16, s12  }
0x32: {  	[tilespmem:s24], [sflag:$0x2] =	stream.linear.gather [hbm4b:s14+s19], $0x28, $0x38;
	[tilespmem:$0x1C180] =	vst v63  }
0x33: {  	s14 =	sshrl.u32 s18, $0x3  }
0x34: {  	s18 =	sadd.s32 s7, s14  }
0x35: {  	[tilespmem:s15], [sflag:$0x3] =	stream.linear.gather [hbm4b:s18+s19], $0x28, $0x38;
	[tilespmem:$0x1C180] =	vst v63  }
0x36: {  	s12 =	sshll.u32 s12, $0x4;
	s14 =	sadd.s32 s8, s14  }
0x37: {  	[tilespmem:s17], [sflag:$0x4] =	stream.linear.gather [hbm4b:s14+s19], $0x28, $0x38;
	[tilespmem:$0x1C180] =	vst v63  }
0x38: {  	s12 =	sadd.s32 s10, s12  }
0x39: {  	[tilespmem:s25], [sflag:$0x5] =	stream.linear.gather [hbm4b:s12+s19], $0x1400, $0x38;
	[tilespmem:$0x1C180] =	vst v63  }
0x3a: {  	_ =	swait.ge [sflag:s26], $0x28  }
0x3b: {  	[sflag:s26] =	ssyncset.done $0x0  }
0x3c: {  	[sflag:s26] =	ssyncadd.s32 $0xFFFFFFD8  }
0x3d: {  	[tilespmem:s29], [sflag:$0x1] =	stream.indirect.gather [hbm4b:s1+s28], $0x80, s19, s28, $0xb8;
	[tilespmem:$0x1C180] =	vst v63  }
0x3e: {  	_ =	swait.ge [sflag:s30], $0x28  }
0x3f: {  	[sflag:s30] =	ssyncset.done $0x0  }
0x40: {  	[sflag:s30] =	ssyncadd.s32 $0xFFFFFFD8  }
0x41: {  	[tilespmem:s31], [sflag:$0x2] =	stream.indirect.gather [hbm4b:s9+s28], $0x80, s24, s28, $0xb8;
	[tilespmem:$0x1C180] =	vst v63  }
0x42: {  	_ =	swait.ge [sflag:s0], $0x28  }
0x43: {  	[sflag:s0] =	ssyncset.done $0x0  }
0x44: {  	[sflag:s0] =	ssyncadd.s32 $0xFFFFFFD8  }
0x45: {  	_ =	swait.ge [sflag:s4], $0x28  }
0x46: {  	[sflag:s4] =	ssyncset.done $0x0  }
0x47: {  	[sflag:s4] =	ssyncadd.s32 $0xFFFFFFD8  }
0x48: {  	_ =	swait.ge [sflag:s26], $0x1400  }
0x49: {  	[sflag:s26] =	ssyncset.done $0x0  }
0x4a: {  	[sflag:s26] =	ssyncadd.s32 $0xFFFFEC00  }
0x4b: {  	_ =	swait.ge [sflag:s30], $0x1400  }
0x4c: {  	[sflag:s30] =	ssyncset.done $0x0  }
0x4d: {  	[sflag:s30] =	ssyncadd.s32 $0xFFFFEC00  }
0x4e: {  	_ =	swait.ge [sflag:s23], $0x1400  }
0x4f: {  	[sflag:s23] =	ssyncset.done $0x0  }
0x50: {  	s18 =	simm.s32 $0x0;
	[sflag:s23] =	ssyncadd.s32 $0xFFFFEC00  }
0x51: {  	v12 =	vld [tilespmem:s18+$0x3550]  }
0x52: {  	v14 =	vld [tilespmem:s18+$0x3540]  }
0x53: {  	v13 =	vld [tilespmem:s18+$0x2150]  }
0x54: {  	v17 =	vld [tilespmem:s18+$0x2140]  }
0x55: {  	v15 =	vld [tilespmem:s18+$0x4950]  }
0x56: {  	v16 =	vld [tilespmem:s18+$0x4940];
	_ =	sdelay $0x2  }
0x57: {  	v19 =	vld [tilespmem:s18+$0x3560];
	v18 =	vadd.f32 v12, v13;
	v14 =	vadd.f32 v14, v17  }
0x58: {  	v12 =	vld [tilespmem:s18+$0x2160]  }
0x59: {  	v15 =	vadd.f32 v15, v18;
	v16 =	vadd.f32 v16, v14;
	v14 =	vld [tilespmem:s18+$0x2170]  }
0x5a: {  	v18 =	vld [tilespmem:s18+$0x3570]  }
0x5b: {  	v21 =	vld [tilespmem:s18+$0x4960];
	v20 =	vmul.f32 $2.000000030e-01, v15;
	v22 =	vmul.f32 $2.000000030e-01, v16  }
0x5c: {  	v23 =	vld [tilespmem:s18+$0x4970]  }
0x5d: {  	v15 =	vmax.f32 v15, v20;
	v16 =	vmax.f32 v16, v22  }
0x5e: {  	v15 =	vmul.f32 v15, v9;
	v16 =	vmul.f32 v16, v8  }
0x5f: {  	v19 =	vadd.f32 v19, v12;
	v18 =	vadd.f32 v18, v14  }
0x60: {  	v15 =	vadd.f32 v15, v16  }
0x61: {  	v16 =	vadd.f32 v21, v19;
	v18 =	vadd.f32 v23, v18;
	_ =	sdelay $0x1  }
0x62: {  	v20 =	vmul.f32 $2.000000030e-01, v16;
	v21 =	vmul.f32 $2.000000030e-01, v18;
	_ =	sdelay $0x1  }
0x63: {  	v19 =	vperm.xlane v15, v0;
	v16 =	vmax.f32 v16, v20;
	v18 =	vmax.f32 v18, v21  }
0x64: {  	v16 =	vmul.f32 v16, v10;
	v18 =	vmul.f32 v18, v11  }
0x65: {  	v15 =	vadd.f32 v19, v15  }
0x66: {  	v16 =	vadd.f32 v18, v16  }
0x67: {  	v24 =	vld [tilespmem:s18+$0x3500];
	v19 =	vperm.xlane v15, v1  }
0x68: {  	v23 =	vld [tilespmem:s18+$0x3510];
	v25 =	vperm.xlane v16, v0  }
0x69: {  	v18 =	vld [tilespmem:s18+$0x2100];
	v15 =	vadd.f32 v19, v15  }
0x6a: {  	v19 =	vld [tilespmem:s18+$0x2110];
	v25 =	vadd.f32 v25, v16  }
0x6b: {  	v27 =	vld [tilespmem:s18+$0x4900];
	v26 =	vperm.xlane v15, v2  }
0x6c: {  	v21 =	vld [tilespmem:s18+$0x4910];
	v28 =	vperm.xlane v25, v1  }
0x6d: {  	v26 =	vadd.f32 v26, v15  }
0x6e: {  	v24 =	vadd.f32 v24, v18;
	v25 =	vadd.f32 v28, v25  }
0x6f: {  	v22 =	vld [tilespmem:s18+$0x3530];
	v23 =	vadd.f32 v23, v19  }
0x70: {  	v20 =	vld [tilespmem:s18+$0x3520];
	v29 =	vperm.xlane v26, v3;
	v24 =	vadd.f32 v27, v24;
	v27 =	vperm.xlane v25, v2  }
0x71: {  	v16 =	vld [tilespmem:s18+$0x2130];
	v21 =	vadd.f32 v21, v23  }
0x72: {  	v15 =	vld [tilespmem:s18+$0x2120];
	v26 =	vadd.f32 v29, v26;
	v23 =	vmul.f32 $2.000000030e-01, v24;
	v25 =	vadd.f32 v27, v25  }
0x73: {  	v30 =	vld [tilespmem:s18+$0x4930]  }
0x74: {  	v62 =	vld [tilespmem:s18+$0x4920];
	v26 =	vmax.f32 v26, $-6.000000000e+01;
	v23 =	vmax.f32 v24, v23;
	v24 =	vperm.xlane v25, v3  }
0x75: {  	v26 =	vmin.f32 v26, $6.000000000e+01  }
0x76: {  	v22 =	vadd.f32 v22, v16;
	v24 =	vadd.f32 v24, v25;
	v25 =	vmul.f32 $1.442695020e+00, v26  }
0x77: {  	v20 =	vadd.f32 v20, v15  }
0x78: {  	v22 =	vadd.f32 v30, v22;
	v27 =	vmul.f32 $2.000000030e-01, v21;
	(erf) = vpow2.f32 v25  }
0x79: {  	v20 =	vadd.f32 v62, v20  }
0x7a: {  	v23 =	vmul.f32 v23, v4;
	v63 =	vmul.f32 $2.000000030e-01, v22;
	v21 =	vmax.f32 v21, v27  }
0x7b: {  	v27 =	vmul.f32 $2.000000030e-01, v20;
	v21 =	vmul.f32 v21, v5  }
0x7c: {  	v22 =	vmax.f32 v22, v63  }
0x7d: {  	v20 =	vmax.f32 v20, v27;
	v21 =	vadd.f32 v21, v23;
	v23 =	vmax.f32 v24, $-6.000000000e+01  }
0x7e: {  	s19 =	simm.s32 $0x80;
	v27 =	vmul.f32 v22, v7;
	v20 =	vmul.f32 v20, v6;
	v24 =	vmin.f32 v23, $6.000000000e+01  }
0x7f: {  	v22 =	vld [tilespmem:s19+$0x4950];
	v26 =	vmul.f32 $1.442695020e+00, v24  }
0x80: {  	s12 =	simm.s32 $0x400;
	v23 =	vld [tilespmem:s19+$0x3550];
	v25 =	vperm.xlane v21, v0;
	v24 =	vadd.f32 v27, v20  }
.LBB2_3:
0x81: {  	p0 =	sne.s32 s12, $0x4E00;
	v20 =	vpop (erf);
	(erf) = vpow2.f32 v26;
	s14 =	smov.u32 s12;
	s12 =	sadd.s32 $0x200, s12  }
0x82: {  	v21 =	vadd.f32 v25, v21;
	v25 =	vperm.xlane v24, v0;
	v17 =	vmul.f32 v20, v17  }
0x83: {  	v13 =	vmul.f32 v20, v13  }
0x84: {  	v26 =	vperm.xlane v21, v1;
	v24 =	vadd.f32 v25, v24;
	[tilespmem:s18+$0x2140] =	vst v17  }
0x85: {  	v25 =	vld [tilespmem:s19+$0x3540];
	[tilespmem:s18+$0x2150] =	vst v13  }
0x86: {  	v21 =	vadd.f32 v26, v21;
	v13 =	vld [tilespmem:s19+$0x2150];
	v26 =	vperm.xlane v24, v1  }
0x87: {  	v17 =	vld [tilespmem:s19+$0x2140]  }
0x88: {  	v27 =	vperm.xlane v21, v2;
	v24 =	vadd.f32 v26, v24  }
0x89: {  	v26 =	vld [tilespmem:s19+$0x4940]  }
0x8a: {  	v21 =	vadd.f32 v27, v21;
	v27 =	vperm.xlane v24, v2;
	v28 =	vpop (erf)  }
0x8b: {  	v23 =	vadd.f32 v23, v13;
	v12 =	vmul.f32 v28, v12  }
0x8c: {  	v29 =	vperm.xlane v21, v3;
	v14 =	vmul.f32 v28, v14;
	v25 =	vadd.f32 v25, v17  }
0x8d: {  	v24 =	vadd.f32 v27, v24;
	v22 =	vadd.f32 v22, v23;
	v23 =	vld [tilespmem:s19+$0x3560];
	[tilespmem:s18+$0x2160] =	vst v12  }
0x8e: {  	v21 =	vadd.f32 v29, v21;
	v25 =	vadd.f32 v26, v25;
	v12 =	vld [tilespmem:s19+$0x2160];
	[tilespmem:s18+$0x2170] =	vst v14  }
0x8f: {  	v29 =	vperm.xlane v24, v3;
	v26 =	vmul.f32 $2.000000030e-01, v22;
	v27 =	vld [tilespmem:s19+$0x4960]  }
0x90: {  	v21 =	vmax.f32 v21, $-6.000000000e+01;
	v30 =	vmul.f32 $2.000000030e-01, v25;
	v14 =	vld [tilespmem:s19+$0x2170]  }
0x91: {  	v21 =	vmin.f32 v21, $6.000000000e+01;
	v24 =	vadd.f32 v29, v24;
	v22 =	vmax.f32 v22, v26;
	v26 =	vld [tilespmem:s19+$0x3570]  }
0x92: {  	v21 =	vmul.f32 $1.442695020e+00, v21;
	v25 =	vmax.f32 v25, v30;
	v22 =	vmul.f32 v22, v9  }
0x93: {  	v24 =	vmax.f32 v24, $-6.000000000e+01;
	v25 =	vmul.f32 v25, v8;
	v23 =	vadd.f32 v23, v12;
	v29 =	vld [tilespmem:s19+$0x4970]  }
0x94: {  	v24 =	vmin.f32 v24, $6.000000000e+01;
	(erf) = vpow2.f32 v21  }
0x95: {  	v21 =	vadd.f32 v27, v23;
	v22 =	vadd.f32 v22, v25;
	v23 =	vmul.f32 $1.442695020e+00, v24  }
0x96: {  	v24 =	vadd.f32 v26, v14  }
0x97: {  	v25 =	vperm.xlane v22, v0;
	(erf) = vpow2.f32 v23  }
0x98: {  	v23 =	vmul.f32 $2.000000030e-01, v21;
	v24 =	vadd.f32 v29, v24  }
0x99: {  	v22 =	vadd.f32 v25, v22  }
0x9a: {  	v21 =	vmax.f32 v21, v23;
	v23 =	vmul.f32 $2.000000030e-01, v24  }
0x9b: {  	v27 =	vperm.xlane v22, v1  }
0x9c: {  	v21 =	vmul.f32 v21, v10;
	v26 =	vld [tilespmem:s19+$0x3520];
	v23 =	vmax.f32 v24, v23  }
0x9d: {  	v24 =	vld [tilespmem:s19+$0x4910];
	v23 =	vmul.f32 v23, v11;
	v22 =	vadd.f32 v27, v22;
	v25 =	vpop (erf)  }
0x9e: {  	v27 =	vld [tilespmem:s19+$0x3530];
	v18 =	vmul.f32 v25, v18;
	v19 =	vmul.f32 v25, v19;
	v25 =	vnsel vm0, $0x0, v25  }
0x9f: {  	v29 =	vld [tilespmem:s19+$0x3510];
	v30 =	vperm.xlane v22, v2;
	v21 =	vadd.f32 v23, v21  }
0xa0: {  	v25 =	vadd.f32 $0.0e+00, v25;
	v23 =	vld [tilespmem:s19+$0x3500];
	[tilespmem:s18+$0x2100] =	vst v18;
	v31 =	vpop (erf)  }
0xa1: {  	v18 =	vld [tilespmem:s19+$0x2100];
	v22 =	vadd.f32 v30, v22;
	v30 =	vperm.xlane v21, v0;
	[tilespmem:s18+$0x2110] =	vst v19;
	v16 =	vmul.f32 v31, v16  }
0xa2: {  	v15 =	vmul.f32 v31, v15;
	v31 =	vsel vm1, $0x0, v31;
	v19 =	vld [tilespmem:s19+$0x2110]  }
0xa3: {  	v25 =	vadd.f32 v31, v25;
	v32 =	vld [tilespmem:s19+$0x4900];
	v33 =	vperm.xlane v22, v3;
	v21 =	vadd.f32 v30, v21;
	[tilespmem:s18+$0x2130] =	vst v16  }
0xa4: {  	v20 =	vsel vm2, $0x0, v20;
	v16 =	vld [tilespmem:s19+$0x2130];
	[tilespmem:s18+$0x2120] =	vst v15  }
0xa5: {  	v20 =	vadd.f32 v20, v25;
	v15 =	vld [tilespmem:s19+$0x2120];
	v22 =	vadd.f32 v33, v22;
	v30 =	vperm.xlane v21, v1  }
0xa6: {  	v28 =	vsel vm3, $0x0, v28;
	v23 =	vadd.f32 v23, v18;
	v25 =	vld [tilespmem:s19+$0x4930]  }
0xa7: {  	v20 =	vadd.f32 v28, v20;
	v31 =	vld [tilespmem:s19+$0x4920];
	v22 =	vmax.f32 v22, $-6.000000000e+01;
	v21 =	vadd.f32 v30, v21  }
0xa8: {  	v28 =	vadd.f32 v29, v19;
	v23 =	vadd.f32 v32, v23;
	v22 =	vmin.f32 v22, $6.000000000e+01  }
0xa9: {  	v27 =	vadd.f32 v27, v16;
	v29 =	vperm.xlane v21, v2;
	[tilespmem:s18+$0x5D00] =	vst v20;
	s18 =	smov.u32 s19  }
0xaa: {  	v20 =	vadd.f32 v24, v28;
	v22 =	vmul.f32 $1.442695020e+00, v22;
	v24 =	vadd.f32 v26, v15  }
0xab: {  	v26 =	vmul.f32 $2.000000030e-01, v23;
	v25 =	vadd.f32 v25, v27;
	v21 =	vadd.f32 v29, v21  }
0xac: {  	v27 =	vmul.f32 $2.000000030e-01, v20;
	v24 =	vadd.f32 v31, v24;
	(erf) = vpow2.f32 v22  }
0xad: {  	v22 =	vmax.f32 v23, v26;
	v23 =	vperm.xlane v21, v3  }
0xae: {  	v20 =	vmax.f32 v20, v27;
	v27 =	vmul.f32 $2.000000030e-01, v25;
	v26 =	vmul.f32 $2.000000030e-01, v24  }
0xaf: {  	v22 =	vmul.f32 v22, v4;
	v20 =	vmul.f32 v20, v5;
	v23 =	vadd.f32 v23, v21  }
.Ltmp0:
0xb0: {  	v21 =	vmax.f32 v25, v27;
	v24 =	vmax.f32 v24, v26;
	(pc) =	sbr.rel @p0 .LBB2_3-.Ltmp0, $4  }
0xb1: {  	s19 =	sshra.s32 s14, $0x2;
	v27 =	vmul.f32 v21, v7;
	v21 =	vadd.f32 v20, v22;
	v20 =	vmax.f32 v23, $-6.000000000e+01  }
0xb2: {  	v24 =	vmul.f32 v24, v6;
	v22 =	vld [tilespmem:s19+$0x4950];
	v20 =	vmin.f32 v20, $6.000000000e+01  }
0xb3: {  	v25 =	vperm.xlane v21, v0;
	v23 =	vld [tilespmem:s19+$0x3550];
	v26 =	vmul.f32 $1.442695020e+00, v20  }
0xb4: {  	v24 =	vadd.f32 v27, v24  }
0xb5: {  	v20 =	vadd.f32 v25, v21  }
0xb6: {  	v34 =	vperm.xlane v24, v0  }
0xb7: {  	v21 =	vperm.xlane v20, v1  }
0xb8: {  	v24 =	vadd.f32 v34, v24  }
0xb9: {  	v21 =	vadd.f32 v21, v20  }
0xba: {  	v36 =	vperm.xlane v24, v1  }
0xbb: {  	v35 =	vperm.xlane v21, v2  }
0xbc: {  	v24 =	vadd.f32 v36, v24  }
0xbd: {  	(erf) = vpow2.f32 v26;
	v21 =	vadd.f32 v35, v21  }
0xbe: {  	v37 =	vperm.xlane v24, v2  }
0xbf: {  	v25 =	vperm.xlane v21, v3  }
0xc0: {  	v24 =	vadd.f32 v37, v24  }
0xc1: {  	v20 =	vpop (erf);
	v21 =	vadd.f32 v25, v21  }
0xc2: {  	v17 =	vmul.f32 v20, v17;
	v27 =	vperm.xlane v24, v3  }
0xc3: {  	v13 =	vmul.f32 v20, v13;
	v25 =	vmax.f32 v21, $-6.000000000e+01  }
0xc4: {  	[tilespmem:s18+$0x2140] =	vst v17;
	v25 =	vmin.f32 v25, $6.000000000e+01;
	v24 =	vadd.f32 v27, v24  }
0xc5: {  	v38 =	vld [tilespmem:s19+$0x3540];
	[tilespmem:s18+$0x2150] =	vst v13;
	v25 =	vmul.f32 $1.442695020e+00, v25  }
0xc6: {  	v13 =	vld [tilespmem:s19+$0x2150];
	v21 =	vpop (erf);
	v24 =	vmax.f32 v24, $-6.000000000e+01  }
0xc7: {  	v17 =	vld [tilespmem:s19+$0x2140];
	v12 =	vmul.f32 v21, v12;
	(erf) = vpow2.f32 v25;
	v39 =	vmin.f32 v24, $6.000000000e+01  }
0xc8: {  	v28 =	vld [tilespmem:s19+$0x4940];
	v14 =	vmul.f32 v21, v14;
	v41 =	vmul.f32 $1.442695020e+00, v39  }
0xc9: {  	v29 =	vld [tilespmem:s19+$0x3560];
	[tilespmem:s18+$0x2160] =	vst v12  }
0xca: {  	v12 =	vld [tilespmem:s19+$0x2160];
	[tilespmem:s18+$0x2170] =	vst v14;
	(erf) = vpow2.f32 v41  }
0xcb: {  	v40 =	vld [tilespmem:s19+$0x4960]  }
0xcc: {  	v14 =	vld [tilespmem:s19+$0x2170]  }
0xcd: {  	v42 =	vld [tilespmem:s19+$0x3570]  }
0xce: {  	v43 =	vld [tilespmem:s19+$0x4970]  }
0xcf: {  	v30 =	vld [tilespmem:s19+$0x3520]  }
0xd0: {  	v31 =	vld [tilespmem:s19+$0x4910];
	v32 =	vpop (erf)  }
0xd1: {  	v33 =	vld [tilespmem:s19+$0x3530];
	v18 =	vmul.f32 v32, v18  }
0xd2: {  	v23 =	vadd.f32 v23, v13;
	v34 =	vld [tilespmem:s19+$0x3510];
	v19 =	vmul.f32 v32, v19  }
0xd3: {  	v26 =	vadd.f32 v38, v17;
	v35 =	vld [tilespmem:s19+$0x3500];
	v49 =	vadd.f32 v42, v14;
	[tilespmem:s18+$0x2100] =	vst v18;
	v36 =	vpop (erf)  }
0xd4: {  	v22 =	vadd.f32 v22, v23;
	v18 =	vld [tilespmem:s19+$0x2100];
	[tilespmem:s18+$0x2110] =	vst v19;
	v16 =	vmul.f32 v36, v16  }
0xd5: {  	v44 =	vadd.f32 v28, v26;
	v23 =	vadd.f32 v43, v49;
	v15 =	vmul.f32 v36, v15;
	v19 =	vld [tilespmem:s19+$0x2110]  }
0xd6: {  	v45 =	vld [tilespmem:s19+$0x4900];
	[tilespmem:s18+$0x2130] =	vst v16  }
0xd7: {  	v28 =	vmul.f32 $2.000000030e-01, v44;
	v55 =	vmul.f32 $2.000000030e-01, v23;
	v37 =	vld [tilespmem:s19+$0x2130];
	[tilespmem:s18+$0x2120] =	vst v15  }
0xd8: {  	v46 =	vmul.f32 $2.000000030e-01, v22;
	v47 =	vadd.f32 v29, v12;
	v27 =	vld [tilespmem:s19+$0x2120]  }
0xd9: {  	v48 =	vmax.f32 v44, v28;
	v23 =	vmax.f32 v23, v55;
	v50 =	vld [tilespmem:s19+$0x4930]  }
0xda: {  	v16 =	vmax.f32 v22, v46;
	v15 =	vadd.f32 v40, v47;
	v52 =	vld [tilespmem:s19+$0x4920];
	v51 =	vadd.f32 v35, v18  }
0xdb: {  	v22 =	vmul.f32 v48, v8;
	v16 =	vmul.f32 v16, v9;
	v54 =	vadd.f32 v34, v19  }
0xdc: {  	v53 =	vmul.f32 $2.000000030e-01, v15;
	v25 =	vadd.f32 v45, v51;
	v33 =	vadd.f32 v33, v37  }
0xdd: {  	v23 =	vmul.f32 v23, v11;
	v56 =	vadd.f32 v31, v54;
	v57 =	vadd.f32 v30, v27  }
0xde: {  	v16 =	vadd.f32 v16, v22;
	v15 =	vmax.f32 v15, v53;
	v58 =	vmul.f32 $2.000000030e-01, v25  }
0xdf: {  	v24 =	vadd.f32 v50, v33;
	v60 =	vmul.f32 $2.000000030e-01, v56;
	v28 =	vadd.f32 v52, v57  }
0xe0: {  	v59 =	vperm.xlane v16, v0;
	v15 =	vmul.f32 v15, v10;
	v25 =	vmax.f32 v25, v58  }
0xe1: {  	v22 =	vmax.f32 v56, v60;
	v62 =	vmul.f32 $2.000000030e-01, v24;
	v61 =	vmul.f32 $2.000000030e-01, v28  }
0xe2: {  	v25 =	vmul.f32 v25, v4;
	v22 =	vmul.f32 v22, v5  }
0xe3: {  	v15 =	vadd.f32 v23, v15;
	v24 =	vmax.f32 v24, v62;
	v63 =	vmax.f32 v28, v61  }
0xe4: {  	v24 =	vmul.f32 v24, v7;
	v22 =	vadd.f32 v22, v25;
	v23 =	vmul.f32 v63, v6  }
0xe5: {  	v16 =	vadd.f32 v59, v16;
	v28 =	vperm.xlane v15, v0  }
0xe6: {  	v29 =	vperm.xlane v22, v0;
	v23 =	vadd.f32 v24, v23  }
0xe7: {  	v30 =	vperm.xlane v16, v1;
	v15 =	vadd.f32 v28, v15  }
0xe8: {  	v22 =	vadd.f32 v29, v22;
	v31 =	vperm.xlane v23, v0  }
0xe9: {  	v16 =	vadd.f32 v30, v16;
	v33 =	vperm.xlane v15, v1  }
0xea: {  	v26 =	vperm.xlane v22, v1;
	v23 =	vadd.f32 v31, v23  }
0xeb: {  	v34 =	vperm.xlane v16, v2;
	v15 =	vadd.f32 v33, v15  }
0xec: {  	v22 =	vadd.f32 v26, v22;
	v35 =	vperm.xlane v23, v1  }
0xed: {  	v16 =	vadd.f32 v34, v16;
	v38 =	vperm.xlane v15, v2  }
0xee: {  	v26 =	vperm.xlane v22, v2;
	v23 =	vadd.f32 v35, v23  }
0xef: {  	v39 =	vperm.xlane v16, v3;
	v15 =	vadd.f32 v38, v15  }
0xf0: {  	v22 =	vadd.f32 v26, v22;
	v40 =	vperm.xlane v23, v2  }
0xf1: {  	v16 =	vadd.f32 v39, v16;
	v41 =	vperm.xlane v15, v3  }
0xf2: {  	v26 =	vperm.xlane v22, v3;
	v23 =	vadd.f32 v40, v23  }
0xf3: {  	v16 =	vmax.f32 v16, $-6.000000000e+01;
	v15 =	vadd.f32 v41, v15  }
0xf4: {  	v16 =	vmin.f32 v16, $6.000000000e+01;
	v22 =	vadd.f32 v26, v22;
	v42 =	vperm.xlane v23, v3  }
0xf5: {  	v16 =	vmul.f32 $1.442695020e+00, v16;
	v15 =	vmax.f32 v15, $-6.000000000e+01  }
0xf6: {  	v15 =	vmin.f32 v15, $6.000000000e+01;
	v22 =	vmax.f32 v22, $-6.000000000e+01;
	v23 =	vadd.f32 v42, v23  }
0xf7: {  	v15 =	vmul.f32 $1.442695020e+00, v15;
	v22 =	vmin.f32 v22, $6.000000000e+01  }
0xf8: {  	(erf) = vpow2.f32 v16;
	v43 =	vmul.f32 $1.442695020e+00, v22;
	v44 =	vmax.f32 v23, $-6.000000000e+01  }
0xf9: {  	(erf) = vpow2.f32 v15;
	v45 =	vmin.f32 v44, $6.000000000e+01  }
0xfa: {  	(erf) = vpow2.f32 v43;
	v15 =	vmul.f32 $1.442695020e+00, v45  }
0xfb: {  	v46 =	vnsel vm0, $0x0, v32  }
0xfc: {  	v16 =	vadd.f32 $0.0e+00, v46;
	(erf) = vpow2.f32 v15  }
0xfd: {  	v47 =	vsel vm1, $0x0, v36  }
0xfe: {  	v15 =	vadd.f32 v47, v16  }
0xff: {  	v48 =	vsel vm2, $0x0, v20  }
0x100: {  	v15 =	vadd.f32 v48, v15  }
0x101: {  	v50 =	vsel vm3, $0x0, v21;
	v49 =	vpop (erf)  }
0x102: {  	v51 =	vpop (erf);
	v15 =	vadd.f32 v50, v15  }
0x103: {  	v17 =	vmul.f32 v49, v17;
	v52 =	vpop (erf)  }
0x104: {  	v13 =	vmul.f32 v49, v13;
	[tilespmem:s18+$0x5D00] =	vst v15;
	v53 =	vnsel vm0, $0x0, v52  }
0x105: {  	v12 =	vmul.f32 v51, v12;
	[tilespmem:s19+$0x2140] =	vst v17;
	v15 =	vadd.f32 $0.0e+00, v53;
	v54 =	vpop (erf)  }
0x106: {  	v55 =	vmul.f32 v51, v14;
	[tilespmem:s19+$0x2150] =	vst v13;
	v56 =	vsel vm1, $0x0, v54  }
0x107: {  	[tilespmem:s19+$0x2160] =	vst v12;
	v57 =	vmul.f32 v52, v18;
	v14 =	vadd.f32 v56, v15  }
0x108: {  	v59 =	vsel vm2, $0x0, v49;
	[tilespmem:s19+$0x2170] =	vst v55;
	v58 =	vmul.f32 v52, v19  }
0x109: {  	[tilespmem:s19+$0x2100] =	vst v57;
	v60 =	vmul.f32 v54, v37;
	v14 =	vadd.f32 v59, v14  }
0x10a: {  	v62 =	vsel vm3, $0x0, v51;
	[tilespmem:s19+$0x2110] =	vst v58;
	v61 =	vmul.f32 v54, v27  }
0x10b: {  	[tilespmem:s19+$0x2130] =	vst v60;
	v63 =	vadd.f32 v62, v14  }
0x10c: {  	[tilespmem:s19+$0x2120] =	vst v61  }
0x10d: {  	[tilespmem:s19+$0x5D00] =	vst v63  }
0x10e: {  	[spmem:s2] =	stream.indirect.scatter.add.f32 [tilespmem:s29], [sflag:$0x3], $0x80, s15, s28, $0xb8;
	[tilespmem:$0x1C180] =	vst v63  }
0x10f: {  	s11 =	sadd.s32 $0x1, s11  }
0x110: {  	[spmem:s2] =	stream.indirect.scatter.add.f32 [tilespmem:s22], [sflag:$0x4], $0x80, s17, s28, $0xb8;
	[tilespmem:$0x1C180] =	vst v63  }
0x111: {  	p0 =	sne.s32 s11, $0x1F4;
	_ =	swait.ge [sflag:s0], $0x1400  }
.Ltmp1:
0x112: {  	[sflag:s0] =	ssyncset.done $0x0;
	(pc) =	sbr.rel @p0 .LBB2_2-.Ltmp1, $4  }
0x113: {  	[sflag:s0] =	ssyncadd.s32 $0xFFFFEC00  }
0x114: {  	_ =	swait.ge [sflag:s4], $0x1400  }
0x115: {  	[sflag:s4] =	ssyncset.done $0x0  }
0x116: {  	[sflag:s4] =	ssyncadd.s32 $0xFFFFEC00  }
0x117: {  	[bflag:$0x0] =	sbarrier.arrive $0xFFFF  }
0x118: {  	s11 =	rddreg [dreg:$0x6]  }
0x119: {  	s18 =	rddreg [dreg:$0x8]  }
0x11a: {  	[hbm:s11], [sflag:s20] =	dma.local [spmem:s18], $0x2A00  }
0x11b: {  	_ =	swait.ge [sflag:s21], $0x2A00  }
0x11c: {  	s14 =	smov.u32 s20;
	s3 =	sadd.s32 $0x1, s3;
	s20 =	rddreg [dreg:$0x7]  }
0x11d: {  	p0 =	sne.s32 s3, s20  }
.Ltmp2:
0x11e: {  	_ = 	snop;
	(pc) =	sbr.rel @p0 .LBB2_1-.Ltmp2, $3  }
0x11f: {  	_ =	sdelay $0x1  }
0x120: {  	[sflag:s21] =	ssyncset.done $0x0  }
0x121: {  	[sflag:s21] =	ssyncadd.s32 $0xFFFFD600  }
0x122: {  	_ =	sfence.sel $0x180000  }
0x123: {  	[bflag:$0x0] =	sbarrier.arrive $0xFFFF  }
0x124: {  	_ =	strace $0x90000047  }
0x125: {  	s0 =	stileid.u32;
	[bflag:$0x2] =	sbarrier.arrive $0xFFFF  }
0x126: {  	p0 =	sne.s32 s0, $0x0;
	s0 =	rddreg [dreg:$0x3]  }
0x127: {  	s0 =	sadd.s32 @!p0 $0x100000, s0  }
0x128: {  	[sflag:s0] =	ssyncadd.tile.s32 @!p0 $0x1;
	_ =	shalt  }
.Lfunc_end2:
_tile_overlayer_lowered:
.L_overlay_start_2:
0x129: {  	(tag) =	ssettag $0x2  }
0x12a: {  	s0 =	rddreg [dreg:$0x0];
	s2 =	stileid.u32  }
0x12b: {  	s1 =	rddreg [dreg:$0x1];
	p0 =	sne.s32 s2, $0x0  }
0x12c: {  	s3 =	rddreg [dreg:$0x2];
	[bflag:$0x3] =	sbarrier.arrive $0xFFFF;
	s2 =	simm.s32 @!p0 $0x1C06  }
0x12d: {  	[timem:s3], [sflag:s2] =	dma.local @!p0 [hbm:s0], s1  }
0x12e: {  	s0 =	simm.s32 @!p0 $0x6  }
0x12f: {  	_ =	swait.ge @!p0 [sflag:s0], s1  }
0x130: {  	s1 =	ssub.s32 @!p0 $0x0, s1;
	[sflag:s0] =	ssyncset.done @!p0 $0x0  }
0x131: {  	[sflag:s0] =	ssyncadd.s32 @!p0 s1  }
0x132: {  	[bflag:$0x3] =	sbarrier.arrive $0xFFFF  }
0x133: {  	_ =	shalt  }

</sc_bundles>
